<compile_context>
chip_gen: v7x
topology: tpu7x:2x2x1
jax: 0.10.2.dev20260603
libtpu: 0.0.44.dev20260713+nightly
codegen_flags: <defaults>
</compile_context>

<pallas_src>
import jax
import jax.numpy as jnp
from jax import lax
from jax.experimental import pallas as pl
from jax.experimental.pallas import tpu as pltpu
from jax.experimental.pallas import tpu_sc as plsc

_VEL_MAX_NORM = 1.0
_CTRL_MAX_NORM = 127.0

_B, _T, _D = 4096, 200, 128
_NFLAT = _B * _T * 2
_NC, _NS, _LANES = 2, 16, 16
_NW = _NC * _NS
_NBLK = _B // _D
_PER_W = _NFLAT // _NW
_ROWS_PER_B = 2 * _T
_CHUNK = 256
_NCHUNK = _PER_W // _CHUNK
_STREAM = 128
_SPC = -(-_CHUNK // _STREAM)
_GPC = _CHUNK // _LANES
_STAGE_WAVE = 8
_NWAVE = _T // _STAGE_WAVE


def _prescale_body(wv_ref, wc_ref, out_ref):
    wv = wv_ref[...]
    nv = jnp.max(jnp.abs(wv), axis=1, keepdims=True)
    sv = jnp.where(nv > _VEL_MAX_NORM,
                   _VEL_MAX_NORM / jnp.maximum(nv, 1e-12), 1.0)
    out_ref[0:_D, :] = wv * sv
    wc = wc_ref[...]
    nc = jnp.max(jnp.abs(wc), axis=1, keepdims=True)
    sc = jnp.where(nc > _CTRL_MAX_NORM,
                   _CTRL_MAX_NORM / jnp.maximum(nc, 1e-12), 1.0)
    out_ref[_D:2 * _D, :] = wc * sc


def _prescale(w_vel, w_ctrl):
    return pl.pallas_call(
        _prescale_body,
        out_shape=jax.ShapeDtypeStruct((2 * _D, _D), jnp.float32),
    )(w_vel, w_ctrl)


def _gather_body(table_hbm, x1d_hbm, out_hbm, idx_v, cbuf, rows_v,
                 shared_tbl, sem0, sem1, semw0, semw1, semst, semtb):
    sems = (sem0, sem1)
    semws = (semw0, semw1)
    sid = lax.axis_index("s")
    wid = sid * _NC + lax.axis_index("c")
    base_row = wid * _PER_W

    @pl.when(sid == 0)
    def _():
        pltpu.async_copy(table_hbm, shared_tbl, semtb)

    def _fire_wave(wv):
        t0 = wv * _STAGE_WAVE
        for u in range(_STAGE_WAVE):
            t = t0 + u
            pltpu.async_copy(
                x1d_hbm.at[pl.ds((t * _NBLK + wid) * 2 * _D, 2 * _D)],
                idx_v.at[pl.ds(t * 2 * _D, 2 * _D)], semst)

    def _wait_wave(wv):
        t0 = wv * _STAGE_WAVE
        for u in range(_STAGE_WAVE):
            t = t0 + u
            pltpu.make_async_copy(
                x1d_hbm.at[pl.ds((t * _NBLK + wid) * 2 * _D, 2 * _D)],
                idx_v.at[pl.ds(t * 2 * _D, 2 * _D)], semst).wait()

    _fire_wave(0)

    def _stage_wave(wv, _):
        @pl.when(wv + 1 < _NWAVE)
        def _():
            _fire_wave(wv + 1)

        _wait_wave(wv)
        return 0

    lax.fori_loop(0, _NWAVE, _stage_wave, 0)

    @pl.when(sid == 0)
    def _():
        pltpu.make_async_copy(table_hbm, shared_tbl, semtb).wait()

    plsc.subcore_barrier()

    stride_vec = lax.iota(jnp.int32, _LANES) * _D
    bias_vec = (lax.iota(jnp.int32, _LANES) % 2) * _D

    def _prep(c, b):
        for g in range(_GPC):
            r0 = c * _CHUNK + g * _LANES
            b_local = r0 // _ROWS_PER_B
            k0 = r0 % _ROWS_PER_B
            pos = stride_vec + (k0 * _D + b_local)
            cbuf[b, pl.ds(g * _LANES, _LANES)] = (
                plsc.load_gather(idx_v, [pos]) + bias_vec)
        for j in range(_SPC):
            off = j * _STREAM
            n = min(_STREAM, _CHUNK - off)
            pltpu.async_copy(
                shared_tbl.at[cbuf.at[b].at[pl.ds(off, n)]],
                rows_v.at[b].at[pl.ds(off, n)],
                sems[b])

    _prep(0, 0)

    def _wait_write(c, b):
        pltpu.make_async_copy(
            rows_v.at[b],
            out_hbm.at[pl.ds(base_row + c * _CHUNK, _CHUNK)],
            semws[b],
        ).wait()

    def _outer(gg, _):
        for b in range(2):
            c = gg * 2 + b

            @pl.when(c >= 1)
            def _():
                _wait_write(c - 1, 1 - b)

            @pl.when(c + 1 < _NCHUNK)
            def _():
                _prep(c + 1, 1 - b)

            pltpu.make_async_copy(
                out_hbm.at[pl.ds(base_row + c * _CHUNK, _CHUNK)],
                rows_v.at[b], sems[b],
            ).wait()
            pltpu.async_copy(rows_v.at[b],
                             out_hbm.at[pl.ds(base_row + c * _CHUNK, _CHUNK)],
                             semws[b])
        return 0

    lax.fori_loop(0, _NCHUNK // 2, _outer, 0)
    _wait_write(_NCHUNK - 1, 1)


def _gather(table, x1d):
    mesh = plsc.VectorSubcoreMesh(core_axis_name="c", subcore_axis_name="s")
    return pl.kernel(
        _gather_body,
        out_type=jax.ShapeDtypeStruct((_NFLAT, _D), jnp.float32),
        mesh=mesh,
        compiler_params=pltpu.CompilerParams(needs_layout_passes=False),
        scratch_types=[
            pltpu.VMEM((_PER_W,), jnp.int32),
            pltpu.VMEM((2, _CHUNK), jnp.int32),
            pltpu.VMEM((2, _CHUNK, _D), jnp.float32),
            pltpu.VMEM_SHARED((2 * _D, _D), jnp.float32),
            pltpu.SemaphoreType.DMA,
            pltpu.SemaphoreType.DMA,
            pltpu.SemaphoreType.DMA,
            pltpu.SemaphoreType.DMA,
            pltpu.SemaphoreType.DMA,
            pltpu.SemaphoreType.DMA,
        ],
    )(table, x1d)


def kernel(x, W_vel, W_ctrl):
    table = _prescale(W_vel, W_ctrl)
    x1d = x.reshape(_NBLK, _D, _T, 2).transpose(2, 0, 3, 1).reshape(_NFLAT)
    out = _gather(table, x1d)
    return out.reshape(_B, _T, 2, _D)

# --- scband reference (transcript-rebuilt; emitter-appended) ---
"""Pipeline reference for scband-time-step-embedding-2808908612272 (READ-ONLY COPY).

The authoritative reference and input builder live on the scoring server;
editing this copy changes nothing except your own understanding.
"""

import jax, jax.numpy as jnp
import numpy as np

VEL_MAX_NORM = 1.0
CTRL_MAX_NORM = 127.0


def _embed_maxnorm_inf(table, idx, max_norm):
    # torch.nn.Embedding with max_norm + norm_type=inf renormalizes looked-up rows
    # so that their inf-norm does not exceed max_norm.
    emb = jnp.take(table, idx, axis=0)
    norms = jnp.max(jnp.abs(emb), axis=-1, keepdims=True)
    scale = jnp.where(norms > max_norm, max_norm / jnp.maximum(norms, 1e-12), 1.0)
    return emb * scale


def setup_inputs(seed: int = 0) -> dict:
    key = jax.random.key(seed)
    k1, k2, k3 = jax.random.split(key, 3)
    # x[:, :, 0] indexes the velocity dictionary, x[:, :, 1] the control dictionary
    x = jax.random.randint(k1, (4096, 200, 2), 0, 128, dtype=jnp.int32)
    W_vel = jax.random.normal(k2, (128, 128), dtype=jnp.float32)
    W_ctrl = jax.random.normal(k3, (128, 128), dtype=jnp.float32)
    return {"x": x, "W_vel": W_vel, "W_ctrl": W_ctrl}


def reference(x, W_vel, W_ctrl):
    vel_emb = _embed_maxnorm_inf(W_vel, x[:, :, 0:1], VEL_MAX_NORM)    # [B, T, 1, D]
    ctrl_emb = _embed_maxnorm_inf(W_ctrl, x[:, :, 1:2], CTRL_MAX_NORM)  # [B, T, 1, D]
    return jnp.concatenate((vel_emb, ctrl_emb), axis=2)                 # [B, T, 2, D]

if __name__ == "__main__":
    import jax
    _d = setup_inputs()
    print(jax.jit(kernel)(*tuple(_d.values())))

</pallas_src>

<mosaic_0001>
#map = affine_map<(d0, d1) -> (0, 0)>
#map1 = affine_map<(d0, d1) -> (0)>
module attributes {stable_mosaic.version = 14 : i64} {
  func.func @_gather_body(%arg0: i32, %arg1: i32, %arg2: memref<256x128xf32, #tpu.memory_space<hbm>>, %arg3: memref<1638400xi32, #tpu.memory_space<hbm>>, %arg4: memref<1638400x128xf32, #tpu.memory_space<hbm>>, %arg5: memref<51200xi32, #tpu.memory_space<vmem>>, %arg6: memref<2x256xi32, #tpu.memory_space<vmem>>, %arg7: memref<2x256x128xf32, #tpu.memory_space<vmem>>, %arg8: memref<256x128xf32, #tpu.memory_space<vmem_shared>>, %arg9: memref<!tpu.dma_semaphore, #tpu.memory_space<semaphore_mem>>, %arg10: memref<!tpu.dma_semaphore, #tpu.memory_space<semaphore_mem>>, %arg11: memref<!tpu.dma_semaphore, #tpu.memory_space<semaphore_mem>>, %arg12: memref<!tpu.dma_semaphore, #tpu.memory_space<semaphore_mem>>, %arg13: memref<!tpu.dma_semaphore, #tpu.memory_space<semaphore_mem>>, %arg14: memref<!tpu.dma_semaphore, #tpu.memory_space<semaphore_mem>>) attributes {dimension_semantics = [#tpu.dimension_semantics<core_parallel>, #tpu.dimension_semantics<subcore_parallel>], iteration_bounds = array<i64: 2, 16>, scalar_prefetch = 0 : i64, scratch_operands = 10 : i64, tpu.core_type = #tpu.core_type<sc_vector_subcore>, window_params = [{transform_indices = #map}, {transform_indices = #map1}, {transform_indices = #map}]} {
    %mul3A = arith.constant 2 : i32
    %mul3A_0 = arith.muli %arg1, %mul3A : i32
    %add3A = arith.addi %mul3A_0, %arg0 : i32
    %mul3A_1 = arith.constant 51200 : i32
    %mul3A_2 = arith.muli %add3A, %mul3A_1 : i32
    %eq3A = arith.constant 0 : i32
    %eq3A_3 = arith.cmpi eq, %arg1, %eq3A : i32
    %convert_element_type3A = arith.extui %eq3A_3 : i1 to i32
    %cond3A = arith.constant 0 : i32
    %cond3A_4 = arith.cmpi ne, %convert_element_type3A, %cond3A : i32
    scf.if %cond3A_4 {
      tpu.enqueue_dma source(%arg2 : memref<256x128xf32, #tpu.memory_space<hbm>>) target(%arg8 : memref<256x128xf32, #tpu.memory_space<vmem_shared>>) target_semaphore(%arg14 : memref<!tpu.dma_semaphore, #tpu.memory_space<semaphore_mem>>)
    } else {
    }
    %add3A_5 = arith.constant 0 : i32
    %add3A_6 = arith.addi %add3A_5, %add3A : i32
    %mul3A_7 = arith.constant 2 : i32
    %mul3A_8 = arith.muli %add3A_6, %mul3A_7 : i32
    %mul3A_9 = arith.constant 128 : i32
    %mul3A_10 = arith.muli %mul3A_8, %mul3A_9 : i32
    %dma_start3A = arith.constant 0 : i32
    %dma_start3A_11 = tpu.memref_slice %arg5[%dma_start3A] : memref<51200xi32, #tpu.memory_space<vmem>> -> memref<256xi32, #tpu.memory_space<vmem>>
    %dma_start3A_12 = tpu.memref_slice %arg3[%mul3A_10] : memref<1638400xi32, #tpu.memory_space<hbm>> -> memref<256xi32, #tpu.memory_space<hbm>>
    %dma_start3A_13 = arith.constant 0 : i32
    %dma_start3A_14 = tpu.memref_slice %arg5[%dma_start3A_13] : memref<51200xi32, #tpu.memory_space<vmem>> -> memref<256xi32, #tpu.memory_space<vmem>>
    %dma_start3A_15 = tpu.memref_slice %arg3[%mul3A_10] : memref<1638400xi32, #tpu.memory_space<hbm>> -> memref<256xi32, #tpu.memory_space<hbm>>
    tpu.enqueue_dma source(%dma_start3A_15 : memref<256xi32, #tpu.memory_space<hbm>>) target(%dma_start3A_14 : memref<256xi32, #tpu.memory_space<vmem>>) target_semaphore(%arg13 : memref<!tpu.dma_semaphore, #tpu.memory_space<semaphore_mem>>)
    %add3A_16 = arith.constant 32 : i32
    %add3A_17 = arith.addi %add3A_16, %add3A : i32
    %mul3A_18 = arith.constant 2 : i32
    %mul3A_19 = arith.muli %add3A_17, %mul3A_18 : i32
    %mul3A_20 = arith.constant 128 : i32
    %mul3A_21 = arith.muli %mul3A_19, %mul3A_20 : i32
    %dma_start3A_22 = arith.constant 256 : i32
    %dma_start3A_23 = tpu.memref_slice %arg5[%dma_start3A_22] : memref<51200xi32, #tpu.memory_space<vmem>> -> memref<256xi32, #tpu.memory_space<vmem>>
    %dma_start3A_24 = tpu.memref_slice %arg3[%mul3A_21] : memref<1638400xi32, #tpu.memory_space<hbm>> -> memref<256xi32, #tpu.memory_space<hbm>>
    %dma_start3A_25 = arith.constant 256 : i32
    %dma_start3A_26 = tpu.memref_slice %arg5[%dma_start3A_25] : memref<51200xi32, #tpu.memory_space<vmem>> -> memref<256xi32, #tpu.memory_space<vmem>>
    %dma_start3A_27 = tpu.memref_slice %arg3[%mul3A_21] : memref<1638400xi32, #tpu.memory_space<hbm>> -> memref<256xi32, #tpu.memory_space<hbm>>
    tpu.enqueue_dma source(%dma_start3A_27 : memref<256xi32, #tpu.memory_space<hbm>>) target(%dma_start3A_26 : memref<256xi32, #tpu.memory_space<vmem>>) target_semaphore(%arg13 : memref<!tpu.dma_semaphore, #tpu.memory_space<semaphore_mem>>)
    %add3A_28 = arith.constant 64 : i32
    %add3A_29 = arith.addi %add3A_28, %add3A : i32
    %mul3A_30 = arith.constant 2 : i32
    %mul3A_31 = arith.muli %add3A_29, %mul3A_30 : i32
    %mul3A_32 = arith.constant 128 : i32
    %mul3A_33 = arith.muli %mul3A_31, %mul3A_32 : i32
    %dma_start3A_34 = arith.constant 512 : i32
    %dma_start3A_35 = tpu.memref_slice %arg5[%dma_start3A_34] : memref<51200xi32, #tpu.memory_space<vmem>> -> memref<256xi32, #tpu.memory_space<vmem>>
    %dma_start3A_36 = tpu.memref_slice %arg3[%mul3A_33] : memref<1638400xi32, #tpu.memory_space<hbm>> -> memref<256xi32, #tpu.memory_space<hbm>>
    %dma_start3A_37 = arith.constant 512 : i32
    %dma_start3A_38 = tpu.memref_slice %arg5[%dma_start3A_37] : memref<51200xi32, #tpu.memory_space<vmem>> -> memref<256xi32, #tpu.memory_space<vmem>>
    %dma_start3A_39 = tpu.memref_slice %arg3[%mul3A_33] : memref<1638400xi32, #tpu.memory_space<hbm>> -> memref<256xi32, #tpu.memory_space<hbm>>
    tpu.enqueue_dma source(%dma_start3A_39 : memref<256xi32, #tpu.memory_space<hbm>>) target(%dma_start3A_38 : memref<256xi32, #tpu.memory_space<vmem>>) target_semaphore(%arg13 : memref<!tpu.dma_semaphore, #tpu.memory_space<semaphore_mem>>)
    %add3A_40 = arith.constant 96 : i32
    %add3A_41 = arith.addi %add3A_40, %add3A : i32
    %mul3A_42 = arith.constant 2 : i32
    %mul3A_43 = arith.muli %add3A_41, %mul3A_42 : i32
    %mul3A_44 = arith.constant 128 : i32
    %mul3A_45 = arith.muli %mul3A_43, %mul3A_44 : i32
    %dma_start3A_46 = arith.constant 768 : i32
    %dma_start3A_47 = tpu.memref_slice %arg5[%dma_start3A_46] : memref<51200xi32, #tpu.memory_space<vmem>> -> memref<256xi32, #tpu.memory_space<vmem>>
    %dma_start3A_48 = tpu.memref_slice %arg3[%mul3A_45] : memref<1638400xi32, #tpu.memory_space<hbm>> -> memref<256xi32, #tpu.memory_space<hbm>>
    %dma_start3A_49 = arith.constant 768 : i32
    %dma_start3A_50 = tpu.memref_slice %arg5[%dma_start3A_49] : memref<51200xi32, #tpu.memory_space<vmem>> -> memref<256xi32, #tpu.memory_space<vmem>>
    %dma_start3A_51 = tpu.memref_slice %arg3[%mul3A_45] : memref<1638400xi32, #tpu.memory_space<hbm>> -> memref<256xi32, #tpu.memory_space<hbm>>
    tpu.enqueue_dma source(%dma_start3A_51 : memref<256xi32, #tpu.memory_space<hbm>>) target(%dma_start3A_50 : memref<256xi32, #tpu.memory_space<vmem>>) target_semaphore(%arg13 : memref<!tpu.dma_semaphore, #tpu.memory_space<semaphore_mem>>)
    %add3A_52 = arith.constant 128 : i32
    %add3A_53 = arith.addi %add3A_52, %add3A : i32
    %mul3A_54 = arith.constant 2 : i32
    %mul3A_55 = arith.muli %add3A_53, %mul3A_54 : i32
    %mul3A_56 = arith.constant 128 : i32
    %mul3A_57 = arith.muli %mul3A_55, %mul3A_56 : i32
    %dma_start3A_58 = arith.constant 1024 : i32
    %dma_start3A_59 = tpu.memref_slice %arg5[%dma_start3A_58] : memref<51200xi32, #tpu.memory_space<vmem>> -> memref<256xi32, #tpu.memory_space<vmem>>
    %dma_start3A_60 = tpu.memref_slice %arg3[%mul3A_57] : memref<1638400xi32, #tpu.memory_space<hbm>> -> memref<256xi32, #tpu.memory_space<hbm>>
    %dma_start3A_61 = arith.constant 1024 : i32
    %dma_start3A_62 = tpu.memref_slice %arg5[%dma_start3A_61] : memref<51200xi32, #tpu.memory_space<vmem>> -> memref<256xi32, #tpu.memory_space<vmem>>
    %dma_start3A_63 = tpu.memref_slice %arg3[%mul3A_57] : memref<1638400xi32, #tpu.memory_space<hbm>> -> memref<256xi32, #tpu.memory_space<hbm>>
    tpu.enqueue_dma source(%dma_start3A_63 : memref<256xi32, #tpu.memory_space<hbm>>) target(%dma_start3A_62 : memref<256xi32, #tpu.memory_space<vmem>>) target_semaphore(%arg13 : memref<!tpu.dma_semaphore, #tpu.memory_space<semaphore_mem>>)
    %add3A_64 = arith.constant 160 : i32
    %add3A_65 = arith.addi %add3A_64, %add3A : i32
    %mul3A_66 = arith.constant 2 : i32
    %mul3A_67 = arith.muli %add3A_65, %mul3A_66 : i32
    %mul3A_68 = arith.constant 128 : i32
    %mul3A_69 = arith.muli %mul3A_67, %mul3A_68 : i32
    %dma_start3A_70 = arith.constant 1280 : i32
    %dma_start3A_71 = tpu.memref_slice %arg5[%dma_start3A_70] : memref<51200xi32, #tpu.memory_space<vmem>> -> memref<256xi32, #tpu.memory_space<vmem>>
    %dma_start3A_72 = tpu.memref_slice %arg3[%mul3A_69] : memref<1638400xi32, #tpu.memory_space<hbm>> -> memref<256xi32, #tpu.memory_space<hbm>>
    %dma_start3A_73 = arith.constant 1280 : i32
    %dma_start3A_74 = tpu.memref_slice %arg5[%dma_start3A_73] : memref<51200xi32, #tpu.memory_space<vmem>> -> memref<256xi32, #tpu.memory_space<vmem>>
    %dma_start3A_75 = tpu.memref_slice %arg3[%mul3A_69] : memref<1638400xi32, #tpu.memory_space<hbm>> -> memref<256xi32, #tpu.memory_space<hbm>>
    tpu.enqueue_dma source(%dma_start3A_75 : memref<256xi32, #tpu.memory_space<hbm>>) target(%dma_start3A_74 : memref<256xi32, #tpu.memory_space<vmem>>) target_semaphore(%arg13 : memref<!tpu.dma_semaphore, #tpu.memory_space<semaphore_mem>>)
    %add3A_76 = arith.constant 192 : i32
    %add3A_77 = arith.addi %add3A_76, %add3A : i32
    %mul3A_78 = arith.constant 2 : i32
    %mul3A_79 = arith.muli %add3A_77, %mul3A_78 : i32
    %mul3A_80 = arith.constant 128 : i32
    %mul3A_81 = arith.muli %mul3A_79, %mul3A_80 : i32
    %dma_start3A_82 = arith.constant 1536 : i32
    %dma_start3A_83 = tpu.memref_slice %arg5[%dma_start3A_82] : memref<51200xi32, #tpu.memory_space<vmem>> -> memref<256xi32, #tpu.memory_space<vmem>>
    %dma_start3A_84 = tpu.memref_slice %arg3[%mul3A_81] : memref<1638400xi32, #tpu.memory_space<hbm>> -> memref<256xi32, #tpu.memory_space<hbm>>
    %dma_start3A_85 = arith.constant 1536 : i32
    %dma_start3A_86 = tpu.memref_slice %arg5[%dma_start3A_85] : memref<51200xi32, #tpu.memory_space<vmem>> -> memref<256xi32, #tpu.memory_space<vmem>>
    %dma_start3A_87 = tpu.memref_slice %arg3[%mul3A_81] : memref<1638400xi32, #tpu.memory_space<hbm>> -> memref<256xi32, #tpu.memory_space<hbm>>
    tpu.enqueue_dma source(%dma_start3A_87 : memref<256xi32, #tpu.memory_space<hbm>>) target(%dma_start3A_86 : memref<256xi32, #tpu.memory_space<vmem>>) target_semaphore(%arg13 : memref<!tpu.dma_semaphore, #tpu.memory_space<semaphore_mem>>)
    %add3A_88 = arith.constant 224 : i32
    %add3A_89 = arith.addi %add3A_88, %add3A : i32
    %mul3A_90 = arith.constant 2 : i32
    %mul3A_91 = arith.muli %add3A_89, %mul3A_90 : i32
    %mul3A_92 = arith.constant 128 : i32
    %mul3A_93 = arith.muli %mul3A_91, %mul3A_92 : i32
    %dma_start3A_94 = arith.constant 1792 : i32
    %dma_start3A_95 = tpu.memref_slice %arg5[%dma_start3A_94] : memref<51200xi32, #tpu.memory_space<vmem>> -> memref<256xi32, #tpu.memory_space<vmem>>
    %dma_start3A_96 = tpu.memref_slice %arg3[%mul3A_93] : memref<1638400xi32, #tpu.memory_space<hbm>> -> memref<256xi32, #tpu.memory_space<hbm>>
    %dma_start3A_97 = arith.constant 1792 : i32
    %dma_start3A_98 = tpu.memref_slice %arg5[%dma_start3A_97] : memref<51200xi32, #tpu.memory_space<vmem>> -> memref<256xi32, #tpu.memory_space<vmem>>
    %dma_start3A_99 = tpu.memref_slice %arg3[%mul3A_93] : memref<1638400xi32, #tpu.memory_space<hbm>> -> memref<256xi32, #tpu.memory_space<hbm>>
    tpu.enqueue_dma source(%dma_start3A_99 : memref<256xi32, #tpu.memory_space<hbm>>) target(%dma_start3A_98 : memref<256xi32, #tpu.memory_space<vmem>>) target_semaphore(%arg13 : memref<!tpu.dma_semaphore, #tpu.memory_space<semaphore_mem>>)
    %scan3A = arith.constant 0 : i32
    %scan3A_100 = arith.constant 0 : i32
    %scan3A_101 = arith.constant 25 : i32
    %scan3A_102 = arith.addi %scan3A_100, %scan3A_101 : i32
    %scan3A_103 = arith.constant 1 : i32
    %scan3A_104 = scf.for %scan3A_331 = %scan3A_100 to %scan3A_102 step %scan3A_103 iter_args(%scan3A_332 = %scan3A) -> (i32)  : i32 {
      %add3A_333 = arith.constant 1 : i32
      %add3A_334 = arith.addi %scan3A_331, %add3A_333 : i32
      %lt3A_335 = arith.constant 25 : i32
      %lt3A_336 = arith.cmpi slt, %add3A_334, %lt3A_335 : i32
      %convert_element_type3A_337 = arith.extui %lt3A_336 : i1 to i32
      %cond3A_338 = arith.constant 0 : i32
      %cond3A_339 = arith.cmpi ne, %convert_element_type3A_337, %cond3A_338 : i32
      scf.if %cond3A_339 {
        %add3A_479 = arith.constant 1 : i32
        %add3A_480 = arith.addi %scan3A_331, %add3A_479 : i32
        %mul3A_481 = arith.constant 8 : i32
        %mul3A_482 = arith.muli %add3A_480, %mul3A_481 : i32
        %add3A_483 = arith.constant 0 : i32
        %add3A_484 = arith.addi %mul3A_482, %add3A_483 : i32
        %mul3A_485 = arith.constant 32 : i32
        %mul3A_486 = arith.muli %add3A_484, %mul3A_485 : i32
        %add3A_487 = arith.addi %mul3A_486, %add3A : i32
        %mul3A_488 = arith.constant 2 : i32
        %mul3A_489 = arith.muli %add3A_487, %mul3A_488 : i32
        %mul3A_490 = arith.constant 128 : i32
        %mul3A_491 = arith.muli %mul3A_489, %mul3A_490 : i32
        %mul3A_492 = arith.constant 2 : i32
        %mul3A_493 = arith.muli %add3A_484, %mul3A_492 : i32
        %mul3A_494 = arith.constant 128 : i32
        %mul3A_495 = arith.muli %mul3A_493, %mul3A_494 : i32
        %dma_start3A_496 = tpu.memref_slice %arg5[%mul3A_495] : memref<51200xi32, #tpu.memory_space<vmem>> -> memref<256xi32, #tpu.memory_space<vmem>>
        %dma_start3A_497 = tpu.memref_slice %arg3[%mul3A_491] : memref<1638400xi32, #tpu.memory_space<hbm>> -> memref<256xi32, #tpu.memory_space<hbm>>
        %dma_start3A_498 = tpu.memref_slice %arg5[%mul3A_495] : memref<51200xi32, #tpu.memory_space<vmem>> -> memref<256xi32, #tpu.memory_space<vmem>>
        %dma_start3A_499 = tpu.memref_slice %arg3[%mul3A_491] : memref<1638400xi32, #tpu.memory_space<hbm>> -> memref<256xi32, #tpu.memory_space<hbm>>
        tpu.enqueue_dma source(%dma_start3A_499 : memref<256xi32, #tpu.memory_space<hbm>>) target(%dma_start3A_498 : memref<256xi32, #tpu.memory_space<vmem>>) target_semaphore(%arg13 : memref<!tpu.dma_semaphore, #tpu.memory_space<semaphore_mem>>)
        %add3A_500 = arith.constant 1 : i32
        %add3A_501 = arith.addi %mul3A_482, %add3A_500 : i32
        %mul3A_502 = arith.constant 32 : i32
        %mul3A_503 = arith.muli %add3A_501, %mul3A_502 : i32
        %add3A_504 = arith.addi %mul3A_503, %add3A : i32
        %mul3A_505 = arith.constant 2 : i32
        %mul3A_506 = arith.muli %add3A_504, %mul3A_505 : i32
        %mul3A_507 = arith.constant 128 : i32
        %mul3A_508 = arith.muli %mul3A_506, %mul3A_507 : i32
        %mul3A_509 = arith.constant 2 : i32
        %mul3A_510 = arith.muli %add3A_501, %mul3A_509 : i32
        %mul3A_511 = arith.constant 128 : i32
        %mul3A_512 = arith.muli %mul3A_510, %mul3A_511 : i32
        %dma_start3A_513 = tpu.memref_slice %arg5[%mul3A_512] : memref<51200xi32, #tpu.memory_space<vmem>> -> memref<256xi32, #tpu.memory_space<vmem>>
        %dma_start3A_514 = tpu.memref_slice %arg3[%mul3A_508] : memref<1638400xi32, #tpu.memory_space<hbm>> -> memref<256xi32, #tpu.memory_space<hbm>>
        %dma_start3A_515 = tpu.memref_slice %arg5[%mul3A_512] : memref<51200xi32, #tpu.memory_space<vmem>> -> memref<256xi32, #tpu.memory_space<vmem>>
        %dma_start3A_516 = tpu.memref_slice %arg3[%mul3A_508] : memref<1638400xi32, #tpu.memory_space<hbm>> -> memref<256xi32, #tpu.memory_space<hbm>>
        tpu.enqueue_dma source(%dma_start3A_516 : memref<256xi32, #tpu.memory_space<hbm>>) target(%dma_start3A_515 : memref<256xi32, #tpu.memory_space<vmem>>) target_semaphore(%arg13 : memref<!tpu.dma_semaphore, #tpu.memory_space<semaphore_mem>>)
        %add3A_517 = arith.constant 2 : i32
        %add3A_518 = arith.addi %mul3A_482, %add3A_517 : i32
        %mul3A_519 = arith.constant 32 : i32
        %mul3A_520 = arith.muli %add3A_518, %mul3A_519 : i32
        %add3A_521 = arith.addi %mul3A_520, %add3A : i32
        %mul3A_522 = arith.constant 2 : i32
        %mul3A_523 = arith.muli %add3A_521, %mul3A_522 : i32
        %mul3A_524 = arith.constant 128 : i32
        %mul3A_525 = arith.muli %mul3A_523, %mul3A_524 : i32
        %mul3A_526 = arith.constant 2 : i32
        %mul3A_527 = arith.muli %add3A_518, %mul3A_526 : i32
        %mul3A_528 = arith.constant 128 : i32
        %mul3A_529 = arith.muli %mul3A_527, %mul3A_528 : i32
        %dma_start3A_530 = tpu.memref_slice %arg5[%mul3A_529] : memref<51200xi32, #tpu.memory_space<vmem>> -> memref<256xi32, #tpu.memory_space<vmem>>
        %dma_start3A_531 = tpu.memref_slice %arg3[%mul3A_525] : memref<1638400xi32, #tpu.memory_space<hbm>> -> memref<256xi32, #tpu.memory_space<hbm>>
        %dma_start3A_532 = tpu.memref_slice %arg5[%mul3A_529] : memref<51200xi32, #tpu.memory_space<vmem>> -> memref<256xi32, #tpu.memory_space<vmem>>
        %dma_start3A_533 = tpu.memref_slice %arg3[%mul3A_525] : memref<1638400xi32, #tpu.memory_space<hbm>> -> memref<256xi32, #tpu.memory_space<hbm>>
        tpu.enqueue_dma source(%dma_start3A_533 : memref<256xi32, #tpu.memory_space<hbm>>) target(%dma_start3A_532 : memref<256xi32, #tpu.memory_space<vmem>>) target_semaphore(%arg13 : memref<!tpu.dma_semaphore, #tpu.memory_space<semaphore_mem>>)
        %add3A_534 = arith.constant 3 : i32
        %add3A_535 = arith.addi %mul3A_482, %add3A_534 : i32
        %mul3A_536 = arith.constant 32 : i32
        %mul3A_537 = arith.muli %add3A_535, %mul3A_536 : i32
        %add3A_538 = arith.addi %mul3A_537, %add3A : i32
        %mul3A_539 = arith.constant 2 : i32
        %mul3A_540 = arith.muli %add3A_538, %mul3A_539 : i32
        %mul3A_541 = arith.constant 128 : i32
        %mul3A_542 = arith.muli %mul3A_540, %mul3A_541 : i32
        %mul3A_543 = arith.constant 2 : i32
        %mul3A_544 = arith.muli %add3A_535, %mul3A_543 : i32
        %mul3A_545 = arith.constant 128 : i32
        %mul3A_546 = arith.muli %mul3A_544, %mul3A_545 : i32
        %dma_start3A_547 = tpu.memref_slice %arg5[%mul3A_546] : memref<51200xi32, #tpu.memory_space<vmem>> -> memref<256xi32, #tpu.memory_space<vmem>>
        %dma_start3A_548 = tpu.memref_slice %arg3[%mul3A_542] : memref<1638400xi32, #tpu.memory_space<hbm>> -> memref<256xi32, #tpu.memory_space<hbm>>
        %dma_start3A_549 = tpu.memref_slice %arg5[%mul3A_546] : memref<51200xi32, #tpu.memory_space<vmem>> -> memref<256xi32, #tpu.memory_space<vmem>>
        %dma_start3A_550 = tpu.memref_slice %arg3[%mul3A_542] : memref<1638400xi32, #tpu.memory_space<hbm>> -> memref<256xi32, #tpu.memory_space<hbm>>
        tpu.enqueue_dma source(%dma_start3A_550 : memref<256xi32, #tpu.memory_space<hbm>>) target(%dma_start3A_549 : memref<256xi32, #tpu.memory_space<vmem>>) target_semaphore(%arg13 : memref<!tpu.dma_semaphore, #tpu.memory_space<semaphore_mem>>)
        %add3A_551 = arith.constant 4 : i32
        %add3A_552 = arith.addi %mul3A_482, %add3A_551 : i32
        %mul3A_553 = arith.constant 32 : i32
        %mul3A_554 = arith.muli %add3A_552, %mul3A_553 : i32
        %add3A_555 = arith.addi %mul3A_554, %add3A : i32
        %mul3A_556 = arith.constant 2 : i32
        %mul3A_557 = arith.muli %add3A_555, %mul3A_556 : i32
        %mul3A_558 = arith.constant 128 : i32
        %mul3A_559 = arith.muli %mul3A_557, %mul3A_558 : i32
        %mul3A_560 = arith.constant 2 : i32
        %mul3A_561 = arith.muli %add3A_552, %mul3A_560 : i32
        %mul3A_562 = arith.constant 128 : i32
        %mul3A_563 = arith.muli %mul3A_561, %mul3A_562 : i32
        %dma_start3A_564 = tpu.memref_slice %arg5[%mul3A_563] : memref<51200xi32, #tpu.memory_space<vmem>> -> memref<256xi32, #tpu.memory_space<vmem>>
        %dma_start3A_565 = tpu.memref_slice %arg3[%mul3A_559] : memref<1638400xi32, #tpu.memory_space<hbm>> -> memref<256xi32, #tpu.memory_space<hbm>>
        %dma_start3A_566 = tpu.memref_slice %arg5[%mul3A_563] : memref<51200xi32, #tpu.memory_space<vmem>> -> memref<256xi32, #tpu.memory_space<vmem>>
        %dma_start3A_567 = tpu.memref_slice %arg3[%mul3A_559] : memref<1638400xi32, #tpu.memory_space<hbm>> -> memref<256xi32, #tpu.memory_space<hbm>>
        tpu.enqueue_dma source(%dma_start3A_567 : memref<256xi32, #tpu.memory_space<hbm>>) target(%dma_start3A_566 : memref<256xi32, #tpu.memory_space<vmem>>) target_semaphore(%arg13 : memref<!tpu.dma_semaphore, #tpu.memory_space<semaphore_mem>>)
        %add3A_568 = arith.constant 5 : i32
        %add3A_569 = arith.addi %mul3A_482, %add3A_568 : i32
        %mul3A_570 = arith.constant 32 : i32
        %mul3A_571 = arith.muli %add3A_569, %mul3A_570 : i32
        %add3A_572 = arith.addi %mul3A_571, %add3A : i32
        %mul3A_573 = arith.constant 2 : i32
        %mul3A_574 = arith.muli %add3A_572, %mul3A_573 : i32
        %mul3A_575 = arith.constant 128 : i32
        %mul3A_576 = arith.muli %mul3A_574, %mul3A_575 : i32
        %mul3A_577 = arith.constant 2 : i32
        %mul3A_578 = arith.muli %add3A_569, %mul3A_577 : i32
        %mul3A_579 = arith.constant 128 : i32
        %mul3A_580 = arith.muli %mul3A_578, %mul3A_579 : i32
        %dma_start3A_581 = tpu.memref_slice %arg5[%mul3A_580] : memref<51200xi32, #tpu.memory_space<vmem>> -> memref<256xi32, #tpu.memory_space<vmem>>
        %dma_start3A_582 = tpu.memref_slice %arg3[%mul3A_576] : memref<1638400xi32, #tpu.memory_space<hbm>> -> memref<256xi32, #tpu.memory_space<hbm>>
        %dma_start3A_583 = tpu.memref_slice %arg5[%mul3A_580] : memref<51200xi32, #tpu.memory_space<vmem>> -> memref<256xi32, #tpu.memory_space<vmem>>
        %dma_start3A_584 = tpu.memref_slice %arg3[%mul3A_576] : memref<1638400xi32, #tpu.memory_space<hbm>> -> memref<256xi32, #tpu.memory_space<hbm>>
        tpu.enqueue_dma source(%dma_start3A_584 : memref<256xi32, #tpu.memory_space<hbm>>) target(%dma_start3A_583 : memref<256xi32, #tpu.memory_space<vmem>>) target_semaphore(%arg13 : memref<!tpu.dma_semaphore, #tpu.memory_space<semaphore_mem>>)
        %add3A_585 = arith.constant 6 : i32
        %add3A_586 = arith.addi %mul3A_482, %add3A_585 : i32
        %mul3A_587 = arith.constant 32 : i32
        %mul3A_588 = arith.muli %add3A_586, %mul3A_587 : i32
        %add3A_589 = arith.addi %mul3A_588, %add3A : i32
        %mul3A_590 = arith.constant 2 : i32
        %mul3A_591 = arith.muli %add3A_589, %mul3A_590 : i32
        %mul3A_592 = arith.constant 128 : i32
        %mul3A_593 = arith.muli %mul3A_591, %mul3A_592 : i32
        %mul3A_594 = arith.constant 2 : i32
        %mul3A_595 = arith.muli %add3A_586, %mul3A_594 : i32
        %mul3A_596 = arith.constant 128 : i32
        %mul3A_597 = arith.muli %mul3A_595, %mul3A_596 : i32
        %dma_start3A_598 = tpu.memref_slice %arg5[%mul3A_597] : memref<51200xi32, #tpu.memory_space<vmem>> -> memref<256xi32, #tpu.memory_space<vmem>>
        %dma_start3A_599 = tpu.memref_slice %arg3[%mul3A_593] : memref<1638400xi32, #tpu.memory_space<hbm>> -> memref<256xi32, #tpu.memory_space<hbm>>
        %dma_start3A_600 = tpu.memref_slice %arg5[%mul3A_597] : memref<51200xi32, #tpu.memory_space<vmem>> -> memref<256xi32, #tpu.memory_space<vmem>>
        %dma_start3A_601 = tpu.memref_slice %arg3[%mul3A_593] : memref<1638400xi32, #tpu.memory_space<hbm>> -> memref<256xi32, #tpu.memory_space<hbm>>
        tpu.enqueue_dma source(%dma_start3A_601 : memref<256xi32, #tpu.memory_space<hbm>>) target(%dma_start3A_600 : memref<256xi32, #tpu.memory_space<vmem>>) target_semaphore(%arg13 : memref<!tpu.dma_semaphore, #tpu.memory_space<semaphore_mem>>)
        %add3A_602 = arith.constant 7 : i32
        %add3A_603 = arith.addi %mul3A_482, %add3A_602 : i32
        %mul3A_604 = arith.constant 32 : i32
        %mul3A_605 = arith.muli %add3A_603, %mul3A_604 : i32
        %add3A_606 = arith.addi %mul3A_605, %add3A : i32
        %mul3A_607 = arith.constant 2 : i32
        %mul3A_608 = arith.muli %add3A_606, %mul3A_607 : i32
        %mul3A_609 = arith.constant 128 : i32
        %mul3A_610 = arith.muli %mul3A_608, %mul3A_609 : i32
        %mul3A_611 = arith.constant 2 : i32
        %mul3A_612 = arith.muli %add3A_603, %mul3A_611 : i32
        %mul3A_613 = arith.constant 128 : i32
        %mul3A_614 = arith.muli %mul3A_612, %mul3A_613 : i32
        %dma_start3A_615 = tpu.memref_slice %arg5[%mul3A_614] : memref<51200xi32, #tpu.memory_space<vmem>> -> memref<256xi32, #tpu.memory_space<vmem>>
        %dma_start3A_616 = tpu.memref_slice %arg3[%mul3A_610] : memref<1638400xi32, #tpu.memory_space<hbm>> -> memref<256xi32, #tpu.memory_space<hbm>>
        %dma_start3A_617 = tpu.memref_slice %arg5[%mul3A_614] : memref<51200xi32, #tpu.memory_space<vmem>> -> memref<256xi32, #tpu.memory_space<vmem>>
        %dma_start3A_618 = tpu.memref_slice %arg3[%mul3A_610] : memref<1638400xi32, #tpu.memory_space<hbm>> -> memref<256xi32, #tpu.memory_space<hbm>>
        tpu.enqueue_dma source(%dma_start3A_618 : memref<256xi32, #tpu.memory_space<hbm>>) target(%dma_start3A_617 : memref<256xi32, #tpu.memory_space<vmem>>) target_semaphore(%arg13 : memref<!tpu.dma_semaphore, #tpu.memory_space<semaphore_mem>>)
      } else {
      }
      %mul3A_340 = arith.constant 8 : i32
      %mul3A_341 = arith.muli %scan3A_331, %mul3A_340 : i32
      %add3A_342 = arith.constant 0 : i32
      %add3A_343 = arith.addi %mul3A_341, %add3A_342 : i32
      %mul3A_344 = arith.constant 32 : i32
      %mul3A_345 = arith.muli %add3A_343, %mul3A_344 : i32
      %add3A_346 = arith.addi %mul3A_345, %add3A : i32
      %mul3A_347 = arith.constant 2 : i32
      %mul3A_348 = arith.muli %add3A_346, %mul3A_347 : i32
      %mul3A_349 = arith.constant 128 : i32
      %mul3A_350 = arith.muli %mul3A_348, %mul3A_349 : i32
      %mul3A_351 = arith.constant 2 : i32
      %mul3A_352 = arith.muli %add3A_343, %mul3A_351 : i32
      %mul3A_353 = arith.constant 128 : i32
      %mul3A_354 = arith.muli %mul3A_352, %mul3A_353 : i32
      %dma_wait3A_355 = tpu.memref_slice %arg5[%mul3A_354] : memref<51200xi32, #tpu.memory_space<vmem>> -> memref<256xi32, #tpu.memory_space<vmem>>
      %dma_wait3A_356 = tpu.memref_slice %arg3[%mul3A_350] : memref<1638400xi32, #tpu.memory_space<hbm>> -> memref<256xi32, #tpu.memory_space<hbm>>
      %dma_wait3A_357 = tpu.memref_slice %arg5[%mul3A_354] : memref<51200xi32, #tpu.memory_space<vmem>> -> memref<256xi32, #tpu.memory_space<vmem>>
      %dma_wait3A_358 = tpu.memref_slice %arg3[%mul3A_350] : memref<1638400xi32, #tpu.memory_space<hbm>> -> memref<256xi32, #tpu.memory_space<hbm>>
      tpu.wait_dma2 semaphore(%arg13 : memref<!tpu.dma_semaphore, #tpu.memory_space<semaphore_mem>>) src(%dma_wait3A_358 : memref<256xi32, #tpu.memory_space<hbm>>) dst(%dma_wait3A_357 : memref<256xi32, #tpu.memory_space<vmem>>)
      %add3A_359 = arith.constant 1 : i32
      %add3A_360 = arith.addi %mul3A_341, %add3A_359 : i32
      %mul3A_361 = arith.constant 32 : i32
      %mul3A_362 = arith.muli %add3A_360, %mul3A_361 : i32
      %add3A_363 = arith.addi %mul3A_362, %add3A : i32
      %mul3A_364 = arith.constant 2 : i32
      %mul3A_365 = arith.muli %add3A_363, %mul3A_364 : i32
      %mul3A_366 = arith.constant 128 : i32
      %mul3A_367 = arith.muli %mul3A_365, %mul3A_366 : i32
      %mul3A_368 = arith.constant 2 : i32
      %mul3A_369 = arith.muli %add3A_360, %mul3A_368 : i32
      %mul3A_370 = arith.constant 128 : i32
      %mul3A_371 = arith.muli %mul3A_369, %mul3A_370 : i32
      %dma_wait3A_372 = tpu.memref_slice %arg5[%mul3A_371] : memref<51200xi32, #tpu.memory_space<vmem>> -> memref<256xi32, #tpu.memory_space<vmem>>
      %dma_wait3A_373 = tpu.memref_slice %arg3[%mul3A_367] : memref<1638400xi32, #tpu.memory_space<hbm>> -> memref<256xi32, #tpu.memory_space<hbm>>
      %dma_wait3A_374 = tpu.memref_slice %arg5[%mul3A_371] : memref<51200xi32, #tpu.memory_space<vmem>> -> memref<256xi32, #tpu.memory_space<vmem>>
      %dma_wait3A_375 = tpu.memref_slice %arg3[%mul3A_367] : memref<1638400xi32, #tpu.memory_space<hbm>> -> memref<256xi32, #tpu.memory_space<hbm>>
      tpu.wait_dma2 semaphore(%arg13 : memref<!tpu.dma_semaphore, #tpu.memory_space<semaphore_mem>>) src(%dma_wait3A_375 : memref<256xi32, #tpu.memory_space<hbm>>) dst(%dma_wait3A_374 : memref<256xi32, #tpu.memory_space<vmem>>)
      %add3A_376 = arith.constant 2 : i32
      %add3A_377 = arith.addi %mul3A_341, %add3A_376 : i32
      %mul3A_378 = arith.constant 32 : i32
      %mul3A_379 = arith.muli %add3A_377, %mul3A_378 : i32
      %add3A_380 = arith.addi %mul3A_379, %add3A : i32
      %mul3A_381 = arith.constant 2 : i32
      %mul3A_382 = arith.muli %add3A_380, %mul3A_381 : i32
      %mul3A_383 = arith.constant 128 : i32
      %mul3A_384 = arith.muli %mul3A_382, %mul3A_383 : i32
      %mul3A_385 = arith.constant 2 : i32
      %mul3A_386 = arith.muli %add3A_377, %mul3A_385 : i32
      %mul3A_387 = arith.constant 128 : i32
      %mul3A_388 = arith.muli %mul3A_386, %mul3A_387 : i32
      %dma_wait3A_389 = tpu.memref_slice %arg5[%mul3A_388] : memref<51200xi32, #tpu.memory_space<vmem>> -> memref<256xi32, #tpu.memory_space<vmem>>
      %dma_wait3A_390 = tpu.memref_slice %arg3[%mul3A_384] : memref<1638400xi32, #tpu.memory_space<hbm>> -> memref<256xi32, #tpu.memory_space<hbm>>
      %dma_wait3A_391 = tpu.memref_slice %arg5[%mul3A_388] : memref<51200xi32, #tpu.memory_space<vmem>> -> memref<256xi32, #tpu.memory_space<vmem>>
      %dma_wait3A_392 = tpu.memref_slice %arg3[%mul3A_384] : memref<1638400xi32, #tpu.memory_space<hbm>> -> memref<256xi32, #tpu.memory_space<hbm>>
      tpu.wait_dma2 semaphore(%arg13 : memref<!tpu.dma_semaphore, #tpu.memory_space<semaphore_mem>>) src(%dma_wait3A_392 : memref<256xi32, #tpu.memory_space<hbm>>) dst(%dma_wait3A_391 : memref<256xi32, #tpu.memory_space<vmem>>)
      %add3A_393 = arith.constant 3 : i32
      %add3A_394 = arith.addi %mul3A_341, %add3A_393 : i32
      %mul3A_395 = arith.constant 32 : i32
      %mul3A_396 = arith.muli %add3A_394, %mul3A_395 : i32
      %add3A_397 = arith.addi %mul3A_396, %add3A : i32
      %mul3A_398 = arith.constant 2 : i32
      %mul3A_399 = arith.muli %add3A_397, %mul3A_398 : i32
      %mul3A_400 = arith.constant 128 : i32
      %mul3A_401 = arith.muli %mul3A_399, %mul3A_400 : i32
      %mul3A_402 = arith.constant 2 : i32
      %mul3A_403 = arith.muli %add3A_394, %mul3A_402 : i32
      %mul3A_404 = arith.constant 128 : i32
      %mul3A_405 = arith.muli %mul3A_403, %mul3A_404 : i32
      %dma_wait3A_406 = tpu.memref_slice %arg5[%mul3A_405] : memref<51200xi32, #tpu.memory_space<vmem>> -> memref<256xi32, #tpu.memory_space<vmem>>
      %dma_wait3A_407 = tpu.memref_slice %arg3[%mul3A_401] : memref<1638400xi32, #tpu.memory_space<hbm>> -> memref<256xi32, #tpu.memory_space<hbm>>
      %dma_wait3A_408 = tpu.memref_slice %arg5[%mul3A_405] : memref<51200xi32, #tpu.memory_space<vmem>> -> memref<256xi32, #tpu.memory_space<vmem>>
      %dma_wait3A_409 = tpu.memref_slice %arg3[%mul3A_401] : memref<1638400xi32, #tpu.memory_space<hbm>> -> memref<256xi32, #tpu.memory_space<hbm>>
      tpu.wait_dma2 semaphore(%arg13 : memref<!tpu.dma_semaphore, #tpu.memory_space<semaphore_mem>>) src(%dma_wait3A_409 : memref<256xi32, #tpu.memory_space<hbm>>) dst(%dma_wait3A_408 : memref<256xi32, #tpu.memory_space<vmem>>)
      %add3A_410 = arith.constant 4 : i32
      %add3A_411 = arith.addi %mul3A_341, %add3A_410 : i32
      %mul3A_412 = arith.constant 32 : i32
      %mul3A_413 = arith.muli %add3A_411, %mul3A_412 : i32
      %add3A_414 = arith.addi %mul3A_413, %add3A : i32
      %mul3A_415 = arith.constant 2 : i32
      %mul3A_416 = arith.muli %add3A_414, %mul3A_415 : i32
      %mul3A_417 = arith.constant 128 : i32
      %mul3A_418 = arith.muli %mul3A_416, %mul3A_417 : i32
      %mul3A_419 = arith.constant 2 : i32
      %mul3A_420 = arith.muli %add3A_411, %mul3A_419 : i32
      %mul3A_421 = arith.constant 128 : i32
      %mul3A_422 = arith.muli %mul3A_420, %mul3A_421 : i32
      %dma_wait3A_423 = tpu.memref_slice %arg5[%mul3A_422] : memref<51200xi32, #tpu.memory_space<vmem>> -> memref<256xi32, #tpu.memory_space<vmem>>
      %dma_wait3A_424 = tpu.memref_slice %arg3[%mul3A_418] : memref<1638400xi32, #tpu.memory_space<hbm>> -> memref<256xi32, #tpu.memory_space<hbm>>
      %dma_wait3A_425 = tpu.memref_slice %arg5[%mul3A_422] : memref<51200xi32, #tpu.memory_space<vmem>> -> memref<256xi32, #tpu.memory_space<vmem>>
      %dma_wait3A_426 = tpu.memref_slice %arg3[%mul3A_418] : memref<1638400xi32, #tpu.memory_space<hbm>> -> memref<256xi32, #tpu.memory_space<hbm>>
      tpu.wait_dma2 semaphore(%arg13 : memref<!tpu.dma_semaphore, #tpu.memory_space<semaphore_mem>>) src(%dma_wait3A_426 : memref<256xi32, #tpu.memory_space<hbm>>) dst(%dma_wait3A_425 : memref<256xi32, #tpu.memory_space<vmem>>)
      %add3A_427 = arith.constant 5 : i32
      %add3A_428 = arith.addi %mul3A_341, %add3A_427 : i32
      %mul3A_429 = arith.constant 32 : i32
      %mul3A_430 = arith.muli %add3A_428, %mul3A_429 : i32
      %add3A_431 = arith.addi %mul3A_430, %add3A : i32
      %mul3A_432 = arith.constant 2 : i32
      %mul3A_433 = arith.muli %add3A_431, %mul3A_432 : i32
      %mul3A_434 = arith.constant 128 : i32
      %mul3A_435 = arith.muli %mul3A_433, %mul3A_434 : i32
      %mul3A_436 = arith.constant 2 : i32
      %mul3A_437 = arith.muli %add3A_428, %mul3A_436 : i32
      %mul3A_438 = arith.constant 128 : i32
      %mul3A_439 = arith.muli %mul3A_437, %mul3A_438 : i32
      %dma_wait3A_440 = tpu.memref_slice %arg5[%mul3A_439] : memref<51200xi32, #tpu.memory_space<vmem>> -> memref<256xi32, #tpu.memory_space<vmem>>
      %dma_wait3A_441 = tpu.memref_slice %arg3[%mul3A_435] : memref<1638400xi32, #tpu.memory_space<hbm>> -> memref<256xi32, #tpu.memory_space<hbm>>
      %dma_wait3A_442 = tpu.memref_slice %arg5[%mul3A_439] : memref<51200xi32, #tpu.memory_space<vmem>> -> memref<256xi32, #tpu.memory_space<vmem>>
      %dma_wait3A_443 = tpu.memref_slice %arg3[%mul3A_435] : memref<1638400xi32, #tpu.memory_space<hbm>> -> memref<256xi32, #tpu.memory_space<hbm>>
      tpu.wait_dma2 semaphore(%arg13 : memref<!tpu.dma_semaphore, #tpu.memory_space<semaphore_mem>>) src(%dma_wait3A_443 : memref<256xi32, #tpu.memory_space<hbm>>) dst(%dma_wait3A_442 : memref<256xi32, #tpu.memory_space<vmem>>)
      %add3A_444 = arith.constant 6 : i32
      %add3A_445 = arith.addi %mul3A_341, %add3A_444 : i32
      %mul3A_446 = arith.constant 32 : i32
      %mul3A_447 = arith.muli %add3A_445, %mul3A_446 : i32
      %add3A_448 = arith.addi %mul3A_447, %add3A : i32
      %mul3A_449 = arith.constant 2 : i32
      %mul3A_450 = arith.muli %add3A_448, %mul3A_449 : i32
      %mul3A_451 = arith.constant 128 : i32
      %mul3A_452 = arith.muli %mul3A_450, %mul3A_451 : i32
      %mul3A_453 = arith.constant 2 : i32
      %mul3A_454 = arith.muli %add3A_445, %mul3A_453 : i32
      %mul3A_455 = arith.constant 128 : i32
      %mul3A_456 = arith.muli %mul3A_454, %mul3A_455 : i32
      %dma_wait3A_457 = tpu.memref_slice %arg5[%mul3A_456] : memref<51200xi32, #tpu.memory_space<vmem>> -> memref<256xi32, #tpu.memory_space<vmem>>
      %dma_wait3A_458 = tpu.memref_slice %arg3[%mul3A_452] : memref<1638400xi32, #tpu.memory_space<hbm>> -> memref<256xi32, #tpu.memory_space<hbm>>
      %dma_wait3A_459 = tpu.memref_slice %arg5[%mul3A_456] : memref<51200xi32, #tpu.memory_space<vmem>> -> memref<256xi32, #tpu.memory_space<vmem>>
      %dma_wait3A_460 = tpu.memref_slice %arg3[%mul3A_452] : memref<1638400xi32, #tpu.memory_space<hbm>> -> memref<256xi32, #tpu.memory_space<hbm>>
      tpu.wait_dma2 semaphore(%arg13 : memref<!tpu.dma_semaphore, #tpu.memory_space<semaphore_mem>>) src(%dma_wait3A_460 : memref<256xi32, #tpu.memory_space<hbm>>) dst(%dma_wait3A_459 : memref<256xi32, #tpu.memory_space<vmem>>)
      %add3A_461 = arith.constant 7 : i32
      %add3A_462 = arith.addi %mul3A_341, %add3A_461 : i32
      %mul3A_463 = arith.constant 32 : i32
      %mul3A_464 = arith.muli %add3A_462, %mul3A_463 : i32
      %add3A_465 = arith.addi %mul3A_464, %add3A : i32
      %mul3A_466 = arith.constant 2 : i32
      %mul3A_467 = arith.muli %add3A_465, %mul3A_466 : i32
      %mul3A_468 = arith.constant 128 : i32
      %mul3A_469 = arith.muli %mul3A_467, %mul3A_468 : i32
      %mul3A_470 = arith.constant 2 : i32
      %mul3A_471 = arith.muli %add3A_462, %mul3A_470 : i32
      %mul3A_472 = arith.constant 128 : i32
      %mul3A_473 = arith.muli %mul3A_471, %mul3A_472 : i32
      %dma_wait3A_474 = tpu.memref_slice %arg5[%mul3A_473] : memref<51200xi32, #tpu.memory_space<vmem>> -> memref<256xi32, #tpu.memory_space<vmem>>
      %dma_wait3A_475 = tpu.memref_slice %arg3[%mul3A_469] : memref<1638400xi32, #tpu.memory_space<hbm>> -> memref<256xi32, #tpu.memory_space<hbm>>
      %dma_wait3A_476 = tpu.memref_slice %arg5[%mul3A_473] : memref<51200xi32, #tpu.memory_space<vmem>> -> memref<256xi32, #tpu.memory_space<vmem>>
      %dma_wait3A_477 = tpu.memref_slice %arg3[%mul3A_469] : memref<1638400xi32, #tpu.memory_space<hbm>> -> memref<256xi32, #tpu.memory_space<hbm>>
      tpu.wait_dma2 semaphore(%arg13 : memref<!tpu.dma_semaphore, #tpu.memory_space<semaphore_mem>>) src(%dma_wait3A_477 : memref<256xi32, #tpu.memory_space<hbm>>) dst(%dma_wait3A_476 : memref<256xi32, #tpu.memory_space<vmem>>)
      %scan3A_478 = arith.constant 0 : i32
      scf.yield %scan3A_478 : i32
    }
    %scan3A_105 = arith.constant 25 : i32
    %eq3A_106 = arith.constant 0 : i32
    %eq3A_107 = arith.cmpi eq, %arg1, %eq3A_106 : i32
    %convert_element_type3A_108 = arith.extui %eq3A_107 : i1 to i32
    %cond3A_109 = arith.constant 0 : i32
    %cond3A_110 = arith.cmpi ne, %convert_element_type3A_108, %cond3A_109 : i32
    scf.if %cond3A_110 {
      tpu.wait_dma2 semaphore(%arg14 : memref<!tpu.dma_semaphore, #tpu.memory_space<semaphore_mem>>) src(%arg2 : memref<256x128xf32, #tpu.memory_space<hbm>>) dst(%arg8 : memref<256x128xf32, #tpu.memory_space<vmem_shared>>)
    } else {
    }
    %barrier3A = arith.constant 0 : index
    tpu.barrier barrier_id(%barrier3A)
    %iota3A = tpu.iota {dimensions = array<i32: 0>} : vector<16xi32>
    %mul3A_111 = arith.constant 128 : i32
    %mul3A_112 = vector.broadcast %mul3A_111 : i32 to vector<16xi32>
    %mul3A_113 = arith.muli %iota3A, %mul3A_112 : vector<16xi32>
    %iota3A_114 = tpu.iota {dimensions = array<i32: 0>} : vector<16xi32>
    %jit3A = arith.constant 2 : i32
    %eq3A_115 = arith.constant 0 : i32
    %eq3A_116 = arith.cmpi eq, %jit3A, %eq3A_115 : i32
    %jit3A_117 = arith.constant 1 : i32
    %select_n3A = arith.select %eq3A_116, %jit3A_117, %jit3A : i32
    %rem3A = vector.broadcast %select_n3A : i32 to vector<16xi32>
    %rem3A_118 = arith.remsi %iota3A_114, %rem3A : vector<16xi32>
    %ne3A = arith.constant 0 : i32
    %ne3A_119 = vector.broadcast %ne3A : i32 to vector<16xi32>
    %ne3A_120 = arith.cmpi ne, %rem3A_118, %ne3A_119 : vector<16xi32>
    %lt3A = arith.constant 0 : i32
    %lt3A_121 = vector.broadcast %lt3A : i32 to vector<16xi32>
    %lt3A_122 = arith.cmpi slt, %rem3A_118, %lt3A_121 : vector<16xi32>
    %lt3A_123 = arith.constant 0 : i32
    %lt3A_124 = arith.cmpi slt, %select_n3A, %lt3A_123 : i32
    %ne3A_125 = vector.broadcast %lt3A_124 : i1 to vector<16xi1>
    %ne3A_126 = vector.broadcast %ne3A_125 : vector<16xi1> to vector<16xi1>
    %ne3A_127 = arith.xori %lt3A_122, %ne3A_126 : vector<16xi1>
    %and3A = arith.andi %ne3A_127, %ne3A_120 : vector<16xi1>
    %add3A_128 = vector.broadcast %select_n3A : i32 to vector<16xi32>
    %add3A_129 = arith.addi %rem3A_118, %add3A_128 : vector<16xi32>
    %select_n3A_130 = arith.select %and3A, %add3A_129, %rem3A_118 : vector<16xi1>, vector<16xi32>
    %mul3A_131 = arith.constant 128 : i32
    %mul3A_132 = vector.broadcast %mul3A_131 : i32 to vector<16xi32>
    %mul3A_133 = arith.muli %select_n3A_130, %mul3A_132 : vector<16xi32>
    %add3A_134 = arith.constant 0 : i32
    %add3A_135 = vector.broadcast %add3A_134 : i32 to vector<16xi32>
    %add3A_136 = arith.addi %mul3A_113, %add3A_135 : vector<16xi32>
    %gather3A = tpu.vector_load_idx %arg5[%add3A_136] : memref<51200xi32, #tpu.memory_space<vmem>>[vector<16xi32>], vector<16xi32>,
    %add3A_137 = arith.addi %gather3A, %mul3A_133 : vector<16xi32>
    %swap3A = arith.constant 0 : i32
    %swap3A_138 = arith.index_cast %swap3A : i32 to index
    %swap3A_139 = arith.constant 0 : index
    %swap3A_140 = tpu.vector_load %arg6[%swap3A_138, %swap3A_139] {strides = array<i32>} : memref<2x256xi32, #tpu.memory_space<vmem>>, vector<16xi32>,
    tpu.vector_store %arg6[%swap3A_138, %swap3A_139], %add3A_137 {strides = array<i32>} : memref<2x256xi32, #tpu.memory_space<vmem>>, vector<16xi32>,
    %add3A_141 = arith.constant 2048 : i32
    %add3A_142 = vector.broadcast %add3A_141 : i32 to vector<16xi32>
    %add3A_143 = arith.addi %mul3A_113, %add3A_142 : vector<16xi32>
    %gather3A_144 = tpu.vector_load_idx %arg5[%add3A_143] : memref<51200xi32, #tpu.memory_space<vmem>>[vector<16xi32>], vector<16xi32>,
    %add3A_145 = arith.addi %gather3A_144, %mul3A_133 : vector<16xi32>
    %swap3A_146 = arith.constant 0 : i32
    %swap3A_147 = arith.index_cast %swap3A_146 : i32 to index
    %swap3A_148 = arith.constant 16 : index
    %swap3A_149 = tpu.vector_load %arg6[%swap3A_147, %swap3A_148] {strides = array<i32>} : memref<2x256xi32, #tpu.memory_space<vmem>>, vector<16xi32>,
    tpu.vector_store %arg6[%swap3A_147, %swap3A_148], %add3A_145 {strides = array<i32>} : memref<2x256xi32, #tpu.memory_space<vmem>>, vector<16xi32>,
    %add3A_150 = arith.constant 4096 : i32
    %add3A_151 = vector.broadcast %add3A_150 : i32 to vector<16xi32>
    %add3A_152 = arith.addi %mul3A_113, %add3A_151 : vector<16xi32>
    %gather3A_153 = tpu.vector_load_idx %arg5[%add3A_152] : memref<51200xi32, #tpu.memory_space<vmem>>[vector<16xi32>], vector<16xi32>,
    %add3A_154 = arith.addi %gather3A_153, %mul3A_133 : vector<16xi32>
    %swap3A_155 = arith.constant 0 : i32
    %swap3A_156 = arith.index_cast %swap3A_155 : i32 to index
    %swap3A_157 = arith.constant 32 : index
    %swap3A_158 = tpu.vector_load %arg6[%swap3A_156, %swap3A_157] {strides = array<i32>} : memref<2x256xi32, #tpu.memory_space<vmem>>, vector<16xi32>,
    tpu.vector_store %arg6[%swap3A_156, %swap3A_157], %add3A_154 {strides = array<i32>} : memref<2x256xi32, #tpu.memory_space<vmem>>, vector<16xi32>,
    %add3A_159 = arith.constant 6144 : i32
    %add3A_160 = vector.broadcast %add3A_159 : i32 to vector<16xi32>
    %add3A_161 = arith.addi %mul3A_113, %add3A_160 : vector<16xi32>
    %gather3A_162 = tpu.vector_load_idx %arg5[%add3A_161] : memref<51200xi32, #tpu.memory_space<vmem>>[vector<16xi32>], vector<16xi32>,
    %add3A_163 = arith.addi %gather3A_162, %mul3A_133 : vector<16xi32>
    %swap3A_164 = arith.constant 0 : i32
    %swap3A_165 = arith.index_cast %swap3A_164 : i32 to index
    %swap3A_166 = arith.constant 48 : index
    %swap3A_167 = tpu.vector_load %arg6[%swap3A_165, %swap3A_166] {strides = array<i32>} : memref<2x256xi32, #tpu.memory_space<vmem>>, vector<16xi32>,
    tpu.vector_store %arg6[%swap3A_165, %swap3A_166], %add3A_163 {strides = array<i32>} : memref<2x256xi32, #tpu.memory_space<vmem>>, vector<16xi32>,
    %add3A_168 = arith.constant 8192 : i32
    %add3A_169 = vector.broadcast %add3A_168 : i32 to vector<16xi32>
    %add3A_170 = arith.addi %mul3A_113, %add3A_169 : vector<16xi32>
    %gather3A_171 = tpu.vector_load_idx %arg5[%add3A_170] : memref<51200xi32, #tpu.memory_space<vmem>>[vector<16xi32>], vector<16xi32>,
    %add3A_172 = arith.addi %gather3A_171, %mul3A_133 : vector<16xi32>
    %swap3A_173 = arith.constant 0 : i32
    %swap3A_174 = arith.index_cast %swap3A_173 : i32 to index
    %swap3A_175 = arith.constant 64 : index
    %swap3A_176 = tpu.vector_load %arg6[%swap3A_174, %swap3A_175] {strides = array<i32>} : memref<2x256xi32, #tpu.memory_space<vmem>>, vector<16xi32>,
    tpu.vector_store %arg6[%swap3A_174, %swap3A_175], %add3A_172 {strides = array<i32>} : memref<2x256xi32, #tpu.memory_space<vmem>>, vector<16xi32>,
    %add3A_177 = arith.constant 10240 : i32
    %add3A_178 = vector.broadcast %add3A_177 : i32 to vector<16xi32>
    %add3A_179 = arith.addi %mul3A_113, %add3A_178 : vector<16xi32>
    %gather3A_180 = tpu.vector_load_idx %arg5[%add3A_179] : memref<51200xi32, #tpu.memory_space<vmem>>[vector<16xi32>], vector<16xi32>,
    %add3A_181 = arith.addi %gather3A_180, %mul3A_133 : vector<16xi32>
    %swap3A_182 = arith.constant 0 : i32
    %swap3A_183 = arith.index_cast %swap3A_182 : i32 to index
    %swap3A_184 = arith.constant 80 : index
    %swap3A_185 = tpu.vector_load %arg6[%swap3A_183, %swap3A_184] {strides = array<i32>} : memref<2x256xi32, #tpu.memory_space<vmem>>, vector<16xi32>,
    tpu.vector_store %arg6[%swap3A_183, %swap3A_184], %add3A_181 {strides = array<i32>} : memref<2x256xi32, #tpu.memory_space<vmem>>, vector<16xi32>,
    %add3A_186 = arith.constant 12288 : i32
    %add3A_187 = vector.broadcast %add3A_186 : i32 to vector<16xi32>
    %add3A_188 = arith.addi %mul3A_113, %add3A_187 : vector<16xi32>
    %gather3A_189 = tpu.vector_load_idx %arg5[%add3A_188] : memref<51200xi32, #tpu.memory_space<vmem>>[vector<16xi32>], vector<16xi32>,
    %add3A_190 = arith.addi %gather3A_189, %mul3A_133 : vector<16xi32>
    %swap3A_191 = arith.constant 0 : i32
    %swap3A_192 = arith.index_cast %swap3A_191 : i32 to index
    %swap3A_193 = arith.constant 96 : index
    %swap3A_194 = tpu.vector_load %arg6[%swap3A_192, %swap3A_193] {strides = array<i32>} : memref<2x256xi32, #tpu.memory_space<vmem>>, vector<16xi32>,
    tpu.vector_store %arg6[%swap3A_192, %swap3A_193], %add3A_190 {strides = array<i32>} : memref<2x256xi32, #tpu.memory_space<vmem>>, vector<16xi32>,
    %add3A_195 = arith.constant 14336 : i32
    %add3A_196 = vector.broadcast %add3A_195 : i32 to vector<16xi32>
    %add3A_197 = arith.addi %mul3A_113, %add3A_196 : vector<16xi32>
    %gather3A_198 = tpu.vector_load_idx %arg5[%add3A_197] : memref<51200xi32, #tpu.memory_space<vmem>>[vector<16xi32>], vector<16xi32>,
    %add3A_199 = arith.addi %gather3A_198, %mul3A_133 : vector<16xi32>
    %swap3A_200 = arith.constant 0 : i32
    %swap3A_201 = arith.index_cast %swap3A_200 : i32 to index
    %swap3A_202 = arith.constant 112 : index
    %swap3A_203 = tpu.vector_load %arg6[%swap3A_201, %swap3A_202] {strides = array<i32>} : memref<2x256xi32, #tpu.memory_space<vmem>>, vector<16xi32>,
    tpu.vector_store %arg6[%swap3A_201, %swap3A_202], %add3A_199 {strides = array<i32>} : memref<2x256xi32, #tpu.memory_space<vmem>>, vector<16xi32>,
    %add3A_204 = arith.constant 16384 : i32
    %add3A_205 = vector.broadcast %add3A_204 : i32 to vector<16xi32>
    %add3A_206 = arith.addi %mul3A_113, %add3A_205 : vector<16xi32>
    %gather3A_207 = tpu.vector_load_idx %arg5[%add3A_206] : memref<51200xi32, #tpu.memory_space<vmem>>[vector<16xi32>], vector<16xi32>,
    %add3A_208 = arith.addi %gather3A_207, %mul3A_133 : vector<16xi32>
    %swap3A_209 = arith.constant 0 : i32
    %swap3A_210 = arith.index_cast %swap3A_209 : i32 to index
    %swap3A_211 = arith.constant 128 : index
    %swap3A_212 = tpu.vector_load %arg6[%swap3A_210, %swap3A_211] {strides = array<i32>} : memref<2x256xi32, #tpu.memory_space<vmem>>, vector<16xi32>,
    tpu.vector_store %arg6[%swap3A_210, %swap3A_211], %add3A_208 {strides = array<i32>} : memref<2x256xi32, #tpu.memory_space<vmem>>, vector<16xi32>,
    %add3A_213 = arith.constant 18432 : i32
    %add3A_214 = vector.broadcast %add3A_213 : i32 to vector<16xi32>
    %add3A_215 = arith.addi %mul3A_113, %add3A_214 : vector<16xi32>
    %gather3A_216 = tpu.vector_load_idx %arg5[%add3A_215] : memref<51200xi32, #tpu.memory_space<vmem>>[vector<16xi32>], vector<16xi32>,
    %add3A_217 = arith.addi %gather3A_216, %mul3A_133 : vector<16xi32>
    %swap3A_218 = arith.constant 0 : i32
    %swap3A_219 = arith.index_cast %swap3A_218 : i32 to index
    %swap3A_220 = arith.constant 144 : index
    %swap3A_221 = tpu.vector_load %arg6[%swap3A_219, %swap3A_220] {strides = array<i32>} : memref<2x256xi32, #tpu.memory_space<vmem>>, vector<16xi32>,
    tpu.vector_store %arg6[%swap3A_219, %swap3A_220], %add3A_217 {strides = array<i32>} : memref<2x256xi32, #tpu.memory_space<vmem>>, vector<16xi32>,
    %add3A_222 = arith.constant 20480 : i32
    %add3A_223 = vector.broadcast %add3A_222 : i32 to vector<16xi32>
    %add3A_224 = arith.addi %mul3A_113, %add3A_223 : vector<16xi32>
    %gather3A_225 = tpu.vector_load_idx %arg5[%add3A_224] : memref<51200xi32, #tpu.memory_space<vmem>>[vector<16xi32>], vector<16xi32>,
    %add3A_226 = arith.addi %gather3A_225, %mul3A_133 : vector<16xi32>
    %swap3A_227 = arith.constant 0 : i32
    %swap3A_228 = arith.index_cast %swap3A_227 : i32 to index
    %swap3A_229 = arith.constant 160 : index
    %swap3A_230 = tpu.vector_load %arg6[%swap3A_228, %swap3A_229] {strides = array<i32>} : memref<2x256xi32, #tpu.memory_space<vmem>>, vector<16xi32>,
    tpu.vector_store %arg6[%swap3A_228, %swap3A_229], %add3A_226 {strides = array<i32>} : memref<2x256xi32, #tpu.memory_space<vmem>>, vector<16xi32>,
    %add3A_231 = arith.constant 22528 : i32
    %add3A_232 = vector.broadcast %add3A_231 : i32 to vector<16xi32>
    %add3A_233 = arith.addi %mul3A_113, %add3A_232 : vector<16xi32>
    %gather3A_234 = tpu.vector_load_idx %arg5[%add3A_233] : memref<51200xi32, #tpu.memory_space<vmem>>[vector<16xi32>], vector<16xi32>,
    %add3A_235 = arith.addi %gather3A_234, %mul3A_133 : vector<16xi32>
    %swap3A_236 = arith.constant 0 : i32
    %swap3A_237 = arith.index_cast %swap3A_236 : i32 to index
    %swap3A_238 = arith.constant 176 : index
    %swap3A_239 = tpu.vector_load %arg6[%swap3A_237, %swap3A_238] {strides = array<i32>} : memref<2x256xi32, #tpu.memory_space<vmem>>, vector<16xi32>,
    tpu.vector_store %arg6[%swap3A_237, %swap3A_238], %add3A_235 {strides = array<i32>} : memref<2x256xi32, #tpu.memory_space<vmem>>, vector<16xi32>,
    %add3A_240 = arith.constant 24576 : i32
    %add3A_241 = vector.broadcast %add3A_240 : i32 to vector<16xi32>
    %add3A_242 = arith.addi %mul3A_113, %add3A_241 : vector<16xi32>
    %gather3A_243 = tpu.vector_load_idx %arg5[%add3A_242] : memref<51200xi32, #tpu.memory_space<vmem>>[vector<16xi32>], vector<16xi32>,
    %add3A_244 = arith.addi %gather3A_243, %mul3A_133 : vector<16xi32>
    %swap3A_245 = arith.constant 0 : i32
    %swap3A_246 = arith.index_cast %swap3A_245 : i32 to index
    %swap3A_247 = arith.constant 192 : index
    %swap3A_248 = tpu.vector_load %arg6[%swap3A_246, %swap3A_247] {strides = array<i32>} : memref<2x256xi32, #tpu.memory_space<vmem>>, vector<16xi32>,
    tpu.vector_store %arg6[%swap3A_246, %swap3A_247], %add3A_244 {strides = array<i32>} : memref<2x256xi32, #tpu.memory_space<vmem>>, vector<16xi32>,
    %add3A_249 = arith.constant 26624 : i32
    %add3A_250 = vector.broadcast %add3A_249 : i32 to vector<16xi32>
    %add3A_251 = arith.addi %mul3A_113, %add3A_250 : vector<16xi32>
    %gather3A_252 = tpu.vector_load_idx %arg5[%add3A_251] : memref<51200xi32, #tpu.memory_space<vmem>>[vector<16xi32>], vector<16xi32>,
    %add3A_253 = arith.addi %gather3A_252, %mul3A_133 : vector<16xi32>
    %swap3A_254 = arith.constant 0 : i32
    %swap3A_255 = arith.index_cast %swap3A_254 : i32 to index
    %swap3A_256 = arith.constant 208 : index
    %swap3A_257 = tpu.vector_load %arg6[%swap3A_255, %swap3A_256] {strides = array<i32>} : memref<2x256xi32, #tpu.memory_space<vmem>>, vector<16xi32>,
    tpu.vector_store %arg6[%swap3A_255, %swap3A_256], %add3A_253 {strides = array<i32>} : memref<2x256xi32, #tpu.memory_space<vmem>>, vector<16xi32>,
    %add3A_258 = arith.constant 28672 : i32
    %add3A_259 = vector.broadcast %add3A_258 : i32 to vector<16xi32>
    %add3A_260 = arith.addi %mul3A_113, %add3A_259 : vector<16xi32>
    %gather3A_261 = tpu.vector_load_idx %arg5[%add3A_260] : memref<51200xi32, #tpu.memory_space<vmem>>[vector<16xi32>], vector<16xi32>,
    %add3A_262 = arith.addi %gather3A_261, %mul3A_133 : vector<16xi32>
    %swap3A_263 = arith.constant 0 : i32
    %swap3A_264 = arith.index_cast %swap3A_263 : i32 to index
    %swap3A_265 = arith.constant 224 : index
    %swap3A_266 = tpu.vector_load %arg6[%swap3A_264, %swap3A_265] {strides = array<i32>} : memref<2x256xi32, #tpu.memory_space<vmem>>, vector<16xi32>,
    tpu.vector_store %arg6[%swap3A_264, %swap3A_265], %add3A_262 {strides = array<i32>} : memref<2x256xi32, #tpu.memory_space<vmem>>, vector<16xi32>,
    %add3A_267 = arith.constant 30720 : i32
    %add3A_268 = vector.broadcast %add3A_267 : i32 to vector<16xi32>
    %add3A_269 = arith.addi %mul3A_113, %add3A_268 : vector<16xi32>
    %gather3A_270 = tpu.vector_load_idx %arg5[%add3A_269] : memref<51200xi32, #tpu.memory_space<vmem>>[vector<16xi32>], vector<16xi32>,
    %add3A_271 = arith.addi %gather3A_270, %mul3A_133 : vector<16xi32>
    %swap3A_272 = arith.constant 0 : i32
    %swap3A_273 = arith.index_cast %swap3A_272 : i32 to index
    %swap3A_274 = arith.constant 240 : index
    %swap3A_275 = tpu.vector_load %arg6[%swap3A_273, %swap3A_274] {strides = array<i32>} : memref<2x256xi32, #tpu.memory_space<vmem>>, vector<16xi32>,
    tpu.vector_store %arg6[%swap3A_273, %swap3A_274], %add3A_271 {strides = array<i32>} : memref<2x256xi32, #tpu.memory_space<vmem>>, vector<16xi32>,
    %dma_start3A_276 = arith.constant 0 : i32
    %dma_start3A_277 = arith.constant 0 : i32
    %dma_start3A_278 = arith.constant 0 : i32
    %dma_start3A_279 = arith.constant 0 : i32
    %dma_start3A_280 = tpu.memref_slice %arg7[%dma_start3A_277, %dma_start3A_278, %dma_start3A_279] : memref<2x256x128xf32, #tpu.memory_space<vmem>> -> memref<1x256x128xf32, #tpu.memory_space<vmem>>
    %dma_start3A_281 = tpu.memref_squeeze %dma_start3A_280 : memref<1x256x128xf32, #tpu.memory_space<vmem>> -> memref<256x128xf32, #tpu.memory_space<vmem>>
    %dma_start3A_282 = arith.constant 0 : i32
    %dma_start3A_283 = arith.constant 0 : i32
    %dma_start3A_284 = tpu.memref_slice %dma_start3A_281[%dma_start3A_282, %dma_start3A_283] : memref<256x128xf32, #tpu.memory_space<vmem>> -> memref<128x128xf32, #tpu.memory_space<vmem>>
    %dma_start3A_285 = arith.constant 0 : i32
    %dma_start3A_286 = tpu.memref_slice %arg6[%dma_start3A_276, %dma_start3A_285] : memref<2x256xi32, #tpu.memory_space<vmem>> -> memref<1x256xi32, #tpu.memory_space<vmem>>
    %dma_start3A_287 = tpu.memref_squeeze %dma_start3A_286 : memref<1x256xi32, #tpu.memory_space<vmem>> -> memref<256xi32, #tpu.memory_space<vmem>>
    %dma_start3A_288 = arith.constant 0 : i32
    %dma_start3A_289 = tpu.memref_slice %dma_start3A_287[%dma_start3A_288] : memref<256xi32, #tpu.memory_space<vmem>> -> memref<128xi32, #tpu.memory_space<vmem>>
    %dma_start3A_290 = arith.constant 0 : i32
    %dma_start3A_291 = arith.constant 0 : i32
    %dma_start3A_292 = tpu.memref_slice %arg8[%dma_start3A_290, %dma_start3A_291] : memref<256x128xf32, #tpu.memory_space<vmem_shared>> -> memref<256x128xf32, #tpu.memory_space<vmem_shared>>
    tpu.enqueue_indirect_dma source(%dma_start3A_292 : memref<256x128xf32, #tpu.memory_space<vmem_shared>>) target(%dma_start3A_284 : memref<128x128xf32, #tpu.memory_space<vmem>>) offsets(%dma_start3A_289 : memref<128xi32, #tpu.memory_space<vmem>>) semaphore(%arg9 : memref<!tpu.dma_semaphore, #tpu.memory_space<semaphore_mem>>)
    %dma_start3A_293 = arith.constant 0 : i32
    %dma_start3A_294 = arith.constant 0 : i32
    %dma_start3A_295 = arith.constant 0 : i32
    %dma_start3A_296 = arith.constant 0 : i32
    %dma_start3A_297 = tpu.memref_slice %arg7[%dma_start3A_294, %dma_start3A_295, %dma_start3A_296] : memref<2x256x128xf32, #tpu.memory_space<vmem>> -> memref<1x256x128xf32, #tpu.memory_space<vmem>>
    %dma_start3A_298 = tpu.memref_squeeze %dma_start3A_297 : memref<1x256x128xf32, #tpu.memory_space<vmem>> -> memref<256x128xf32, #tpu.memory_space<vmem>>
    %dma_start3A_299 = arith.constant 128 : i32
    %dma_start3A_300 = arith.constant 0 : i32
    %dma_start3A_301 = tpu.memref_slice %dma_start3A_298[%dma_start3A_299, %dma_start3A_300] : memref<256x128xf32, #tpu.memory_space<vmem>> -> memref<128x128xf32, #tpu.memory_space<vmem>>
    %dma_start3A_302 = arith.constant 0 : i32
    %dma_start3A_303 = tpu.memref_slice %arg6[%dma_start3A_293, %dma_start3A_302] : memref<2x256xi32, #tpu.memory_space<vmem>> -> memref<1x256xi32, #tpu.memory_space<vmem>>
    %dma_start3A_304 = tpu.memref_squeeze %dma_start3A_303 : memref<1x256xi32, #tpu.memory_space<vmem>> -> memref<256xi32, #tpu.memory_space<vmem>>
    %dma_start3A_305 = arith.constant 128 : i32
    %dma_start3A_306 = tpu.memref_slice %dma_start3A_304[%dma_start3A_305] : memref<256xi32, #tpu.memory_space<vmem>> -> memref<128xi32, #tpu.memory_space<vmem>>
    %dma_start3A_307 = arith.constant 0 : i32
    %dma_start3A_308 = arith.constant 0 : i32
    %dma_start3A_309 = tpu.memref_slice %arg8[%dma_start3A_307, %dma_start3A_308] : memref<256x128xf32, #tpu.memory_space<vmem_shared>> -> memref<256x128xf32, #tpu.memory_space<vmem_shared>>
    tpu.enqueue_indirect_dma source(%dma_start3A_309 : memref<256x128xf32, #tpu.memory_space<vmem_shared>>) target(%dma_start3A_301 : memref<128x128xf32, #tpu.memory_space<vmem>>) offsets(%dma_start3A_306 : memref<128xi32, #tpu.memory_space<vmem>>) semaphore(%arg9 : memref<!tpu.dma_semaphore, #tpu.memory_space<semaphore_mem>>)
    %scan3A_310 = arith.constant 0 : i32
    %scan3A_311 = arith.constant 0 : i32
    %scan3A_312 = arith.constant 100 : i32
    %scan3A_313 = arith.addi %scan3A_311, %scan3A_312 : i32
    %scan3A_314 = arith.constant 1 : i32
    %scan3A_315 = scf.for %scan3A_331 = %scan3A_311 to %scan3A_313 step %scan3A_314 iter_args(%scan3A_332 = %scan3A_310) -> (i32)  : i32 {
      %mul3A_333 = arith.constant 2 : i32
      %mul3A_334 = arith.muli %scan3A_331, %mul3A_333 : i32
      %add3A_335 = arith.constant 0 : i32
      %add3A_336 = arith.addi %mul3A_334, %add3A_335 : i32
      %ge3A = arith.constant 1 : i32
      %ge3A_337 = arith.cmpi sge, %add3A_336, %ge3A : i32
      %convert_element_type3A_338 = arith.extui %ge3A_337 : i1 to i32
      %cond3A_339 = arith.constant 0 : i32
      %cond3A_340 = arith.cmpi ne, %convert_element_type3A_338, %cond3A_339 : i32
      scf.if %cond3A_340 {
        %sub3A = arith.constant 1 : i32
        %sub3A_429 = arith.subi %add3A_336, %sub3A : i32
        %mul3A_430 = arith.constant 256 : i32
        %mul3A_431 = arith.muli %sub3A_429, %mul3A_430 : i32
        %add3A_432 = arith.addi %mul3A_2, %mul3A_431 : i32
        %dma_wait3A_433 = arith.constant 1 : i32
        %dma_wait3A_434 = arith.constant 0 : i32
        %dma_wait3A_435 = arith.constant 0 : i32
        %dma_wait3A_436 = tpu.memref_slice %arg7[%dma_wait3A_433, %dma_wait3A_434, %dma_wait3A_435] : memref<2x256x128xf32, #tpu.memory_space<vmem>> -> memref<1x256x128xf32, #tpu.memory_space<vmem>>
        %dma_wait3A_437 = tpu.memref_squeeze %dma_wait3A_436 : memref<1x256x128xf32, #tpu.memory_space<vmem>> -> memref<256x128xf32, #tpu.memory_space<vmem>>
        %dma_wait3A_438 = arith.constant 0 : i32
        %dma_wait3A_439 = tpu.memref_slice %arg4[%add3A_432, %dma_wait3A_438] : memref<1638400x128xf32, #tpu.memory_space<hbm>> -> memref<256x128xf32, #tpu.memory_space<hbm>>
        %dma_wait3A_440 = arith.constant 0 : i32
        %dma_wait3A_441 = tpu.memref_slice %arg4[%add3A_432, %dma_wait3A_440] : memref<1638400x128xf32, #tpu.memory_space<hbm>> -> memref<256x128xf32, #tpu.memory_space<hbm>>
        %dma_wait3A_442 = arith.constant 0 : i32
        %dma_wait3A_443 = arith.constant 0 : i32
        %dma_wait3A_444 = tpu.memref_slice %arg7[%dma_wait3A_433, %dma_wait3A_442, %dma_wait3A_443] : memref<2x256x128xf32, #tpu.memory_space<vmem>> -> memref<1x256x128xf32, #tpu.memory_space<vmem>>
        %dma_wait3A_445 = tpu.memref_squeeze %dma_wait3A_444 : memref<1x256x128xf32, #tpu.memory_space<vmem>> -> memref<256x128xf32, #tpu.memory_space<vmem>>
        tpu.wait_dma2 semaphore(%arg12 : memref<!tpu.dma_semaphore, #tpu.memory_space<semaphore_mem>>) src(%dma_wait3A_445 : memref<256x128xf32, #tpu.memory_space<vmem>>) dst(%dma_wait3A_441 : memref<256x128xf32, #tpu.memory_space<hbm>>)
      } else {
      }
      %add3A_341 = arith.constant 1 : i32
      %add3A_342 = arith.addi %add3A_336, %add3A_341 : i32
      %lt3A_343 = arith.constant 200 : i32
      %lt3A_344 = arith.cmpi slt, %add3A_342, %lt3A_343 : i32
      %convert_element_type3A_345 = arith.extui %lt3A_344 : i1 to i32
      %cond3A_346 = arith.constant 0 : i32
      %cond3A_347 = arith.cmpi ne, %convert_element_type3A_345, %cond3A_346 : i32
      scf.if %cond3A_347 {
        %add3A_429 = arith.constant 1 : i32
        %add3A_430 = arith.addi %add3A_336, %add3A_429 : i32
        %mul3A_431 = arith.constant 256 : i32
        %mul3A_432 = arith.muli %add3A_430, %mul3A_431 : i32
        %add3A_433 = arith.constant 0 : i32
        %add3A_434 = arith.addi %mul3A_432, %add3A_433 : i32
        %jit3A_435 = arith.constant 400 : i32
        %div3A = arith.divsi %add3A_434, %jit3A_435 : i32
        %sign3A = arith.constant 0 : i32
        %sign3A_436 = arith.cmpi sgt, %add3A_434, %sign3A : i32
        %sign3A_437 = arith.extui %sign3A_436 : i1 to i32
        %sign3A_438 = arith.constant 0 : i32
        %sign3A_439 = arith.cmpi slt, %add3A_434, %sign3A_438 : i32
        %sign3A_440 = arith.extui %sign3A_439 : i1 to i32
        %sign3A_441 = arith.subi %sign3A_437, %sign3A_440 : i32
        %sign3A_442 = arith.constant 0 : i32
        %sign3A_443 = arith.cmpi sgt, %jit3A_435, %sign3A_442 : i32
        %sign3A_444 = arith.extui %sign3A_443 : i1 to i32
        %sign3A_445 = arith.constant 0 : i32
        %sign3A_446 = arith.cmpi slt, %jit3A_435, %sign3A_445 : i32
        %sign3A_447 = arith.extui %sign3A_446 : i1 to i32
        %sign3A_448 = arith.subi %sign3A_444, %sign3A_447 : i32
        %ne3A_449 = arith.cmpi ne, %sign3A_441, %sign3A_448 : i32
        %rem3A_450 = arith.remsi %add3A_434, %jit3A_435 : i32
        %ne3A_451 = arith.constant 0 : i32
        %ne3A_452 = arith.cmpi ne, %rem3A_450, %ne3A_451 : i32
        %and3A_453 = arith.andi %ne3A_449, %ne3A_452 : i1
        %sub3A = arith.constant 1 : i32
        %sub3A_454 = arith.subi %div3A, %sub3A : i32
        %select_n3A_455 = arith.select %and3A_453, %sub3A_454, %div3A : i32
        %jit3A_456 = arith.constant 400 : i32
        %eq3A_457 = arith.constant 0 : i32
        %eq3A_458 = arith.cmpi eq, %jit3A_456, %eq3A_457 : i32
        %jit3A_459 = arith.constant 1 : i32
        %select_n3A_460 = arith.select %eq3A_458, %jit3A_459, %jit3A_456 : i32
        %rem3A_461 = arith.remsi %add3A_434, %select_n3A_460 : i32
        %ne3A_462 = arith.constant 0 : i32
        %ne3A_463 = arith.cmpi ne, %rem3A_461, %ne3A_462 : i32
        %lt3A_464 = arith.constant 0 : i32
        %lt3A_465 = arith.cmpi slt, %rem3A_461, %lt3A_464 : i32
        %lt3A_466 = arith.constant 0 : i32
        %lt3A_467 = arith.cmpi slt, %select_n3A_460, %lt3A_466 : i32
        %ne3A_468 = arith.xori %lt3A_465, %lt3A_467 : i1
        %and3A_469 = arith.andi %ne3A_468, %ne3A_463 : i1
        %add3A_470 = arith.addi %rem3A_461, %select_n3A_460 : i32
        %select_n3A_471 = arith.select %and3A_469, %add3A_470, %rem3A_461 : i32
        %mul3A_472 = arith.constant 128 : i32
        %mul3A_473 = arith.muli %select_n3A_471, %mul3A_472 : i32
        %add3A_474 = arith.addi %mul3A_473, %select_n3A_455 : i32
        %add3A_475 = vector.broadcast %add3A_474 : i32 to vector<16xi32>
        %add3A_476 = arith.addi %mul3A_113, %add3A_475 : vector<16xi32>
        %gather3A_477 = tpu.vector_load_idx %arg5[%add3A_476] : memref<51200xi32, #tpu.memory_space<vmem>>[vector<16xi32>], vector<16xi32>,
        %add3A_478 = arith.addi %gather3A_477, %mul3A_133 : vector<16xi32>
        %swap3A_479 = arith.constant 1 : i32
        %swap3A_480 = arith.index_cast %swap3A_479 : i32 to index
        %swap3A_481 = arith.constant 0 : index
        %swap3A_482 = tpu.vector_load %arg6[%swap3A_480, %swap3A_481] {strides = array<i32>} : memref<2x256xi32, #tpu.memory_space<vmem>>, vector<16xi32>,
        tpu.vector_store %arg6[%swap3A_480, %swap3A_481], %add3A_478 {strides = array<i32>} : memref<2x256xi32, #tpu.memory_space<vmem>>, vector<16xi32>,
        %mul3A_483 = arith.constant 256 : i32
        %mul3A_484 = arith.muli %add3A_430, %mul3A_483 : i32
        %add3A_485 = arith.constant 16 : i32
        %add3A_486 = arith.addi %mul3A_484, %add3A_485 : i32
        %jit3A_487 = arith.constant 400 : i32
        %div3A_488 = arith.divsi %add3A_486, %jit3A_487 : i32
        %sign3A_489 = arith.constant 0 : i32
        %sign3A_490 = arith.cmpi sgt, %add3A_486, %sign3A_489 : i32
        %sign3A_491 = arith.extui %sign3A_490 : i1 to i32
        %sign3A_492 = arith.constant 0 : i32
        %sign3A_493 = arith.cmpi slt, %add3A_486, %sign3A_492 : i32
        %sign3A_494 = arith.extui %sign3A_493 : i1 to i32
        %sign3A_495 = arith.subi %sign3A_491, %sign3A_494 : i32
        %sign3A_496 = arith.constant 0 : i32
        %sign3A_497 = arith.cmpi sgt, %jit3A_487, %sign3A_496 : i32
        %sign3A_498 = arith.extui %sign3A_497 : i1 to i32
        %sign3A_499 = arith.constant 0 : i32
        %sign3A_500 = arith.cmpi slt, %jit3A_487, %sign3A_499 : i32
        %sign3A_501 = arith.extui %sign3A_500 : i1 to i32
        %sign3A_502 = arith.subi %sign3A_498, %sign3A_501 : i32
        %ne3A_503 = arith.cmpi ne, %sign3A_495, %sign3A_502 : i32
        %rem3A_504 = arith.remsi %add3A_486, %jit3A_487 : i32
        %ne3A_505 = arith.constant 0 : i32
        %ne3A_506 = arith.cmpi ne, %rem3A_504, %ne3A_505 : i32
        %and3A_507 = arith.andi %ne3A_503, %ne3A_506 : i1
        %sub3A_508 = arith.constant 1 : i32
        %sub3A_509 = arith.subi %div3A_488, %sub3A_508 : i32
        %select_n3A_510 = arith.select %and3A_507, %sub3A_509, %div3A_488 : i32
        %jit3A_511 = arith.constant 400 : i32
        %eq3A_512 = arith.constant 0 : i32
        %eq3A_513 = arith.cmpi eq, %jit3A_511, %eq3A_512 : i32
        %jit3A_514 = arith.constant 1 : i32
        %select_n3A_515 = arith.select %eq3A_513, %jit3A_514, %jit3A_511 : i32
        %rem3A_516 = arith.remsi %add3A_486, %select_n3A_515 : i32
        %ne3A_517 = arith.constant 0 : i32
        %ne3A_518 = arith.cmpi ne, %rem3A_516, %ne3A_517 : i32
        %lt3A_519 = arith.constant 0 : i32
        %lt3A_520 = arith.cmpi slt, %rem3A_516, %lt3A_519 : i32
        %lt3A_521 = arith.constant 0 : i32
        %lt3A_522 = arith.cmpi slt, %select_n3A_515, %lt3A_521 : i32
        %ne3A_523 = arith.xori %lt3A_520, %lt3A_522 : i1
        %and3A_524 = arith.andi %ne3A_523, %ne3A_518 : i1
        %add3A_525 = arith.addi %rem3A_516, %select_n3A_515 : i32
        %select_n3A_526 = arith.select %and3A_524, %add3A_525, %rem3A_516 : i32
        %mul3A_527 = arith.constant 128 : i32
        %mul3A_528 = arith.muli %select_n3A_526, %mul3A_527 : i32
        %add3A_529 = arith.addi %mul3A_528, %select_n3A_510 : i32
        %add3A_530 = vector.broadcast %add3A_529 : i32 to vector<16xi32>
        %add3A_531 = arith.addi %mul3A_113, %add3A_530 : vector<16xi32>
        %gather3A_532 = tpu.vector_load_idx %arg5[%add3A_531] : memref<51200xi32, #tpu.memory_space<vmem>>[vector<16xi32>], vector<16xi32>,
        %add3A_533 = arith.addi %gather3A_532, %mul3A_133 : vector<16xi32>
        %swap3A_534 = arith.constant 1 : i32
        %swap3A_535 = arith.index_cast %swap3A_534 : i32 to index
        %swap3A_536 = arith.constant 16 : index
        %swap3A_537 = tpu.vector_load %arg6[%swap3A_535, %swap3A_536] {strides = array<i32>} : memref<2x256xi32, #tpu.memory_space<vmem>>, vector<16xi32>,
        tpu.vector_store %arg6[%swap3A_535, %swap3A_536], %add3A_533 {strides = array<i32>} : memref<2x256xi32, #tpu.memory_space<vmem>>, vector<16xi32>,
        %mul3A_538 = arith.constant 256 : i32
        %mul3A_539 = arith.muli %add3A_430, %mul3A_538 : i32
        %add3A_540 = arith.constant 32 : i32
        %add3A_541 = arith.addi %mul3A_539, %add3A_540 : i32
        %jit3A_542 = arith.constant 400 : i32
        %div3A_543 = arith.divsi %add3A_541, %jit3A_542 : i32
        %sign3A_544 = arith.constant 0 : i32
        %sign3A_545 = arith.cmpi sgt, %add3A_541, %sign3A_544 : i32
        %sign3A_546 = arith.extui %sign3A_545 : i1 to i32
        %sign3A_547 = arith.constant 0 : i32
        %sign3A_548 = arith.cmpi slt, %add3A_541, %sign3A_547 : i32
        %sign3A_549 = arith.extui %sign3A_548 : i1 to i32
        %sign3A_550 = arith.subi %sign3A_546, %sign3A_549 : i32
        %sign3A_551 = arith.constant 0 : i32
        %sign3A_552 = arith.cmpi sgt, %jit3A_542, %sign3A_551 : i32
        %sign3A_553 = arith.extui %sign3A_552 : i1 to i32
        %sign3A_554 = arith.constant 0 : i32
        %sign3A_555 = arith.cmpi slt, %jit3A_542, %sign3A_554 : i32
        %sign3A_556 = arith.extui %sign3A_555 : i1 to i32
        %sign3A_557 = arith.subi %sign3A_553, %sign3A_556 : i32
        %ne3A_558 = arith.cmpi ne, %sign3A_550, %sign3A_557 : i32
        %rem3A_559 = arith.remsi %add3A_541, %jit3A_542 : i32
        %ne3A_560 = arith.constant 0 : i32
        %ne3A_561 = arith.cmpi ne, %rem3A_559, %ne3A_560 : i32
        %and3A_562 = arith.andi %ne3A_558, %ne3A_561 : i1
        %sub3A_563 = arith.constant 1 : i32
        %sub3A_564 = arith.subi %div3A_543, %sub3A_563 : i32
        %select_n3A_565 = arith.select %and3A_562, %sub3A_564, %div3A_543 : i32
        %jit3A_566 = arith.constant 400 : i32
        %eq3A_567 = arith.constant 0 : i32
        %eq3A_568 = arith.cmpi eq, %jit3A_566, %eq3A_567 : i32
        %jit3A_569 = arith.constant 1 : i32
        %select_n3A_570 = arith.select %eq3A_568, %jit3A_569, %jit3A_566 : i32
        %rem3A_571 = arith.remsi %add3A_541, %select_n3A_570 : i32
        %ne3A_572 = arith.constant 0 : i32
        %ne3A_573 = arith.cmpi ne, %rem3A_571, %ne3A_572 : i32
        %lt3A_574 = arith.constant 0 : i32
        %lt3A_575 = arith.cmpi slt, %rem3A_571, %lt3A_574 : i32
        %lt3A_576 = arith.constant 0 : i32
        %lt3A_577 = arith.cmpi slt, %select_n3A_570, %lt3A_576 : i32
        %ne3A_578 = arith.xori %lt3A_575, %lt3A_577 : i1
        %and3A_579 = arith.andi %ne3A_578, %ne3A_573 : i1
        %add3A_580 = arith.addi %rem3A_571, %select_n3A_570 : i32
        %select_n3A_581 = arith.select %and3A_579, %add3A_580, %rem3A_571 : i32
        %mul3A_582 = arith.constant 128 : i32
        %mul3A_583 = arith.muli %select_n3A_581, %mul3A_582 : i32
        %add3A_584 = arith.addi %mul3A_583, %select_n3A_565 : i32
        %add3A_585 = vector.broadcast %add3A_584 : i32 to vector<16xi32>
        %add3A_586 = arith.addi %mul3A_113, %add3A_585 : vector<16xi32>
        %gather3A_587 = tpu.vector_load_idx %arg5[%add3A_586] : memref<51200xi32, #tpu.memory_space<vmem>>[vector<16xi32>], vector<16xi32>,
        %add3A_588 = arith.addi %gather3A_587, %mul3A_133 : vector<16xi32>
        %swap3A_589 = arith.constant 1 : i32
        %swap3A_590 = arith.index_cast %swap3A_589 : i32 to index
        %swap3A_591 = arith.constant 32 : index
        %swap3A_592 = tpu.vector_load %arg6[%swap3A_590, %swap3A_591] {strides = array<i32>} : memref<2x256xi32, #tpu.memory_space<vmem>>, vector<16xi32>,
        tpu.vector_store %arg6[%swap3A_590, %swap3A_591], %add3A_588 {strides = array<i32>} : memref<2x256xi32, #tpu.memory_space<vmem>>, vector<16xi32>,
        %mul3A_593 = arith.constant 256 : i32
        %mul3A_594 = arith.muli %add3A_430, %mul3A_593 : i32
        %add3A_595 = arith.constant 48 : i32
        %add3A_596 = arith.addi %mul3A_594, %add3A_595 : i32
        %jit3A_597 = arith.constant 400 : i32
        %div3A_598 = arith.divsi %add3A_596, %jit3A_597 : i32
        %sign3A_599 = arith.constant 0 : i32
        %sign3A_600 = arith.cmpi sgt, %add3A_596, %sign3A_599 : i32
        %sign3A_601 = arith.extui %sign3A_600 : i1 to i32
        %sign3A_602 = arith.constant 0 : i32
        %sign3A_603 = arith.cmpi slt, %add3A_596, %sign3A_602 : i32
        %sign3A_604 = arith.extui %sign3A_603 : i1 to i32
        %sign3A_605 = arith.subi %sign3A_601, %sign3A_604 : i32
        %sign3A_606 = arith.constant 0 : i32
        %sign3A_607 = arith.cmpi sgt, %jit3A_597, %sign3A_606 : i32
        %sign3A_608 = arith.extui %sign3A_607 : i1 to i32
        %sign3A_609 = arith.constant 0 : i32
        %sign3A_610 = arith.cmpi slt, %jit3A_597, %sign3A_609 : i32
        %sign3A_611 = arith.extui %sign3A_610 : i1 to i32
        %sign3A_612 = arith.subi %sign3A_608, %sign3A_611 : i32
        %ne3A_613 = arith.cmpi ne, %sign3A_605, %sign3A_612 : i32
        %rem3A_614 = arith.remsi %add3A_596, %jit3A_597 : i32
        %ne3A_615 = arith.constant 0 : i32
        %ne3A_616 = arith.cmpi ne, %rem3A_614, %ne3A_615 : i32
        %and3A_617 = arith.andi %ne3A_613, %ne3A_616 : i1
        %sub3A_618 = arith.constant 1 : i32
        %sub3A_619 = arith.subi %div3A_598, %sub3A_618 : i32
        %select_n3A_620 = arith.select %and3A_617, %sub3A_619, %div3A_598 : i32
        %jit3A_621 = arith.constant 400 : i32
        %eq3A_622 = arith.constant 0 : i32
        %eq3A_623 = arith.cmpi eq, %jit3A_621, %eq3A_622 : i32
        %jit3A_624 = arith.constant 1 : i32
        %select_n3A_625 = arith.select %eq3A_623, %jit3A_624, %jit3A_621 : i32
        %rem3A_626 = arith.remsi %add3A_596, %select_n3A_625 : i32
        %ne3A_627 = arith.constant 0 : i32
        %ne3A_628 = arith.cmpi ne, %rem3A_626, %ne3A_627 : i32
        %lt3A_629 = arith.constant 0 : i32
        %lt3A_630 = arith.cmpi slt, %rem3A_626, %lt3A_629 : i32
        %lt3A_631 = arith.constant 0 : i32
        %lt3A_632 = arith.cmpi slt, %select_n3A_625, %lt3A_631 : i32
        %ne3A_633 = arith.xori %lt3A_630, %lt3A_632 : i1
        %and3A_634 = arith.andi %ne3A_633, %ne3A_628 : i1
        %add3A_635 = arith.addi %rem3A_626, %select_n3A_625 : i32
        %select_n3A_636 = arith.select %and3A_634, %add3A_635, %rem3A_626 : i32
        %mul3A_637 = arith.constant 128 : i32
        %mul3A_638 = arith.muli %select_n3A_636, %mul3A_637 : i32
        %add3A_639 = arith.addi %mul3A_638, %select_n3A_620 : i32
        %add3A_640 = vector.broadcast %add3A_639 : i32 to vector<16xi32>
        %add3A_641 = arith.addi %mul3A_113, %add3A_640 : vector<16xi32>
        %gather3A_642 = tpu.vector_load_idx %arg5[%add3A_641] : memref<51200xi32, #tpu.memory_space<vmem>>[vector<16xi32>], vector<16xi32>,
        %add3A_643 = arith.addi %gather3A_642, %mul3A_133 : vector<16xi32>
        %swap3A_644 = arith.constant 1 : i32
        %swap3A_645 = arith.index_cast %swap3A_644 : i32 to index
        %swap3A_646 = arith.constant 48 : index
        %swap3A_647 = tpu.vector_load %arg6[%swap3A_645, %swap3A_646] {strides = array<i32>} : memref<2x256xi32, #tpu.memory_space<vmem>>, vector<16xi32>,
        tpu.vector_store %arg6[%swap3A_645, %swap3A_646], %add3A_643 {strides = array<i32>} : memref<2x256xi32, #tpu.memory_space<vmem>>, vector<16xi32>,
        %mul3A_648 = arith.constant 256 : i32
        %mul3A_649 = arith.muli %add3A_430, %mul3A_648 : i32
        %add3A_650 = arith.constant 64 : i32
        %add3A_651 = arith.addi %mul3A_649, %add3A_650 : i32
        %jit3A_652 = arith.constant 400 : i32
        %div3A_653 = arith.divsi %add3A_651, %jit3A_652 : i32
        %sign3A_654 = arith.constant 0 : i32
        %sign3A_655 = arith.cmpi sgt, %add3A_651, %sign3A_654 : i32
        %sign3A_656 = arith.extui %sign3A_655 : i1 to i32
        %sign3A_657 = arith.constant 0 : i32
        %sign3A_658 = arith.cmpi slt, %add3A_651, %sign3A_657 : i32
        %sign3A_659 = arith.extui %sign3A_658 : i1 to i32
        %sign3A_660 = arith.subi %sign3A_656, %sign3A_659 : i32
        %sign3A_661 = arith.constant 0 : i32
        %sign3A_662 = arith.cmpi sgt, %jit3A_652, %sign3A_661 : i32
        %sign3A_663 = arith.extui %sign3A_662 : i1 to i32
        %sign3A_664 = arith.constant 0 : i32
        %sign3A_665 = arith.cmpi slt, %jit3A_652, %sign3A_664 : i32
        %sign3A_666 = arith.extui %sign3A_665 : i1 to i32
        %sign3A_667 = arith.subi %sign3A_663, %sign3A_666 : i32
        %ne3A_668 = arith.cmpi ne, %sign3A_660, %sign3A_667 : i32
        %rem3A_669 = arith.remsi %add3A_651, %jit3A_652 : i32
        %ne3A_670 = arith.constant 0 : i32
        %ne3A_671 = arith.cmpi ne, %rem3A_669, %ne3A_670 : i32
        %and3A_672 = arith.andi %ne3A_668, %ne3A_671 : i1
        %sub3A_673 = arith.constant 1 : i32
        %sub3A_674 = arith.subi %div3A_653, %sub3A_673 : i32
        %select_n3A_675 = arith.select %and3A_672, %sub3A_674, %div3A_653 : i32
        %jit3A_676 = arith.constant 400 : i32
        %eq3A_677 = arith.constant 0 : i32
        %eq3A_678 = arith.cmpi eq, %jit3A_676, %eq3A_677 : i32
        %jit3A_679 = arith.constant 1 : i32
        %select_n3A_680 = arith.select %eq3A_678, %jit3A_679, %jit3A_676 : i32
        %rem3A_681 = arith.remsi %add3A_651, %select_n3A_680 : i32
        %ne3A_682 = arith.constant 0 : i32
        %ne3A_683 = arith.cmpi ne, %rem3A_681, %ne3A_682 : i32
        %lt3A_684 = arith.constant 0 : i32
        %lt3A_685 = arith.cmpi slt, %rem3A_681, %lt3A_684 : i32
        %lt3A_686 = arith.constant 0 : i32
        %lt3A_687 = arith.cmpi slt, %select_n3A_680, %lt3A_686 : i32
        %ne3A_688 = arith.xori %lt3A_685, %lt3A_687 : i1
        %and3A_689 = arith.andi %ne3A_688, %ne3A_683 : i1
        %add3A_690 = arith.addi %rem3A_681, %select_n3A_680 : i32
        %select_n3A_691 = arith.select %and3A_689, %add3A_690, %rem3A_681 : i32
        %mul3A_692 = arith.constant 128 : i32
        %mul3A_693 = arith.muli %select_n3A_691, %mul3A_692 : i32
        %add3A_694 = arith.addi %mul3A_693, %select_n3A_675 : i32
        %add3A_695 = vector.broadcast %add3A_694 : i32 to vector<16xi32>
        %add3A_696 = arith.addi %mul3A_113, %add3A_695 : vector<16xi32>
        %gather3A_697 = tpu.vector_load_idx %arg5[%add3A_696] : memref<51200xi32, #tpu.memory_space<vmem>>[vector<16xi32>], vector<16xi32>,
        %add3A_698 = arith.addi %gather3A_697, %mul3A_133 : vector<16xi32>
        %swap3A_699 = arith.constant 1 : i32
        %swap3A_700 = arith.index_cast %swap3A_699 : i32 to index
        %swap3A_701 = arith.constant 64 : index
        %swap3A_702 = tpu.vector_load %arg6[%swap3A_700, %swap3A_701] {strides = array<i32>} : memref<2x256xi32, #tpu.memory_space<vmem>>, vector<16xi32>,
        tpu.vector_store %arg6[%swap3A_700, %swap3A_701], %add3A_698 {strides = array<i32>} : memref<2x256xi32, #tpu.memory_space<vmem>>, vector<16xi32>,
        %mul3A_703 = arith.constant 256 : i32
        %mul3A_704 = arith.muli %add3A_430, %mul3A_703 : i32
        %add3A_705 = arith.constant 80 : i32
        %add3A_706 = arith.addi %mul3A_704, %add3A_705 : i32
        %jit3A_707 = arith.constant 400 : i32
        %div3A_708 = arith.divsi %add3A_706, %jit3A_707 : i32
        %sign3A_709 = arith.constant 0 : i32
        %sign3A_710 = arith.cmpi sgt, %add3A_706, %sign3A_709 : i32
        %sign3A_711 = arith.extui %sign3A_710 : i1 to i32
        %sign3A_712 = arith.constant 0 : i32
        %sign3A_713 = arith.cmpi slt, %add3A_706, %sign3A_712 : i32
        %sign3A_714 = arith.extui %sign3A_713 : i1 to i32
        %sign3A_715 = arith.subi %sign3A_711, %sign3A_714 : i32
        %sign3A_716 = arith.constant 0 : i32
        %sign3A_717 = arith.cmpi sgt, %jit3A_707, %sign3A_716 : i32
        %sign3A_718 = arith.extui %sign3A_717 : i1 to i32
        %sign3A_719 = arith.constant 0 : i32
        %sign3A_720 = arith.cmpi slt, %jit3A_707, %sign3A_719 : i32
        %sign3A_721 = arith.extui %sign3A_720 : i1 to i32
        %sign3A_722 = arith.subi %sign3A_718, %sign3A_721 : i32
        %ne3A_723 = arith.cmpi ne, %sign3A_715, %sign3A_722 : i32
        %rem3A_724 = arith.remsi %add3A_706, %jit3A_707 : i32
        %ne3A_725 = arith.constant 0 : i32
        %ne3A_726 = arith.cmpi ne, %rem3A_724, %ne3A_725 : i32
        %and3A_727 = arith.andi %ne3A_723, %ne3A_726 : i1
        %sub3A_728 = arith.constant 1 : i32
        %sub3A_729 = arith.subi %div3A_708, %sub3A_728 : i32
        %select_n3A_730 = arith.select %and3A_727, %sub3A_729, %div3A_708 : i32
        %jit3A_731 = arith.constant 400 : i32
        %eq3A_732 = arith.constant 0 : i32
        %eq3A_733 = arith.cmpi eq, %jit3A_731, %eq3A_732 : i32
        %jit3A_734 = arith.constant 1 : i32
        %select_n3A_735 = arith.select %eq3A_733, %jit3A_734, %jit3A_731 : i32
        %rem3A_736 = arith.remsi %add3A_706, %select_n3A_735 : i32
        %ne3A_737 = arith.constant 0 : i32
        %ne3A_738 = arith.cmpi ne, %rem3A_736, %ne3A_737 : i32
        %lt3A_739 = arith.constant 0 : i32
        %lt3A_740 = arith.cmpi slt, %rem3A_736, %lt3A_739 : i32
        %lt3A_741 = arith.constant 0 : i32
        %lt3A_742 = arith.cmpi slt, %select_n3A_735, %lt3A_741 : i32
        %ne3A_743 = arith.xori %lt3A_740, %lt3A_742 : i1
        %and3A_744 = arith.andi %ne3A_743, %ne3A_738 : i1
        %add3A_745 = arith.addi %rem3A_736, %select_n3A_735 : i32
        %select_n3A_746 = arith.select %and3A_744, %add3A_745, %rem3A_736 : i32
        %mul3A_747 = arith.constant 128 : i32
        %mul3A_748 = arith.muli %select_n3A_746, %mul3A_747 : i32
        %add3A_749 = arith.addi %mul3A_748, %select_n3A_730 : i32
        %add3A_750 = vector.broadcast %add3A_749 : i32 to vector<16xi32>
        %add3A_751 = arith.addi %mul3A_113, %add3A_750 : vector<16xi32>
        %gather3A_752 = tpu.vector_load_idx %arg5[%add3A_751] : memref<51200xi32, #tpu.memory_space<vmem>>[vector<16xi32>], vector<16xi32>,
        %add3A_753 = arith.addi %gather3A_752, %mul3A_133 : vector<16xi32>
        %swap3A_754 = arith.constant 1 : i32
        %swap3A_755 = arith.index_cast %swap3A_754 : i32 to index
        %swap3A_756 = arith.constant 80 : index
        %swap3A_757 = tpu.vector_load %arg6[%swap3A_755, %swap3A_756] {strides = array<i32>} : memref<2x256xi32, #tpu.memory_space<vmem>>, vector<16xi32>,
        tpu.vector_store %arg6[%swap3A_755, %swap3A_756], %add3A_753 {strides = array<i32>} : memref<2x256xi32, #tpu.memory_space<vmem>>, vector<16xi32>,
        %mul3A_758 = arith.constant 256 : i32
        %mul3A_759 = arith.muli %add3A_430, %mul3A_758 : i32
        %add3A_760 = arith.constant 96 : i32
        %add3A_761 = arith.addi %mul3A_759, %add3A_760 : i32
        %jit3A_762 = arith.constant 400 : i32
        %div3A_763 = arith.divsi %add3A_761, %jit3A_762 : i32
        %sign3A_764 = arith.constant 0 : i32
        %sign3A_765 = arith.cmpi sgt, %add3A_761, %sign3A_764 : i32
        %sign3A_766 = arith.extui %sign3A_765 : i1 to i32
        %sign3A_767 = arith.constant 0 : i32
        %sign3A_768 = arith.cmpi slt, %add3A_761, %sign3A_767 : i32
        %sign3A_769 = arith.extui %sign3A_768 : i1 to i32
        %sign3A_770 = arith.subi %sign3A_766, %sign3A_769 : i32
        %sign3A_771 = arith.constant 0 : i32
        %sign3A_772 = arith.cmpi sgt, %jit3A_762, %sign3A_771 : i32
        %sign3A_773 = arith.extui %sign3A_772 : i1 to i32
        %sign3A_774 = arith.constant 0 : i32
        %sign3A_775 = arith.cmpi slt, %jit3A_762, %sign3A_774 : i32
        %sign3A_776 = arith.extui %sign3A_775 : i1 to i32
        %sign3A_777 = arith.subi %sign3A_773, %sign3A_776 : i32
        %ne3A_778 = arith.cmpi ne, %sign3A_770, %sign3A_777 : i32
        %rem3A_779 = arith.remsi %add3A_761, %jit3A_762 : i32
        %ne3A_780 = arith.constant 0 : i32
        %ne3A_781 = arith.cmpi ne, %rem3A_779, %ne3A_780 : i32
        %and3A_782 = arith.andi %ne3A_778, %ne3A_781 : i1
        %sub3A_783 = arith.constant 1 : i32
        %sub3A_784 = arith.subi %div3A_763, %sub3A_783 : i32
        %select_n3A_785 = arith.select %and3A_782, %sub3A_784, %div3A_763 : i32
        %jit3A_786 = arith.constant 400 : i32
        %eq3A_787 = arith.constant 0 : i32
        %eq3A_788 = arith.cmpi eq, %jit3A_786, %eq3A_787 : i32
        %jit3A_789 = arith.constant 1 : i32
        %select_n3A_790 = arith.select %eq3A_788, %jit3A_789, %jit3A_786 : i32
        %rem3A_791 = arith.remsi %add3A_761, %select_n3A_790 : i32
        %ne3A_792 = arith.constant 0 : i32
        %ne3A_793 = arith.cmpi ne, %rem3A_791, %ne3A_792 : i32
        %lt3A_794 = arith.constant 0 : i32
        %lt3A_795 = arith.cmpi slt, %rem3A_791, %lt3A_794 : i32
        %lt3A_796 = arith.constant 0 : i32
        %lt3A_797 = arith.cmpi slt, %select_n3A_790, %lt3A_796 : i32
        %ne3A_798 = arith.xori %lt3A_795, %lt3A_797 : i1
        %and3A_799 = arith.andi %ne3A_798, %ne3A_793 : i1
        %add3A_800 = arith.addi %rem3A_791, %select_n3A_790 : i32
        %select_n3A_801 = arith.select %and3A_799, %add3A_800, %rem3A_791 : i32
        %mul3A_802 = arith.constant 128 : i32
        %mul3A_803 = arith.muli %select_n3A_801, %mul3A_802 : i32
        %add3A_804 = arith.addi %mul3A_803, %select_n3A_785 : i32
        %add3A_805 = vector.broadcast %add3A_804 : i32 to vector<16xi32>
        %add3A_806 = arith.addi %mul3A_113, %add3A_805 : vector<16xi32>
        %gather3A_807 = tpu.vector_load_idx %arg5[%add3A_806] : memref<51200xi32, #tpu.memory_space<vmem>>[vector<16xi32>], vector<16xi32>,
        %add3A_808 = arith.addi %gather3A_807, %mul3A_133 : vector<16xi32>
        %swap3A_809 = arith.constant 1 : i32
        %swap3A_810 = arith.index_cast %swap3A_809 : i32 to index
        %swap3A_811 = arith.constant 96 : index
        %swap3A_812 = tpu.vector_load %arg6[%swap3A_810, %swap3A_811] {strides = array<i32>} : memref<2x256xi32, #tpu.memory_space<vmem>>, vector<16xi32>,
        tpu.vector_store %arg6[%swap3A_810, %swap3A_811], %add3A_808 {strides = array<i32>} : memref<2x256xi32, #tpu.memory_space<vmem>>, vector<16xi32>,
        %mul3A_813 = arith.constant 256 : i32
        %mul3A_814 = arith.muli %add3A_430, %mul3A_813 : i32
        %add3A_815 = arith.constant 112 : i32
        %add3A_816 = arith.addi %mul3A_814, %add3A_815 : i32
        %jit3A_817 = arith.constant 400 : i32
        %div3A_818 = arith.divsi %add3A_816, %jit3A_817 : i32
        %sign3A_819 = arith.constant 0 : i32
        %sign3A_820 = arith.cmpi sgt, %add3A_816, %sign3A_819 : i32
        %sign3A_821 = arith.extui %sign3A_820 : i1 to i32
        %sign3A_822 = arith.constant 0 : i32
        %sign3A_823 = arith.cmpi slt, %add3A_816, %sign3A_822 : i32
        %sign3A_824 = arith.extui %sign3A_823 : i1 to i32
        %sign3A_825 = arith.subi %sign3A_821, %sign3A_824 : i32
        %sign3A_826 = arith.constant 0 : i32
        %sign3A_827 = arith.cmpi sgt, %jit3A_817, %sign3A_826 : i32
        %sign3A_828 = arith.extui %sign3A_827 : i1 to i32
        %sign3A_829 = arith.constant 0 : i32
        %sign3A_830 = arith.cmpi slt, %jit3A_817, %sign3A_829 : i32
        %sign3A_831 = arith.extui %sign3A_830 : i1 to i32
        %sign3A_832 = arith.subi %sign3A_828, %sign3A_831 : i32
        %ne3A_833 = arith.cmpi ne, %sign3A_825, %sign3A_832 : i32
        %rem3A_834 = arith.remsi %add3A_816, %jit3A_817 : i32
        %ne3A_835 = arith.constant 0 : i32
        %ne3A_836 = arith.cmpi ne, %rem3A_834, %ne3A_835 : i32
        %and3A_837 = arith.andi %ne3A_833, %ne3A_836 : i1
        %sub3A_838 = arith.constant 1 : i32
        %sub3A_839 = arith.subi %div3A_818, %sub3A_838 : i32
        %select_n3A_840 = arith.select %and3A_837, %sub3A_839, %div3A_818 : i32
        %jit3A_841 = arith.constant 400 : i32
        %eq3A_842 = arith.constant 0 : i32
        %eq3A_843 = arith.cmpi eq, %jit3A_841, %eq3A_842 : i32
        %jit3A_844 = arith.constant 1 : i32
        %select_n3A_845 = arith.select %eq3A_843, %jit3A_844, %jit3A_841 : i32
        %rem3A_846 = arith.remsi %add3A_816, %select_n3A_845 : i32
        %ne3A_847 = arith.constant 0 : i32
        %ne3A_848 = arith.cmpi ne, %rem3A_846, %ne3A_847 : i32
        %lt3A_849 = arith.constant 0 : i32
        %lt3A_850 = arith.cmpi slt, %rem3A_846, %lt3A_849 : i32
        %lt3A_851 = arith.constant 0 : i32
        %lt3A_852 = arith.cmpi slt, %select_n3A_845, %lt3A_851 : i32
        %ne3A_853 = arith.xori %lt3A_850, %lt3A_852 : i1
        %and3A_854 = arith.andi %ne3A_853, %ne3A_848 : i1
        %add3A_855 = arith.addi %rem3A_846, %select_n3A_845 : i32
        %select_n3A_856 = arith.select %and3A_854, %add3A_855, %rem3A_846 : i32
        %mul3A_857 = arith.constant 128 : i32
        %mul3A_858 = arith.muli %select_n3A_856, %mul3A_857 : i32
        %add3A_859 = arith.addi %mul3A_858, %select_n3A_840 : i32
        %add3A_860 = vector.broadcast %add3A_859 : i32 to vector<16xi32>
        %add3A_861 = arith.addi %mul3A_113, %add3A_860 : vector<16xi32>
        %gather3A_862 = tpu.vector_load_idx %arg5[%add3A_861] : memref<51200xi32, #tpu.memory_space<vmem>>[vector<16xi32>], vector<16xi32>,
        %add3A_863 = arith.addi %gather3A_862, %mul3A_133 : vector<16xi32>
        %swap3A_864 = arith.constant 1 : i32
        %swap3A_865 = arith.index_cast %swap3A_864 : i32 to index
        %swap3A_866 = arith.constant 112 : index
        %swap3A_867 = tpu.vector_load %arg6[%swap3A_865, %swap3A_866] {strides = array<i32>} : memref<2x256xi32, #tpu.memory_space<vmem>>, vector<16xi32>,
        tpu.vector_store %arg6[%swap3A_865, %swap3A_866], %add3A_863 {strides = array<i32>} : memref<2x256xi32, #tpu.memory_space<vmem>>, vector<16xi32>,
        %mul3A_868 = arith.constant 256 : i32
        %mul3A_869 = arith.muli %add3A_430, %mul3A_868 : i32
        %add3A_870 = arith.constant 128 : i32
        %add3A_871 = arith.addi %mul3A_869, %add3A_870 : i32
        %jit3A_872 = arith.constant 400 : i32
        %div3A_873 = arith.divsi %add3A_871, %jit3A_872 : i32
        %sign3A_874 = arith.constant 0 : i32
        %sign3A_875 = arith.cmpi sgt, %add3A_871, %sign3A_874 : i32
        %sign3A_876 = arith.extui %sign3A_875 : i1 to i32
        %sign3A_877 = arith.constant 0 : i32
        %sign3A_878 = arith.cmpi slt, %add3A_871, %sign3A_877 : i32
        %sign3A_879 = arith.extui %sign3A_878 : i1 to i32
        %sign3A_880 = arith.subi %sign3A_876, %sign3A_879 : i32
        %sign3A_881 = arith.constant 0 : i32
        %sign3A_882 = arith.cmpi sgt, %jit3A_872, %sign3A_881 : i32
        %sign3A_883 = arith.extui %sign3A_882 : i1 to i32
        %sign3A_884 = arith.constant 0 : i32
        %sign3A_885 = arith.cmpi slt, %jit3A_872, %sign3A_884 : i32
        %sign3A_886 = arith.extui %sign3A_885 : i1 to i32
        %sign3A_887 = arith.subi %sign3A_883, %sign3A_886 : i32
        %ne3A_888 = arith.cmpi ne, %sign3A_880, %sign3A_887 : i32
        %rem3A_889 = arith.remsi %add3A_871, %jit3A_872 : i32
        %ne3A_890 = arith.constant 0 : i32
        %ne3A_891 = arith.cmpi ne, %rem3A_889, %ne3A_890 : i32
        %and3A_892 = arith.andi %ne3A_888, %ne3A_891 : i1
        %sub3A_893 = arith.constant 1 : i32
        %sub3A_894 = arith.subi %div3A_873, %sub3A_893 : i32
        %select_n3A_895 = arith.select %and3A_892, %sub3A_894, %div3A_873 : i32
        %jit3A_896 = arith.constant 400 : i32
        %eq3A_897 = arith.constant 0 : i32
        %eq3A_898 = arith.cmpi eq, %jit3A_896, %eq3A_897 : i32
        %jit3A_899 = arith.constant 1 : i32
        %select_n3A_900 = arith.select %eq3A_898, %jit3A_899, %jit3A_896 : i32
        %rem3A_901 = arith.remsi %add3A_871, %select_n3A_900 : i32
        %ne3A_902 = arith.constant 0 : i32
        %ne3A_903 = arith.cmpi ne, %rem3A_901, %ne3A_902 : i32
        %lt3A_904 = arith.constant 0 : i32
        %lt3A_905 = arith.cmpi slt, %rem3A_901, %lt3A_904 : i32
        %lt3A_906 = arith.constant 0 : i32
        %lt3A_907 = arith.cmpi slt, %select_n3A_900, %lt3A_906 : i32
        %ne3A_908 = arith.xori %lt3A_905, %lt3A_907 : i1
        %and3A_909 = arith.andi %ne3A_908, %ne3A_903 : i1
        %add3A_910 = arith.addi %rem3A_901, %select_n3A_900 : i32
        %select_n3A_911 = arith.select %and3A_909, %add3A_910, %rem3A_901 : i32
        %mul3A_912 = arith.constant 128 : i32
        %mul3A_913 = arith.muli %select_n3A_911, %mul3A_912 : i32
        %add3A_914 = arith.addi %mul3A_913, %select_n3A_895 : i32
        %add3A_915 = vector.broadcast %add3A_914 : i32 to vector<16xi32>
        %add3A_916 = arith.addi %mul3A_113, %add3A_915 : vector<16xi32>
        %gather3A_917 = tpu.vector_load_idx %arg5[%add3A_916] : memref<51200xi32, #tpu.memory_space<vmem>>[vector<16xi32>], vector<16xi32>,
        %add3A_918 = arith.addi %gather3A_917, %mul3A_133 : vector<16xi32>
        %swap3A_919 = arith.constant 1 : i32
        %swap3A_920 = arith.index_cast %swap3A_919 : i32 to index
        %swap3A_921 = arith.constant 128 : index
        %swap3A_922 = tpu.vector_load %arg6[%swap3A_920, %swap3A_921] {strides = array<i32>} : memref<2x256xi32, #tpu.memory_space<vmem>>, vector<16xi32>,
        tpu.vector_store %arg6[%swap3A_920, %swap3A_921], %add3A_918 {strides = array<i32>} : memref<2x256xi32, #tpu.memory_space<vmem>>, vector<16xi32>,
        %mul3A_923 = arith.constant 256 : i32
        %mul3A_924 = arith.muli %add3A_430, %mul3A_923 : i32
        %add3A_925 = arith.constant 144 : i32
        %add3A_926 = arith.addi %mul3A_924, %add3A_925 : i32
        %jit3A_927 = arith.constant 400 : i32
        %div3A_928 = arith.divsi %add3A_926, %jit3A_927 : i32
        %sign3A_929 = arith.constant 0 : i32
        %sign3A_930 = arith.cmpi sgt, %add3A_926, %sign3A_929 : i32
        %sign3A_931 = arith.extui %sign3A_930 : i1 to i32
        %sign3A_932 = arith.constant 0 : i32
        %sign3A_933 = arith.cmpi slt, %add3A_926, %sign3A_932 : i32
        %sign3A_934 = arith.extui %sign3A_933 : i1 to i32
        %sign3A_935 = arith.subi %sign3A_931, %sign3A_934 : i32
        %sign3A_936 = arith.constant 0 : i32
        %sign3A_937 = arith.cmpi sgt, %jit3A_927, %sign3A_936 : i32
        %sign3A_938 = arith.extui %sign3A_937 : i1 to i32
        %sign3A_939 = arith.constant 0 : i32
        %sign3A_940 = arith.cmpi slt, %jit3A_927, %sign3A_939 : i32
        %sign3A_941 = arith.extui %sign3A_940 : i1 to i32
        %sign3A_942 = arith.subi %sign3A_938, %sign3A_941 : i32
        %ne3A_943 = arith.cmpi ne, %sign3A_935, %sign3A_942 : i32
        %rem3A_944 = arith.remsi %add3A_926, %jit3A_927 : i32
        %ne3A_945 = arith.constant 0 : i32
        %ne3A_946 = arith.cmpi ne, %rem3A_944, %ne3A_945 : i32
        %and3A_947 = arith.andi %ne3A_943, %ne3A_946 : i1
        %sub3A_948 = arith.constant 1 : i32
        %sub3A_949 = arith.subi %div3A_928, %sub3A_948 : i32
        %select_n3A_950 = arith.select %and3A_947, %sub3A_949, %div3A_928 : i32
        %jit3A_951 = arith.constant 400 : i32
        %eq3A_952 = arith.constant 0 : i32
        %eq3A_953 = arith.cmpi eq, %jit3A_951, %eq3A_952 : i32
        %jit3A_954 = arith.constant 1 : i32
        %select_n3A_955 = arith.select %eq3A_953, %jit3A_954, %jit3A_951 : i32
        %rem3A_956 = arith.remsi %add3A_926, %select_n3A_955 : i32
        %ne3A_957 = arith.constant 0 : i32
        %ne3A_958 = arith.cmpi ne, %rem3A_956, %ne3A_957 : i32
        %lt3A_959 = arith.constant 0 : i32
        %lt3A_960 = arith.cmpi slt, %rem3A_956, %lt3A_959 : i32
        %lt3A_961 = arith.constant 0 : i32
        %lt3A_962 = arith.cmpi slt, %select_n3A_955, %lt3A_961 : i32
        %ne3A_963 = arith.xori %lt3A_960, %lt3A_962 : i1
        %and3A_964 = arith.andi %ne3A_963, %ne3A_958 : i1
        %add3A_965 = arith.addi %rem3A_956, %select_n3A_955 : i32
        %select_n3A_966 = arith.select %and3A_964, %add3A_965, %rem3A_956 : i32
        %mul3A_967 = arith.constant 128 : i32
        %mul3A_968 = arith.muli %select_n3A_966, %mul3A_967 : i32
        %add3A_969 = arith.addi %mul3A_968, %select_n3A_950 : i32
        %add3A_970 = vector.broadcast %add3A_969 : i32 to vector<16xi32>
        %add3A_971 = arith.addi %mul3A_113, %add3A_970 : vector<16xi32>
        %gather3A_972 = tpu.vector_load_idx %arg5[%add3A_971] : memref<51200xi32, #tpu.memory_space<vmem>>[vector<16xi32>], vector<16xi32>,
        %add3A_973 = arith.addi %gather3A_972, %mul3A_133 : vector<16xi32>
        %swap3A_974 = arith.constant 1 : i32
        %swap3A_975 = arith.index_cast %swap3A_974 : i32 to index
        %swap3A_976 = arith.constant 144 : index
        %swap3A_977 = tpu.vector_load %arg6[%swap3A_975, %swap3A_976] {strides = array<i32>} : memref<2x256xi32, #tpu.memory_space<vmem>>, vector<16xi32>,
        tpu.vector_store %arg6[%swap3A_975, %swap3A_976], %add3A_973 {strides = array<i32>} : memref<2x256xi32, #tpu.memory_space<vmem>>, vector<16xi32>,
        %mul3A_978 = arith.constant 256 : i32
        %mul3A_979 = arith.muli %add3A_430, %mul3A_978 : i32
        %add3A_980 = arith.constant 160 : i32
        %add3A_981 = arith.addi %mul3A_979, %add3A_980 : i32
        %jit3A_982 = arith.constant 400 : i32
        %div3A_983 = arith.divsi %add3A_981, %jit3A_982 : i32
        %sign3A_984 = arith.constant 0 : i32
        %sign3A_985 = arith.cmpi sgt, %add3A_981, %sign3A_984 : i32
        %sign3A_986 = arith.extui %sign3A_985 : i1 to i32
        %sign3A_987 = arith.constant 0 : i32
        %sign3A_988 = arith.cmpi slt, %add3A_981, %sign3A_987 : i32
        %sign3A_989 = arith.extui %sign3A_988 : i1 to i32
        %sign3A_990 = arith.subi %sign3A_986, %sign3A_989 : i32
        %sign3A_991 = arith.constant 0 : i32
        %sign3A_992 = arith.cmpi sgt, %jit3A_982, %sign3A_991 : i32
        %sign3A_993 = arith.extui %sign3A_992 : i1 to i32
        %sign3A_994 = arith.constant 0 : i32
        %sign3A_995 = arith.cmpi slt, %jit3A_982, %sign3A_994 : i32
        %sign3A_996 = arith.extui %sign3A_995 : i1 to i32
        %sign3A_997 = arith.subi %sign3A_993, %sign3A_996 : i32
        %ne3A_998 = arith.cmpi ne, %sign3A_990, %sign3A_997 : i32
        %rem3A_999 = arith.remsi %add3A_981, %jit3A_982 : i32
        %ne3A_1000 = arith.constant 0 : i32
        %ne3A_1001 = arith.cmpi ne, %rem3A_999, %ne3A_1000 : i32
        %and3A_1002 = arith.andi %ne3A_998, %ne3A_1001 : i1
        %sub3A_1003 = arith.constant 1 : i32
        %sub3A_1004 = arith.subi %div3A_983, %sub3A_1003 : i32
        %select_n3A_1005 = arith.select %and3A_1002, %sub3A_1004, %div3A_983 : i32
        %jit3A_1006 = arith.constant 400 : i32
        %eq3A_1007 = arith.constant 0 : i32
        %eq3A_1008 = arith.cmpi eq, %jit3A_1006, %eq3A_1007 : i32
        %jit3A_1009 = arith.constant 1 : i32
        %select_n3A_1010 = arith.select %eq3A_1008, %jit3A_1009, %jit3A_1006 : i32
        %rem3A_1011 = arith.remsi %add3A_981, %select_n3A_1010 : i32
        %ne3A_1012 = arith.constant 0 : i32
        %ne3A_1013 = arith.cmpi ne, %rem3A_1011, %ne3A_1012 : i32
        %lt3A_1014 = arith.constant 0 : i32
        %lt3A_1015 = arith.cmpi slt, %rem3A_1011, %lt3A_1014 : i32
        %lt3A_1016 = arith.constant 0 : i32
        %lt3A_1017 = arith.cmpi slt, %select_n3A_1010, %lt3A_1016 : i32
        %ne3A_1018 = arith.xori %lt3A_1015, %lt3A_1017 : i1
        %and3A_1019 = arith.andi %ne3A_1018, %ne3A_1013 : i1
        %add3A_1020 = arith.addi %rem3A_1011, %select_n3A_1010 : i32
        %select_n3A_1021 = arith.select %and3A_1019, %add3A_1020, %rem3A_1011 : i32
        %mul3A_1022 = arith.constant 128 : i32
        %mul3A_1023 = arith.muli %select_n3A_1021, %mul3A_1022 : i32
        %add3A_1024 = arith.addi %mul3A_1023, %select_n3A_1005 : i32
        %add3A_1025 = vector.broadcast %add3A_1024 : i32 to vector<16xi32>
        %add3A_1026 = arith.addi %mul3A_113, %add3A_1025 : vector<16xi32>
        %gather3A_1027 = tpu.vector_load_idx %arg5[%add3A_1026] : memref<51200xi32, #tpu.memory_space<vmem>>[vector<16xi32>], vector<16xi32>,
        %add3A_1028 = arith.addi %gather3A_1027, %mul3A_133 : vector<16xi32>
        %swap3A_1029 = arith.constant 1 : i32
        %swap3A_1030 = arith.index_cast %swap3A_1029 : i32 to index
        %swap3A_1031 = arith.constant 160 : index
        %swap3A_1032 = tpu.vector_load %arg6[%swap3A_1030, %swap3A_1031] {strides = array<i32>} : memref<2x256xi32, #tpu.memory_space<vmem>>, vector<16xi32>,
        tpu.vector_store %arg6[%swap3A_1030, %swap3A_1031], %add3A_1028 {strides = array<i32>} : memref<2x256xi32, #tpu.memory_space<vmem>>, vector<16xi32>,
        %mul3A_1033 = arith.constant 256 : i32
        %mul3A_1034 = arith.muli %add3A_430, %mul3A_1033 : i32
        %add3A_1035 = arith.constant 176 : i32
        %add3A_1036 = arith.addi %mul3A_1034, %add3A_1035 : i32
        %jit3A_1037 = arith.constant 400 : i32
        %div3A_1038 = arith.divsi %add3A_1036, %jit3A_1037 : i32
        %sign3A_1039 = arith.constant 0 : i32
        %sign3A_1040 = arith.cmpi sgt, %add3A_1036, %sign3A_1039 : i32
        %sign3A_1041 = arith.extui %sign3A_1040 : i1 to i32
        %sign3A_1042 = arith.constant 0 : i32
        %sign3A_1043 = arith.cmpi slt, %add3A_1036, %sign3A_1042 : i32
        %sign3A_1044 = arith.extui %sign3A_1043 : i1 to i32
        %sign3A_1045 = arith.subi %sign3A_1041, %sign3A_1044 : i32
        %sign3A_1046 = arith.constant 0 : i32
        %sign3A_1047 = arith.cmpi sgt, %jit3A_1037, %sign3A_1046 : i32
        %sign3A_1048 = arith.extui %sign3A_1047 : i1 to i32
        %sign3A_1049 = arith.constant 0 : i32
        %sign3A_1050 = arith.cmpi slt, %jit3A_1037, %sign3A_1049 : i32
        %sign3A_1051 = arith.extui %sign3A_1050 : i1 to i32
        %sign3A_1052 = arith.subi %sign3A_1048, %sign3A_1051 : i32
        %ne3A_1053 = arith.cmpi ne, %sign3A_1045, %sign3A_1052 : i32
        %rem3A_1054 = arith.remsi %add3A_1036, %jit3A_1037 : i32
        %ne3A_1055 = arith.constant 0 : i32
        %ne3A_1056 = arith.cmpi ne, %rem3A_1054, %ne3A_1055 : i32
        %and3A_1057 = arith.andi %ne3A_1053, %ne3A_1056 : i1
        %sub3A_1058 = arith.constant 1 : i32
        %sub3A_1059 = arith.subi %div3A_1038, %sub3A_1058 : i32
        %select_n3A_1060 = arith.select %and3A_1057, %sub3A_1059, %div3A_1038 : i32
        %jit3A_1061 = arith.constant 400 : i32
        %eq3A_1062 = arith.constant 0 : i32
        %eq3A_1063 = arith.cmpi eq, %jit3A_1061, %eq3A_1062 : i32
        %jit3A_1064 = arith.constant 1 : i32
        %select_n3A_1065 = arith.select %eq3A_1063, %jit3A_1064, %jit3A_1061 : i32
        %rem3A_1066 = arith.remsi %add3A_1036, %select_n3A_1065 : i32
        %ne3A_1067 = arith.constant 0 : i32
        %ne3A_1068 = arith.cmpi ne, %rem3A_1066, %ne3A_1067 : i32
        %lt3A_1069 = arith.constant 0 : i32
        %lt3A_1070 = arith.cmpi slt, %rem3A_1066, %lt3A_1069 : i32
        %lt3A_1071 = arith.constant 0 : i32
        %lt3A_1072 = arith.cmpi slt, %select_n3A_1065, %lt3A_1071 : i32
        %ne3A_1073 = arith.xori %lt3A_1070, %lt3A_1072 : i1
        %and3A_1074 = arith.andi %ne3A_1073, %ne3A_1068 : i1
        %add3A_1075 = arith.addi %rem3A_1066, %select_n3A_1065 : i32
        %select_n3A_1076 = arith.select %and3A_1074, %add3A_1075, %rem3A_1066 : i32
        %mul3A_1077 = arith.constant 128 : i32
        %mul3A_1078 = arith.muli %select_n3A_1076, %mul3A_1077 : i32
        %add3A_1079 = arith.addi %mul3A_1078, %select_n3A_1060 : i32
        %add3A_1080 = vector.broadcast %add3A_1079 : i32 to vector<16xi32>
        %add3A_1081 = arith.addi %mul3A_113, %add3A_1080 : vector<16xi32>
        %gather3A_1082 = tpu.vector_load_idx %arg5[%add3A_1081] : memref<51200xi32, #tpu.memory_space<vmem>>[vector<16xi32>], vector<16xi32>,
        %add3A_1083 = arith.addi %gather3A_1082, %mul3A_133 : vector<16xi32>
        %swap3A_1084 = arith.constant 1 : i32
        %swap3A_1085 = arith.index_cast %swap3A_1084 : i32 to index
        %swap3A_1086 = arith.constant 176 : index
        %swap3A_1087 = tpu.vector_load %arg6[%swap3A_1085, %swap3A_1086] {strides = array<i32>} : memref<2x256xi32, #tpu.memory_space<vmem>>, vector<16xi32>,
        tpu.vector_store %arg6[%swap3A_1085, %swap3A_1086], %add3A_1083 {strides = array<i32>} : memref<2x256xi32, #tpu.memory_space<vmem>>, vector<16xi32>,
        %mul3A_1088 = arith.constant 256 : i32
        %mul3A_1089 = arith.muli %add3A_430, %mul3A_1088 : i32
        %add3A_1090 = arith.constant 192 : i32
        %add3A_1091 = arith.addi %mul3A_1089, %add3A_1090 : i32
        %jit3A_1092 = arith.constant 400 : i32
        %div3A_1093 = arith.divsi %add3A_1091, %jit3A_1092 : i32
        %sign3A_1094 = arith.constant 0 : i32
        %sign3A_1095 = arith.cmpi sgt, %add3A_1091, %sign3A_1094 : i32
        %sign3A_1096 = arith.extui %sign3A_1095 : i1 to i32
        %sign3A_1097 = arith.constant 0 : i32
        %sign3A_1098 = arith.cmpi slt, %add3A_1091, %sign3A_1097 : i32
        %sign3A_1099 = arith.extui %sign3A_1098 : i1 to i32
        %sign3A_1100 = arith.subi %sign3A_1096, %sign3A_1099 : i32
        %sign3A_1101 = arith.constant 0 : i32
        %sign3A_1102 = arith.cmpi sgt, %jit3A_1092, %sign3A_1101 : i32
        %sign3A_1103 = arith.extui %sign3A_1102 : i1 to i32
        %sign3A_1104 = arith.constant 0 : i32
        %sign3A_1105 = arith.cmpi slt, %jit3A_1092, %sign3A_1104 : i32
        %sign3A_1106 = arith.extui %sign3A_1105 : i1 to i32
        %sign3A_1107 = arith.subi %sign3A_1103, %sign3A_1106 : i32
        %ne3A_1108 = arith.cmpi ne, %sign3A_1100, %sign3A_1107 : i32
        %rem3A_1109 = arith.remsi %add3A_1091, %jit3A_1092 : i32
        %ne3A_1110 = arith.constant 0 : i32
        %ne3A_1111 = arith.cmpi ne, %rem3A_1109, %ne3A_1110 : i32
        %and3A_1112 = arith.andi %ne3A_1108, %ne3A_1111 : i1
        %sub3A_1113 = arith.constant 1 : i32
        %sub3A_1114 = arith.subi %div3A_1093, %sub3A_1113 : i32
        %select_n3A_1115 = arith.select %and3A_1112, %sub3A_1114, %div3A_1093 : i32
        %jit3A_1116 = arith.constant 400 : i32
        %eq3A_1117 = arith.constant 0 : i32
        %eq3A_1118 = arith.cmpi eq, %jit3A_1116, %eq3A_1117 : i32
        %jit3A_1119 = arith.constant 1 : i32
        %select_n3A_1120 = arith.select %eq3A_1118, %jit3A_1119, %jit3A_1116 : i32
        %rem3A_1121 = arith.remsi %add3A_1091, %select_n3A_1120 : i32
        %ne3A_1122 = arith.constant 0 : i32
        %ne3A_1123 = arith.cmpi ne, %rem3A_1121, %ne3A_1122 : i32
        %lt3A_1124 = arith.constant 0 : i32
        %lt3A_1125 = arith.cmpi slt, %rem3A_1121, %lt3A_1124 : i32
        %lt3A_1126 = arith.constant 0 : i32
        %lt3A_1127 = arith.cmpi slt, %select_n3A_1120, %lt3A_1126 : i32
        %ne3A_1128 = arith.xori %lt3A_1125, %lt3A_1127 : i1
        %and3A_1129 = arith.andi %ne3A_1128, %ne3A_1123 : i1
        %add3A_1130 = arith.addi %rem3A_1121, %select_n3A_1120 : i32
        %select_n3A_1131 = arith.select %and3A_1129, %add3A_1130, %rem3A_1121 : i32
        %mul3A_1132 = arith.constant 128 : i32
        %mul3A_1133 = arith.muli %select_n3A_1131, %mul3A_1132 : i32
        %add3A_1134 = arith.addi %mul3A_1133, %select_n3A_1115 : i32
        %add3A_1135 = vector.broadcast %add3A_1134 : i32 to vector<16xi32>
        %add3A_1136 = arith.addi %mul3A_113, %add3A_1135 : vector<16xi32>
        %gather3A_1137 = tpu.vector_load_idx %arg5[%add3A_1136] : memref<51200xi32, #tpu.memory_space<vmem>>[vector<16xi32>], vector<16xi32>,
        %add3A_1138 = arith.addi %gather3A_1137, %mul3A_133 : vector<16xi32>
        %swap3A_1139 = arith.constant 1 : i32
        %swap3A_1140 = arith.index_cast %swap3A_1139 : i32 to index
        %swap3A_1141 = arith.constant 192 : index
        %swap3A_1142 = tpu.vector_load %arg6[%swap3A_1140, %swap3A_1141] {strides = array<i32>} : memref<2x256xi32, #tpu.memory_space<vmem>>, vector<16xi32>,
        tpu.vector_store %arg6[%swap3A_1140, %swap3A_1141], %add3A_1138 {strides = array<i32>} : memref<2x256xi32, #tpu.memory_space<vmem>>, vector<16xi32>,
        %mul3A_1143 = arith.constant 256 : i32
        %mul3A_1144 = arith.muli %add3A_430, %mul3A_1143 : i32
        %add3A_1145 = arith.constant 208 : i32
        %add3A_1146 = arith.addi %mul3A_1144, %add3A_1145 : i32
        %jit3A_1147 = arith.constant 400 : i32
        %div3A_1148 = arith.divsi %add3A_1146, %jit3A_1147 : i32
        %sign3A_1149 = arith.constant 0 : i32
        %sign3A_1150 = arith.cmpi sgt, %add3A_1146, %sign3A_1149 : i32
        %sign3A_1151 = arith.extui %sign3A_1150 : i1 to i32
        %sign3A_1152 = arith.constant 0 : i32
        %sign3A_1153 = arith.cmpi slt, %add3A_1146, %sign3A_1152 : i32
        %sign3A_1154 = arith.extui %sign3A_1153 : i1 to i32
        %sign3A_1155 = arith.subi %sign3A_1151, %sign3A_1154 : i32
        %sign3A_1156 = arith.constant 0 : i32
        %sign3A_1157 = arith.cmpi sgt, %jit3A_1147, %sign3A_1156 : i32
        %sign3A_1158 = arith.extui %sign3A_1157 : i1 to i32
        %sign3A_1159 = arith.constant 0 : i32
        %sign3A_1160 = arith.cmpi slt, %jit3A_1147, %sign3A_1159 : i32
        %sign3A_1161 = arith.extui %sign3A_1160 : i1 to i32
        %sign3A_1162 = arith.subi %sign3A_1158, %sign3A_1161 : i32
        %ne3A_1163 = arith.cmpi ne, %sign3A_1155, %sign3A_1162 : i32
        %rem3A_1164 = arith.remsi %add3A_1146, %jit3A_1147 : i32
        %ne3A_1165 = arith.constant 0 : i32
        %ne3A_1166 = arith.cmpi ne, %rem3A_1164, %ne3A_1165 : i32
        %and3A_1167 = arith.andi %ne3A_1163, %ne3A_1166 : i1
        %sub3A_1168 = arith.constant 1 : i32
        %sub3A_1169 = arith.subi %div3A_1148, %sub3A_1168 : i32
        %select_n3A_1170 = arith.select %and3A_1167, %sub3A_1169, %div3A_1148 : i32
        %jit3A_1171 = arith.constant 400 : i32
        %eq3A_1172 = arith.constant 0 : i32
        %eq3A_1173 = arith.cmpi eq, %jit3A_1171, %eq3A_1172 : i32
        %jit3A_1174 = arith.constant 1 : i32
        %select_n3A_1175 = arith.select %eq3A_1173, %jit3A_1174, %jit3A_1171 : i32
        %rem3A_1176 = arith.remsi %add3A_1146, %select_n3A_1175 : i32
        %ne3A_1177 = arith.constant 0 : i32
        %ne3A_1178 = arith.cmpi ne, %rem3A_1176, %ne3A_1177 : i32
        %lt3A_1179 = arith.constant 0 : i32
        %lt3A_1180 = arith.cmpi slt, %rem3A_1176, %lt3A_1179 : i32
        %lt3A_1181 = arith.constant 0 : i32
        %lt3A_1182 = arith.cmpi slt, %select_n3A_1175, %lt3A_1181 : i32
        %ne3A_1183 = arith.xori %lt3A_1180, %lt3A_1182 : i1
        %and3A_1184 = arith.andi %ne3A_1183, %ne3A_1178 : i1
        %add3A_1185 = arith.addi %rem3A_1176, %select_n3A_1175 : i32
        %select_n3A_1186 = arith.select %and3A_1184, %add3A_1185, %rem3A_1176 : i32
        %mul3A_1187 = arith.constant 128 : i32
        %mul3A_1188 = arith.muli %select_n3A_1186, %mul3A_1187 : i32
        %add3A_1189 = arith.addi %mul3A_1188, %select_n3A_1170 : i32
        %add3A_1190 = vector.broadcast %add3A_1189 : i32 to vector<16xi32>
        %add3A_1191 = arith.addi %mul3A_113, %add3A_1190 : vector<16xi32>
        %gather3A_1192 = tpu.vector_load_idx %arg5[%add3A_1191] : memref<51200xi32, #tpu.memory_space<vmem>>[vector<16xi32>], vector<16xi32>,
        %add3A_1193 = arith.addi %gather3A_1192, %mul3A_133 : vector<16xi32>
        %swap3A_1194 = arith.constant 1 : i32
        %swap3A_1195 = arith.index_cast %swap3A_1194 : i32 to index
        %swap3A_1196 = arith.constant 208 : index
        %swap3A_1197 = tpu.vector_load %arg6[%swap3A_1195, %swap3A_1196] {strides = array<i32>} : memref<2x256xi32, #tpu.memory_space<vmem>>, vector<16xi32>,
        tpu.vector_store %arg6[%swap3A_1195, %swap3A_1196], %add3A_1193 {strides = array<i32>} : memref<2x256xi32, #tpu.memory_space<vmem>>, vector<16xi32>,
        %mul3A_1198 = arith.constant 256 : i32
        %mul3A_1199 = arith.muli %add3A_430, %mul3A_1198 : i32
        %add3A_1200 = arith.constant 224 : i32
        %add3A_1201 = arith.addi %mul3A_1199, %add3A_1200 : i32
        %jit3A_1202 = arith.constant 400 : i32
        %div3A_1203 = arith.divsi %add3A_1201, %jit3A_1202 : i32
        %sign3A_1204 = arith.constant 0 : i32
        %sign3A_1205 = arith.cmpi sgt, %add3A_1201, %sign3A_1204 : i32
        %sign3A_1206 = arith.extui %sign3A_1205 : i1 to i32
        %sign3A_1207 = arith.constant 0 : i32
        %sign3A_1208 = arith.cmpi slt, %add3A_1201, %sign3A_1207 : i32
        %sign3A_1209 = arith.extui %sign3A_1208 : i1 to i32
        %sign3A_1210 = arith.subi %sign3A_1206, %sign3A_1209 : i32
        %sign3A_1211 = arith.constant 0 : i32
        %sign3A_1212 = arith.cmpi sgt, %jit3A_1202, %sign3A_1211 : i32
        %sign3A_1213 = arith.extui %sign3A_1212 : i1 to i32
        %sign3A_1214 = arith.constant 0 : i32
        %sign3A_1215 = arith.cmpi slt, %jit3A_1202, %sign3A_1214 : i32
        %sign3A_1216 = arith.extui %sign3A_1215 : i1 to i32
        %sign3A_1217 = arith.subi %sign3A_1213, %sign3A_1216 : i32
        %ne3A_1218 = arith.cmpi ne, %sign3A_1210, %sign3A_1217 : i32
        %rem3A_1219 = arith.remsi %add3A_1201, %jit3A_1202 : i32
        %ne3A_1220 = arith.constant 0 : i32
        %ne3A_1221 = arith.cmpi ne, %rem3A_1219, %ne3A_1220 : i32
        %and3A_1222 = arith.andi %ne3A_1218, %ne3A_1221 : i1
        %sub3A_1223 = arith.constant 1 : i32
        %sub3A_1224 = arith.subi %div3A_1203, %sub3A_1223 : i32
        %select_n3A_1225 = arith.select %and3A_1222, %sub3A_1224, %div3A_1203 : i32
        %jit3A_1226 = arith.constant 400 : i32
        %eq3A_1227 = arith.constant 0 : i32
        %eq3A_1228 = arith.cmpi eq, %jit3A_1226, %eq3A_1227 : i32
        %jit3A_1229 = arith.constant 1 : i32
        %select_n3A_1230 = arith.select %eq3A_1228, %jit3A_1229, %jit3A_1226 : i32
        %rem3A_1231 = arith.remsi %add3A_1201, %select_n3A_1230 : i32
        %ne3A_1232 = arith.constant 0 : i32
        %ne3A_1233 = arith.cmpi ne, %rem3A_1231, %ne3A_1232 : i32
        %lt3A_1234 = arith.constant 0 : i32
        %lt3A_1235 = arith.cmpi slt, %rem3A_1231, %lt3A_1234 : i32
        %lt3A_1236 = arith.constant 0 : i32
        %lt3A_1237 = arith.cmpi slt, %select_n3A_1230, %lt3A_1236 : i32
        %ne3A_1238 = arith.xori %lt3A_1235, %lt3A_1237 : i1
        %and3A_1239 = arith.andi %ne3A_1238, %ne3A_1233 : i1
        %add3A_1240 = arith.addi %rem3A_1231, %select_n3A_1230 : i32
        %select_n3A_1241 = arith.select %and3A_1239, %add3A_1240, %rem3A_1231 : i32
        %mul3A_1242 = arith.constant 128 : i32
        %mul3A_1243 = arith.muli %select_n3A_1241, %mul3A_1242 : i32
        %add3A_1244 = arith.addi %mul3A_1243, %select_n3A_1225 : i32
        %add3A_1245 = vector.broadcast %add3A_1244 : i32 to vector<16xi32>
        %add3A_1246 = arith.addi %mul3A_113, %add3A_1245 : vector<16xi32>
        %gather3A_1247 = tpu.vector_load_idx %arg5[%add3A_1246] : memref<51200xi32, #tpu.memory_space<vmem>>[vector<16xi32>], vector<16xi32>,
        %add3A_1248 = arith.addi %gather3A_1247, %mul3A_133 : vector<16xi32>
        %swap3A_1249 = arith.constant 1 : i32
        %swap3A_1250 = arith.index_cast %swap3A_1249 : i32 to index
        %swap3A_1251 = arith.constant 224 : index
        %swap3A_1252 = tpu.vector_load %arg6[%swap3A_1250, %swap3A_1251] {strides = array<i32>} : memref<2x256xi32, #tpu.memory_space<vmem>>, vector<16xi32>,
        tpu.vector_store %arg6[%swap3A_1250, %swap3A_1251], %add3A_1248 {strides = array<i32>} : memref<2x256xi32, #tpu.memory_space<vmem>>, vector<16xi32>,
        %mul3A_1253 = arith.constant 256 : i32
        %mul3A_1254 = arith.muli %add3A_430, %mul3A_1253 : i32
        %add3A_1255 = arith.constant 240 : i32
        %add3A_1256 = arith.addi %mul3A_1254, %add3A_1255 : i32
        %jit3A_1257 = arith.constant 400 : i32
        %div3A_1258 = arith.divsi %add3A_1256, %jit3A_1257 : i32
        %sign3A_1259 = arith.constant 0 : i32
        %sign3A_1260 = arith.cmpi sgt, %add3A_1256, %sign3A_1259 : i32
        %sign3A_1261 = arith.extui %sign3A_1260 : i1 to i32
        %sign3A_1262 = arith.constant 0 : i32
        %sign3A_1263 = arith.cmpi slt, %add3A_1256, %sign3A_1262 : i32
        %sign3A_1264 = arith.extui %sign3A_1263 : i1 to i32
        %sign3A_1265 = arith.subi %sign3A_1261, %sign3A_1264 : i32
        %sign3A_1266 = arith.constant 0 : i32
        %sign3A_1267 = arith.cmpi sgt, %jit3A_1257, %sign3A_1266 : i32
        %sign3A_1268 = arith.extui %sign3A_1267 : i1 to i32
        %sign3A_1269 = arith.constant 0 : i32
        %sign3A_1270 = arith.cmpi slt, %jit3A_1257, %sign3A_1269 : i32
        %sign3A_1271 = arith.extui %sign3A_1270 : i1 to i32
        %sign3A_1272 = arith.subi %sign3A_1268, %sign3A_1271 : i32
        %ne3A_1273 = arith.cmpi ne, %sign3A_1265, %sign3A_1272 : i32
        %rem3A_1274 = arith.remsi %add3A_1256, %jit3A_1257 : i32
        %ne3A_1275 = arith.constant 0 : i32
        %ne3A_1276 = arith.cmpi ne, %rem3A_1274, %ne3A_1275 : i32
        %and3A_1277 = arith.andi %ne3A_1273, %ne3A_1276 : i1
        %sub3A_1278 = arith.constant 1 : i32
        %sub3A_1279 = arith.subi %div3A_1258, %sub3A_1278 : i32
        %select_n3A_1280 = arith.select %and3A_1277, %sub3A_1279, %div3A_1258 : i32
        %jit3A_1281 = arith.constant 400 : i32
        %eq3A_1282 = arith.constant 0 : i32
        %eq3A_1283 = arith.cmpi eq, %jit3A_1281, %eq3A_1282 : i32
        %jit3A_1284 = arith.constant 1 : i32
        %select_n3A_1285 = arith.select %eq3A_1283, %jit3A_1284, %jit3A_1281 : i32
        %rem3A_1286 = arith.remsi %add3A_1256, %select_n3A_1285 : i32
        %ne3A_1287 = arith.constant 0 : i32
        %ne3A_1288 = arith.cmpi ne, %rem3A_1286, %ne3A_1287 : i32
        %lt3A_1289 = arith.constant 0 : i32
        %lt3A_1290 = arith.cmpi slt, %rem3A_1286, %lt3A_1289 : i32
        %lt3A_1291 = arith.constant 0 : i32
        %lt3A_1292 = arith.cmpi slt, %select_n3A_1285, %lt3A_1291 : i32
        %ne3A_1293 = arith.xori %lt3A_1290, %lt3A_1292 : i1
        %and3A_1294 = arith.andi %ne3A_1293, %ne3A_1288 : i1
        %add3A_1295 = arith.addi %rem3A_1286, %select_n3A_1285 : i32
        %select_n3A_1296 = arith.select %and3A_1294, %add3A_1295, %rem3A_1286 : i32
        %mul3A_1297 = arith.constant 128 : i32
        %mul3A_1298 = arith.muli %select_n3A_1296, %mul3A_1297 : i32
        %add3A_1299 = arith.addi %mul3A_1298, %select_n3A_1280 : i32
        %add3A_1300 = vector.broadcast %add3A_1299 : i32 to vector<16xi32>
        %add3A_1301 = arith.addi %mul3A_113, %add3A_1300 : vector<16xi32>
        %gather3A_1302 = tpu.vector_load_idx %arg5[%add3A_1301] : memref<51200xi32, #tpu.memory_space<vmem>>[vector<16xi32>], vector<16xi32>,
        %add3A_1303 = arith.addi %gather3A_1302, %mul3A_133 : vector<16xi32>
        %swap3A_1304 = arith.constant 1 : i32
        %swap3A_1305 = arith.index_cast %swap3A_1304 : i32 to index
        %swap3A_1306 = arith.constant 240 : index
        %swap3A_1307 = tpu.vector_load %arg6[%swap3A_1305, %swap3A_1306] {strides = array<i32>} : memref<2x256xi32, #tpu.memory_space<vmem>>, vector<16xi32>,
        tpu.vector_store %arg6[%swap3A_1305, %swap3A_1306], %add3A_1303 {strides = array<i32>} : memref<2x256xi32, #tpu.memory_space<vmem>>, vector<16xi32>,
        %dma_start3A_1308 = arith.constant 1 : i32
        %dma_start3A_1309 = arith.constant 1 : i32
        %dma_start3A_1310 = arith.constant 0 : i32
        %dma_start3A_1311 = arith.constant 0 : i32
        %dma_start3A_1312 = tpu.memref_slice %arg7[%dma_start3A_1309, %dma_start3A_1310, %dma_start3A_1311] : memref<2x256x128xf32, #tpu.memory_space<vmem>> -> memref<1x256x128xf32, #tpu.memory_space<vmem>>
        %dma_start3A_1313 = tpu.memref_squeeze %dma_start3A_1312 : memref<1x256x128xf32, #tpu.memory_space<vmem>> -> memref<256x128xf32, #tpu.memory_space<vmem>>
        %dma_start3A_1314 = arith.constant 0 : i32
        %dma_start3A_1315 = arith.constant 0 : i32
        %dma_start3A_1316 = tpu.memref_slice %dma_start3A_1313[%dma_start3A_1314, %dma_start3A_1315] : memref<256x128xf32, #tpu.memory_space<vmem>> -> memref<128x128xf32, #tpu.memory_space<vmem>>
        %dma_start3A_1317 = arith.constant 0 : i32
        %dma_start3A_1318 = tpu.memref_slice %arg6[%dma_start3A_1308, %dma_start3A_1317] : memref<2x256xi32, #tpu.memory_space<vmem>> -> memref<1x256xi32, #tpu.memory_space<vmem>>
        %dma_start3A_1319 = tpu.memref_squeeze %dma_start3A_1318 : memref<1x256xi32, #tpu.memory_space<vmem>> -> memref<256xi32, #tpu.memory_space<vmem>>
        %dma_start3A_1320 = arith.constant 0 : i32
        %dma_start3A_1321 = tpu.memref_slice %dma_start3A_1319[%dma_start3A_1320] : memref<256xi32, #tpu.memory_space<vmem>> -> memref<128xi32, #tpu.memory_space<vmem>>
        %dma_start3A_1322 = arith.constant 0 : i32
        %dma_start3A_1323 = arith.constant 0 : i32
        %dma_start3A_1324 = tpu.memref_slice %arg8[%dma_start3A_1322, %dma_start3A_1323] : memref<256x128xf32, #tpu.memory_space<vmem_shared>> -> memref<256x128xf32, #tpu.memory_space<vmem_shared>>
        tpu.enqueue_indirect_dma source(%dma_start3A_1324 : memref<256x128xf32, #tpu.memory_space<vmem_shared>>) target(%dma_start3A_1316 : memref<128x128xf32, #tpu.memory_space<vmem>>) offsets(%dma_start3A_1321 : memref<128xi32, #tpu.memory_space<vmem>>) semaphore(%arg10 : memref<!tpu.dma_semaphore, #tpu.memory_space<semaphore_mem>>)
        %dma_start3A_1325 = arith.constant 1 : i32
        %dma_start3A_1326 = arith.constant 1 : i32
        %dma_start3A_1327 = arith.constant 0 : i32
        %dma_start3A_1328 = arith.constant 0 : i32
        %dma_start3A_1329 = tpu.memref_slice %arg7[%dma_start3A_1326, %dma_start3A_1327, %dma_start3A_1328] : memref<2x256x128xf32, #tpu.memory_space<vmem>> -> memref<1x256x128xf32, #tpu.memory_space<vmem>>
        %dma_start3A_1330 = tpu.memref_squeeze %dma_start3A_1329 : memref<1x256x128xf32, #tpu.memory_space<vmem>> -> memref<256x128xf32, #tpu.memory_space<vmem>>
        %dma_start3A_1331 = arith.constant 128 : i32
        %dma_start3A_1332 = arith.constant 0 : i32
        %dma_start3A_1333 = tpu.memref_slice %dma_start3A_1330[%dma_start3A_1331, %dma_start3A_1332] : memref<256x128xf32, #tpu.memory_space<vmem>> -> memref<128x128xf32, #tpu.memory_space<vmem>>
        %dma_start3A_1334 = arith.constant 0 : i32
        %dma_start3A_1335 = tpu.memref_slice %arg6[%dma_start3A_1325, %dma_start3A_1334] : memref<2x256xi32, #tpu.memory_space<vmem>> -> memref<1x256xi32, #tpu.memory_space<vmem>>
        %dma_start3A_1336 = tpu.memref_squeeze %dma_start3A_1335 : memref<1x256xi32, #tpu.memory_space<vmem>> -> memref<256xi32, #tpu.memory_space<vmem>>
        %dma_start3A_1337 = arith.constant 128 : i32
        %dma_start3A_1338 = tpu.memref_slice %dma_start3A_1336[%dma_start3A_1337] : memref<256xi32, #tpu.memory_space<vmem>> -> memref<128xi32, #tpu.memory_space<vmem>>
        %dma_start3A_1339 = arith.constant 0 : i32
        %dma_start3A_1340 = arith.constant 0 : i32
        %dma_start3A_1341 = tpu.memref_slice %arg8[%dma_start3A_1339, %dma_start3A_1340] : memref<256x128xf32, #tpu.memory_space<vmem_shared>> -> memref<256x128xf32, #tpu.memory_space<vmem_shared>>
        tpu.enqueue_indirect_dma source(%dma_start3A_1341 : memref<256x128xf32, #tpu.memory_space<vmem_shared>>) target(%dma_start3A_1333 : memref<128x128xf32, #tpu.memory_space<vmem>>) offsets(%dma_start3A_1338 : memref<128xi32, #tpu.memory_space<vmem>>) semaphore(%arg10 : memref<!tpu.dma_semaphore, #tpu.memory_space<semaphore_mem>>)
      } else {
      }
      %mul3A_348 = arith.constant 256 : i32
      %mul3A_349 = arith.muli %add3A_336, %mul3A_348 : i32
      %add3A_350 = arith.addi %mul3A_2, %mul3A_349 : i32
      %dma_wait3A_351 = arith.constant 0 : i32
      %dma_wait3A_352 = arith.constant 0 : i32
      %dma_wait3A_353 = arith.constant 0 : i32
      %dma_wait3A_354 = tpu.memref_slice %arg7[%dma_wait3A_351, %dma_wait3A_352, %dma_wait3A_353] : memref<2x256x128xf32, #tpu.memory_space<vmem>> -> memref<1x256x128xf32, #tpu.memory_space<vmem>>
      %dma_wait3A_355 = tpu.memref_squeeze %dma_wait3A_354 : memref<1x256x128xf32, #tpu.memory_space<vmem>> -> memref<256x128xf32, #tpu.memory_space<vmem>>
      %dma_wait3A_356 = arith.constant 0 : i32
      %dma_wait3A_357 = tpu.memref_slice %arg4[%add3A_350, %dma_wait3A_356] : memref<1638400x128xf32, #tpu.memory_space<hbm>> -> memref<256x128xf32, #tpu.memory_space<hbm>>
      %dma_wait3A_358 = arith.constant 0 : i32
      %dma_wait3A_359 = arith.constant 0 : i32
      %dma_wait3A_360 = tpu.memref_slice %arg7[%dma_wait3A_351, %dma_wait3A_358, %dma_wait3A_359] : memref<2x256x128xf32, #tpu.memory_space<vmem>> -> memref<1x256x128xf32, #tpu.memory_space<vmem>>
      %dma_wait3A_361 = tpu.memref_squeeze %dma_wait3A_360 : memref<1x256x128xf32, #tpu.memory_space<vmem>> -> memref<256x128xf32, #tpu.memory_space<vmem>>
      %dma_wait3A_362 = arith.constant 0 : i32
      %dma_wait3A_363 = tpu.memref_slice %arg4[%add3A_350, %dma_wait3A_362] : memref<1638400x128xf32, #tpu.memory_space<hbm>> -> memref<256x128xf32, #tpu.memory_space<hbm>>
      tpu.wait_dma2 semaphore(%arg9 : memref<!tpu.dma_semaphore, #tpu.memory_space<semaphore_mem>>) src(%dma_wait3A_363 : memref<256x128xf32, #tpu.memory_space<hbm>>) dst(%dma_wait3A_361 : memref<256x128xf32, #tpu.memory_space<vmem>>)
      %mul3A_364 = arith.constant 256 : i32
      %mul3A_365 = arith.muli %add3A_336, %mul3A_364 : i32
      %add3A_366 = arith.addi %mul3A_2, %mul3A_365 : i32
      %dma_start3A_367 = arith.constant 0 : i32
      %dma_start3A_368 = arith.constant 0 : i32
      %dma_start3A_369 = arith.constant 0 : i32
      %dma_start3A_370 = tpu.memref_slice %arg7[%dma_start3A_367, %dma_start3A_368, %dma_start3A_369] : memref<2x256x128xf32, #tpu.memory_space<vmem>> -> memref<1x256x128xf32, #tpu.memory_space<vmem>>
      %dma_start3A_371 = tpu.memref_squeeze %dma_start3A_370 : memref<1x256x128xf32, #tpu.memory_space<vmem>> -> memref<256x128xf32, #tpu.memory_space<vmem>>
      %dma_start3A_372 = arith.constant 0 : i32
      %dma_start3A_373 = tpu.memref_slice %arg4[%add3A_366, %dma_start3A_372] : memref<1638400x128xf32, #tpu.memory_space<hbm>> -> memref<256x128xf32, #tpu.memory_space<hbm>>
      %dma_start3A_374 = arith.constant 0 : i32
      %dma_start3A_375 = tpu.memref_slice %arg4[%add3A_366, %dma_start3A_374] : memref<1638400x128xf32, #tpu.memory_space<hbm>> -> memref<256x128xf32, #tpu.memory_space<hbm>>
      %dma_start3A_376 = arith.constant 0 : i32
      %dma_start3A_377 = arith.constant 0 : i32
      %dma_start3A_378 = tpu.memref_slice %arg7[%dma_start3A_367, %dma_start3A_376, %dma_start3A_377] : memref<2x256x128xf32, #tpu.memory_space<vmem>> -> memref<1x256x128xf32, #tpu.memory_space<vmem>>
      %dma_start3A_379 = tpu.memref_squeeze %dma_start3A_378 : memref<1x256x128xf32, #tpu.memory_space<vmem>> -> memref<256x128xf32, #tpu.memory_space<vmem>>
      tpu.enqueue_dma source(%dma_start3A_379 : memref<256x128xf32, #tpu.memory_space<vmem>>) target(%dma_start3A_375 : memref<256x128xf32, #tpu.memory_space<hbm>>) target_semaphore(%arg11 : memref<!tpu.dma_semaphore, #tpu.memory_space<semaphore_mem>>)
      %mul3A_380 = arith.constant 2 : i32
      %mul3A_381 = arith.muli %scan3A_331, %mul3A_380 : i32
      %add3A_382 = arith.constant 1 : i32
      %add3A_383 = arith.addi %mul3A_381, %add3A_382 : i32
      %ge3A_384 = arith.constant 1 : i32
      %ge3A_385 = arith.cmpi sge, %add3A_383, %ge3A_384 : i32
      %convert_element_type3A_386 = arith.extui %ge3A_385 : i1 to i32
      %cond3A_387 = arith.constant 0 : i32
      %cond3A_388 = arith.cmpi ne, %convert_element_type3A_386, %cond3A_387 : i32
      scf.if %cond3A_388 {
        %sub3A = arith.constant 1 : i32
        %sub3A_429 = arith.subi %add3A_383, %sub3A : i32
        %mul3A_430 = arith.constant 256 : i32
        %mul3A_431 = arith.muli %sub3A_429, %mul3A_430 : i32
        %add3A_432 = arith.addi %mul3A_2, %mul3A_431 : i32
        %dma_wait3A_433 = arith.constant 0 : i32
        %dma_wait3A_434 = arith.constant 0 : i32
        %dma_wait3A_435 = arith.constant 0 : i32
        %dma_wait3A_436 = tpu.memref_slice %arg7[%dma_wait3A_433, %dma_wait3A_434, %dma_wait3A_435] : memref<2x256x128xf32, #tpu.memory_space<vmem>> -> memref<1x256x128xf32, #tpu.memory_space<vmem>>
        %dma_wait3A_437 = tpu.memref_squeeze %dma_wait3A_436 : memref<1x256x128xf32, #tpu.memory_space<vmem>> -> memref<256x128xf32, #tpu.memory_space<vmem>>
        %dma_wait3A_438 = arith.constant 0 : i32
        %dma_wait3A_439 = tpu.memref_slice %arg4[%add3A_432, %dma_wait3A_438] : memref<1638400x128xf32, #tpu.memory_space<hbm>> -> memref<256x128xf32, #tpu.memory_space<hbm>>
        %dma_wait3A_440 = arith.constant 0 : i32
        %dma_wait3A_441 = tpu.memref_slice %arg4[%add3A_432, %dma_wait3A_440] : memref<1638400x128xf32, #tpu.memory_space<hbm>> -> memref<256x128xf32, #tpu.memory_space<hbm>>
        %dma_wait3A_442 = arith.constant 0 : i32
        %dma_wait3A_443 = arith.constant 0 : i32
        %dma_wait3A_444 = tpu.memref_slice %arg7[%dma_wait3A_433, %dma_wait3A_442, %dma_wait3A_443] : memref<2x256x128xf32, #tpu.memory_space<vmem>> -> memref<1x256x128xf32, #tpu.memory_space<vmem>>
        %dma_wait3A_445 = tpu.memref_squeeze %dma_wait3A_444 : memref<1x256x128xf32, #tpu.memory_space<vmem>> -> memref<256x128xf32, #tpu.memory_space<vmem>>
        tpu.wait_dma2 semaphore(%arg11 : memref<!tpu.dma_semaphore, #tpu.memory_space<semaphore_mem>>) src(%dma_wait3A_445 : memref<256x128xf32, #tpu.memory_space<vmem>>) dst(%dma_wait3A_441 : memref<256x128xf32, #tpu.memory_space<hbm>>)
      } else {
      }
      %add3A_389 = arith.constant 1 : i32
      %add3A_390 = arith.addi %add3A_383, %add3A_389 : i32
      %lt3A_391 = arith.constant 200 : i32
      %lt3A_392 = arith.cmpi slt, %add3A_390, %lt3A_391 : i32
      %convert_element_type3A_393 = arith.extui %lt3A_392 : i1 to i32
      %cond3A_394 = arith.constant 0 : i32
      %cond3A_395 = arith.cmpi ne, %convert_element_type3A_393, %cond3A_394 : i32
      scf.if %cond3A_395 {
        %add3A_429 = arith.constant 1 : i32
        %add3A_430 = arith.addi %add3A_383, %add3A_429 : i32
        %mul3A_431 = arith.constant 256 : i32
        %mul3A_432 = arith.muli %add3A_430, %mul3A_431 : i32
        %add3A_433 = arith.constant 0 : i32
        %add3A_434 = arith.addi %mul3A_432, %add3A_433 : i32
        %jit3A_435 = arith.constant 400 : i32
        %div3A = arith.divsi %add3A_434, %jit3A_435 : i32
        %sign3A = arith.constant 0 : i32
        %sign3A_436 = arith.cmpi sgt, %add3A_434, %sign3A : i32
        %sign3A_437 = arith.extui %sign3A_436 : i1 to i32
        %sign3A_438 = arith.constant 0 : i32
        %sign3A_439 = arith.cmpi slt, %add3A_434, %sign3A_438 : i32
        %sign3A_440 = arith.extui %sign3A_439 : i1 to i32
        %sign3A_441 = arith.subi %sign3A_437, %sign3A_440 : i32
        %sign3A_442 = arith.constant 0 : i32
        %sign3A_443 = arith.cmpi sgt, %jit3A_435, %sign3A_442 : i32
        %sign3A_444 = arith.extui %sign3A_443 : i1 to i32
        %sign3A_445 = arith.constant 0 : i32
        %sign3A_446 = arith.cmpi slt, %jit3A_435, %sign3A_445 : i32
        %sign3A_447 = arith.extui %sign3A_446 : i1 to i32
        %sign3A_448 = arith.subi %sign3A_444, %sign3A_447 : i32
        %ne3A_449 = arith.cmpi ne, %sign3A_441, %sign3A_448 : i32
        %rem3A_450 = arith.remsi %add3A_434, %jit3A_435 : i32
        %ne3A_451 = arith.constant 0 : i32
        %ne3A_452 = arith.cmpi ne, %rem3A_450, %ne3A_451 : i32
        %and3A_453 = arith.andi %ne3A_449, %ne3A_452 : i1
        %sub3A = arith.constant 1 : i32
        %sub3A_454 = arith.subi %div3A, %sub3A : i32
        %select_n3A_455 = arith.select %and3A_453, %sub3A_454, %div3A : i32
        %jit3A_456 = arith.constant 400 : i32
        %eq3A_457 = arith.constant 0 : i32
        %eq3A_458 = arith.cmpi eq, %jit3A_456, %eq3A_457 : i32
        %jit3A_459 = arith.constant 1 : i32
        %select_n3A_460 = arith.select %eq3A_458, %jit3A_459, %jit3A_456 : i32
        %rem3A_461 = arith.remsi %add3A_434, %select_n3A_460 : i32
        %ne3A_462 = arith.constant 0 : i32
        %ne3A_463 = arith.cmpi ne, %rem3A_461, %ne3A_462 : i32
        %lt3A_464 = arith.constant 0 : i32
        %lt3A_465 = arith.cmpi slt, %rem3A_461, %lt3A_464 : i32
        %lt3A_466 = arith.constant 0 : i32
        %lt3A_467 = arith.cmpi slt, %select_n3A_460, %lt3A_466 : i32
        %ne3A_468 = arith.xori %lt3A_465, %lt3A_467 : i1
        %and3A_469 = arith.andi %ne3A_468, %ne3A_463 : i1
        %add3A_470 = arith.addi %rem3A_461, %select_n3A_460 : i32
        %select_n3A_471 = arith.select %and3A_469, %add3A_470, %rem3A_461 : i32
        %mul3A_472 = arith.constant 128 : i32
        %mul3A_473 = arith.muli %select_n3A_471, %mul3A_472 : i32
        %add3A_474 = arith.addi %mul3A_473, %select_n3A_455 : i32
        %add3A_475 = vector.broadcast %add3A_474 : i32 to vector<16xi32>
        %add3A_476 = arith.addi %mul3A_113, %add3A_475 : vector<16xi32>
        %gather3A_477 = tpu.vector_load_idx %arg5[%add3A_476] : memref<51200xi32, #tpu.memory_space<vmem>>[vector<16xi32>], vector<16xi32>,
        %add3A_478 = arith.addi %gather3A_477, %mul3A_133 : vector<16xi32>
        %swap3A_479 = arith.constant 0 : i32
        %swap3A_480 = arith.index_cast %swap3A_479 : i32 to index
        %swap3A_481 = arith.constant 0 : index
        %swap3A_482 = tpu.vector_load %arg6[%swap3A_480, %swap3A_481] {strides = array<i32>} : memref<2x256xi32, #tpu.memory_space<vmem>>, vector<16xi32>,
        tpu.vector_store %arg6[%swap3A_480, %swap3A_481], %add3A_478 {strides = array<i32>} : memref<2x256xi32, #tpu.memory_space<vmem>>, vector<16xi32>,
        %mul3A_483 = arith.constant 256 : i32
        %mul3A_484 = arith.muli %add3A_430, %mul3A_483 : i32
        %add3A_485 = arith.constant 16 : i32
        %add3A_486 = arith.addi %mul3A_484, %add3A_485 : i32
        %jit3A_487 = arith.constant 400 : i32
        %div3A_488 = arith.divsi %add3A_486, %jit3A_487 : i32
        %sign3A_489 = arith.constant 0 : i32
        %sign3A_490 = arith.cmpi sgt, %add3A_486, %sign3A_489 : i32
        %sign3A_491 = arith.extui %sign3A_490 : i1 to i32
        %sign3A_492 = arith.constant 0 : i32
        %sign3A_493 = arith.cmpi slt, %add3A_486, %sign3A_492 : i32
        %sign3A_494 = arith.extui %sign3A_493 : i1 to i32
        %sign3A_495 = arith.subi %sign3A_491, %sign3A_494 : i32
        %sign3A_496 = arith.constant 0 : i32
        %sign3A_497 = arith.cmpi sgt, %jit3A_487, %sign3A_496 : i32
        %sign3A_498 = arith.extui %sign3A_497 : i1 to i32
        %sign3A_499 = arith.constant 0 : i32
        %sign3A_500 = arith.cmpi slt, %jit3A_487, %sign3A_499 : i32
        %sign3A_501 = arith.extui %sign3A_500 : i1 to i32
        %sign3A_502 = arith.subi %sign3A_498, %sign3A_501 : i32
        %ne3A_503 = arith.cmpi ne, %sign3A_495, %sign3A_502 : i32
        %rem3A_504 = arith.remsi %add3A_486, %jit3A_487 : i32
        %ne3A_505 = arith.constant 0 : i32
        %ne3A_506 = arith.cmpi ne, %rem3A_504, %ne3A_505 : i32
        %and3A_507 = arith.andi %ne3A_503, %ne3A_506 : i1
        %sub3A_508 = arith.constant 1 : i32
        %sub3A_509 = arith.subi %div3A_488, %sub3A_508 : i32
        %select_n3A_510 = arith.select %and3A_507, %sub3A_509, %div3A_488 : i32
        %jit3A_511 = arith.constant 400 : i32
        %eq3A_512 = arith.constant 0 : i32
        %eq3A_513 = arith.cmpi eq, %jit3A_511, %eq3A_512 : i32
        %jit3A_514 = arith.constant 1 : i32
        %select_n3A_515 = arith.select %eq3A_513, %jit3A_514, %jit3A_511 : i32
        %rem3A_516 = arith.remsi %add3A_486, %select_n3A_515 : i32
        %ne3A_517 = arith.constant 0 : i32
        %ne3A_518 = arith.cmpi ne, %rem3A_516, %ne3A_517 : i32
        %lt3A_519 = arith.constant 0 : i32
        %lt3A_520 = arith.cmpi slt, %rem3A_516, %lt3A_519 : i32
        %lt3A_521 = arith.constant 0 : i32
        %lt3A_522 = arith.cmpi slt, %select_n3A_515, %lt3A_521 : i32
        %ne3A_523 = arith.xori %lt3A_520, %lt3A_522 : i1
        %and3A_524 = arith.andi %ne3A_523, %ne3A_518 : i1
        %add3A_525 = arith.addi %rem3A_516, %select_n3A_515 : i32
        %select_n3A_526 = arith.select %and3A_524, %add3A_525, %rem3A_516 : i32
        %mul3A_527 = arith.constant 128 : i32
        %mul3A_528 = arith.muli %select_n3A_526, %mul3A_527 : i32
        %add3A_529 = arith.addi %mul3A_528, %select_n3A_510 : i32
        %add3A_530 = vector.broadcast %add3A_529 : i32 to vector<16xi32>
        %add3A_531 = arith.addi %mul3A_113, %add3A_530 : vector<16xi32>
        %gather3A_532 = tpu.vector_load_idx %arg5[%add3A_531] : memref<51200xi32, #tpu.memory_space<vmem>>[vector<16xi32>], vector<16xi32>,
        %add3A_533 = arith.addi %gather3A_532, %mul3A_133 : vector<16xi32>
        %swap3A_534 = arith.constant 0 : i32
        %swap3A_535 = arith.index_cast %swap3A_534 : i32 to index
        %swap3A_536 = arith.constant 16 : index
        %swap3A_537 = tpu.vector_load %arg6[%swap3A_535, %swap3A_536] {strides = array<i32>} : memref<2x256xi32, #tpu.memory_space<vmem>>, vector<16xi32>,
        tpu.vector_store %arg6[%swap3A_535, %swap3A_536], %add3A_533 {strides = array<i32>} : memref<2x256xi32, #tpu.memory_space<vmem>>, vector<16xi32>,
        %mul3A_538 = arith.constant 256 : i32
        %mul3A_539 = arith.muli %add3A_430, %mul3A_538 : i32
        %add3A_540 = arith.constant 32 : i32
        %add3A_541 = arith.addi %mul3A_539, %add3A_540 : i32
        %jit3A_542 = arith.constant 400 : i32
        %div3A_543 = arith.divsi %add3A_541, %jit3A_542 : i32
        %sign3A_544 = arith.constant 0 : i32
        %sign3A_545 = arith.cmpi sgt, %add3A_541, %sign3A_544 : i32
        %sign3A_546 = arith.extui %sign3A_545 : i1 to i32
        %sign3A_547 = arith.constant 0 : i32
        %sign3A_548 = arith.cmpi slt, %add3A_541, %sign3A_547 : i32
        %sign3A_549 = arith.extui %sign3A_548 : i1 to i32
        %sign3A_550 = arith.subi %sign3A_546, %sign3A_549 : i32
        %sign3A_551 = arith.constant 0 : i32
        %sign3A_552 = arith.cmpi sgt, %jit3A_542, %sign3A_551 : i32
        %sign3A_553 = arith.extui %sign3A_552 : i1 to i32
        %sign3A_554 = arith.constant 0 : i32
        %sign3A_555 = arith.cmpi slt, %jit3A_542, %sign3A_554 : i32
        %sign3A_556 = arith.extui %sign3A_555 : i1 to i32
        %sign3A_557 = arith.subi %sign3A_553, %sign3A_556 : i32
        %ne3A_558 = arith.cmpi ne, %sign3A_550, %sign3A_557 : i32
        %rem3A_559 = arith.remsi %add3A_541, %jit3A_542 : i32
        %ne3A_560 = arith.constant 0 : i32
        %ne3A_561 = arith.cmpi ne, %rem3A_559, %ne3A_560 : i32
        %and3A_562 = arith.andi %ne3A_558, %ne3A_561 : i1
        %sub3A_563 = arith.constant 1 : i32
        %sub3A_564 = arith.subi %div3A_543, %sub3A_563 : i32
        %select_n3A_565 = arith.select %and3A_562, %sub3A_564, %div3A_543 : i32
        %jit3A_566 = arith.constant 400 : i32
        %eq3A_567 = arith.constant 0 : i32
        %eq3A_568 = arith.cmpi eq, %jit3A_566, %eq3A_567 : i32
        %jit3A_569 = arith.constant 1 : i32
        %select_n3A_570 = arith.select %eq3A_568, %jit3A_569, %jit3A_566 : i32
        %rem3A_571 = arith.remsi %add3A_541, %select_n3A_570 : i32
        %ne3A_572 = arith.constant 0 : i32
        %ne3A_573 = arith.cmpi ne, %rem3A_571, %ne3A_572 : i32
        %lt3A_574 = arith.constant 0 : i32
        %lt3A_575 = arith.cmpi slt, %rem3A_571, %lt3A_574 : i32
        %lt3A_576 = arith.constant 0 : i32
        %lt3A_577 = arith.cmpi slt, %select_n3A_570, %lt3A_576 : i32
        %ne3A_578 = arith.xori %lt3A_575, %lt3A_577 : i1
        %and3A_579 = arith.andi %ne3A_578, %ne3A_573 : i1
        %add3A_580 = arith.addi %rem3A_571, %select_n3A_570 : i32
        %select_n3A_581 = arith.select %and3A_579, %add3A_580, %rem3A_571 : i32
        %mul3A_582 = arith.constant 128 : i32
        %mul3A_583 = arith.muli %select_n3A_581, %mul3A_582 : i32
        %add3A_584 = arith.addi %mul3A_583, %select_n3A_565 : i32
        %add3A_585 = vector.broadcast %add3A_584 : i32 to vector<16xi32>
        %add3A_586 = arith.addi %mul3A_113, %add3A_585 : vector<16xi32>
        %gather3A_587 = tpu.vector_load_idx %arg5[%add3A_586] : memref<51200xi32, #tpu.memory_space<vmem>>[vector<16xi32>], vector<16xi32>,
        %add3A_588 = arith.addi %gather3A_587, %mul3A_133 : vector<16xi32>
        %swap3A_589 = arith.constant 0 : i32
        %swap3A_590 = arith.index_cast %swap3A_589 : i32 to index
        %swap3A_591 = arith.constant 32 : index
        %swap3A_592 = tpu.vector_load %arg6[%swap3A_590, %swap3A_591] {strides = array<i32>} : memref<2x256xi32, #tpu.memory_space<vmem>>, vector<16xi32>,
        tpu.vector_store %arg6[%swap3A_590, %swap3A_591], %add3A_588 {strides = array<i32>} : memref<2x256xi32, #tpu.memory_space<vmem>>, vector<16xi32>,
        %mul3A_593 = arith.constant 256 : i32
        %mul3A_594 = arith.muli %add3A_430, %mul3A_593 : i32
        %add3A_595 = arith.constant 48 : i32
        %add3A_596 = arith.addi %mul3A_594, %add3A_595 : i32
        %jit3A_597 = arith.constant 400 : i32
        %div3A_598 = arith.divsi %add3A_596, %jit3A_597 : i32
        %sign3A_599 = arith.constant 0 : i32
        %sign3A_600 = arith.cmpi sgt, %add3A_596, %sign3A_599 : i32
        %sign3A_601 = arith.extui %sign3A_600 : i1 to i32
        %sign3A_602 = arith.constant 0 : i32
        %sign3A_603 = arith.cmpi slt, %add3A_596, %sign3A_602 : i32
        %sign3A_604 = arith.extui %sign3A_603 : i1 to i32
        %sign3A_605 = arith.subi %sign3A_601, %sign3A_604 : i32
        %sign3A_606 = arith.constant 0 : i32
        %sign3A_607 = arith.cmpi sgt, %jit3A_597, %sign3A_606 : i32
        %sign3A_608 = arith.extui %sign3A_607 : i1 to i32
        %sign3A_609 = arith.constant 0 : i32
        %sign3A_610 = arith.cmpi slt, %jit3A_597, %sign3A_609 : i32
        %sign3A_611 = arith.extui %sign3A_610 : i1 to i32
        %sign3A_612 = arith.subi %sign3A_608, %sign3A_611 : i32
        %ne3A_613 = arith.cmpi ne, %sign3A_605, %sign3A_612 : i32
        %rem3A_614 = arith.remsi %add3A_596, %jit3A_597 : i32
        %ne3A_615 = arith.constant 0 : i32
        %ne3A_616 = arith.cmpi ne, %rem3A_614, %ne3A_615 : i32
        %and3A_617 = arith.andi %ne3A_613, %ne3A_616 : i1
        %sub3A_618 = arith.constant 1 : i32
        %sub3A_619 = arith.subi %div3A_598, %sub3A_618 : i32
        %select_n3A_620 = arith.select %and3A_617, %sub3A_619, %div3A_598 : i32
        %jit3A_621 = arith.constant 400 : i32
        %eq3A_622 = arith.constant 0 : i32
        %eq3A_623 = arith.cmpi eq, %jit3A_621, %eq3A_622 : i32
        %jit3A_624 = arith.constant 1 : i32
        %select_n3A_625 = arith.select %eq3A_623, %jit3A_624, %jit3A_621 : i32
        %rem3A_626 = arith.remsi %add3A_596, %select_n3A_625 : i32
        %ne3A_627 = arith.constant 0 : i32
        %ne3A_628 = arith.cmpi ne, %rem3A_626, %ne3A_627 : i32
        %lt3A_629 = arith.constant 0 : i32
        %lt3A_630 = arith.cmpi slt, %rem3A_626, %lt3A_629 : i32
        %lt3A_631 = arith.constant 0 : i32
        %lt3A_632 = arith.cmpi slt, %select_n3A_625, %lt3A_631 : i32
        %ne3A_633 = arith.xori %lt3A_630, %lt3A_632 : i1
        %and3A_634 = arith.andi %ne3A_633, %ne3A_628 : i1
        %add3A_635 = arith.addi %rem3A_626, %select_n3A_625 : i32
        %select_n3A_636 = arith.select %and3A_634, %add3A_635, %rem3A_626 : i32
        %mul3A_637 = arith.constant 128 : i32
        %mul3A_638 = arith.muli %select_n3A_636, %mul3A_637 : i32
        %add3A_639 = arith.addi %mul3A_638, %select_n3A_620 : i32
        %add3A_640 = vector.broadcast %add3A_639 : i32 to vector<16xi32>
        %add3A_641 = arith.addi %mul3A_113, %add3A_640 : vector<16xi32>
        %gather3A_642 = tpu.vector_load_idx %arg5[%add3A_641] : memref<51200xi32, #tpu.memory_space<vmem>>[vector<16xi32>], vector<16xi32>,
        %add3A_643 = arith.addi %gather3A_642, %mul3A_133 : vector<16xi32>
        %swap3A_644 = arith.constant 0 : i32
        %swap3A_645 = arith.index_cast %swap3A_644 : i32 to index
        %swap3A_646 = arith.constant 48 : index
        %swap3A_647 = tpu.vector_load %arg6[%swap3A_645, %swap3A_646] {strides = array<i32>} : memref<2x256xi32, #tpu.memory_space<vmem>>, vector<16xi32>,
        tpu.vector_store %arg6[%swap3A_645, %swap3A_646], %add3A_643 {strides = array<i32>} : memref<2x256xi32, #tpu.memory_space<vmem>>, vector<16xi32>,
        %mul3A_648 = arith.constant 256 : i32
        %mul3A_649 = arith.muli %add3A_430, %mul3A_648 : i32
        %add3A_650 = arith.constant 64 : i32
        %add3A_651 = arith.addi %mul3A_649, %add3A_650 : i32
        %jit3A_652 = arith.constant 400 : i32
        %div3A_653 = arith.divsi %add3A_651, %jit3A_652 : i32
        %sign3A_654 = arith.constant 0 : i32
        %sign3A_655 = arith.cmpi sgt, %add3A_651, %sign3A_654 : i32
        %sign3A_656 = arith.extui %sign3A_655 : i1 to i32
        %sign3A_657 = arith.constant 0 : i32
        %sign3A_658 = arith.cmpi slt, %add3A_651, %sign3A_657 : i32
        %sign3A_659 = arith.extui %sign3A_658 : i1 to i32
        %sign3A_660 = arith.subi %sign3A_656, %sign3A_659 : i32
        %sign3A_661 = arith.constant 0 : i32
        %sign3A_662 = arith.cmpi sgt, %jit3A_652, %sign3A_661 : i32
        %sign3A_663 = arith.extui %sign3A_662 : i1 to i32
        %sign3A_664 = arith.constant 0 : i32
        %sign3A_665 = arith.cmpi slt, %jit3A_652, %sign3A_664 : i32
        %sign3A_666 = arith.extui %sign3A_665 : i1 to i32
        %sign3A_667 = arith.subi %sign3A_663, %sign3A_666 : i32
        %ne3A_668 = arith.cmpi ne, %sign3A_660, %sign3A_667 : i32
        %rem3A_669 = arith.remsi %add3A_651, %jit3A_652 : i32
        %ne3A_670 = arith.constant 0 : i32
        %ne3A_671 = arith.cmpi ne, %rem3A_669, %ne3A_670 : i32
        %and3A_672 = arith.andi %ne3A_668, %ne3A_671 : i1
        %sub3A_673 = arith.constant 1 : i32
        %sub3A_674 = arith.subi %div3A_653, %sub3A_673 : i32
        %select_n3A_675 = arith.select %and3A_672, %sub3A_674, %div3A_653 : i32
        %jit3A_676 = arith.constant 400 : i32
        %eq3A_677 = arith.constant 0 : i32
        %eq3A_678 = arith.cmpi eq, %jit3A_676, %eq3A_677 : i32
        %jit3A_679 = arith.constant 1 : i32
        %select_n3A_680 = arith.select %eq3A_678, %jit3A_679, %jit3A_676 : i32
        %rem3A_681 = arith.remsi %add3A_651, %select_n3A_680 : i32
        %ne3A_682 = arith.constant 0 : i32
        %ne3A_683 = arith.cmpi ne, %rem3A_681, %ne3A_682 : i32
        %lt3A_684 = arith.constant 0 : i32
        %lt3A_685 = arith.cmpi slt, %rem3A_681, %lt3A_684 : i32
        %lt3A_686 = arith.constant 0 : i32
        %lt3A_687 = arith.cmpi slt, %select_n3A_680, %lt3A_686 : i32
        %ne3A_688 = arith.xori %lt3A_685, %lt3A_687 : i1
        %and3A_689 = arith.andi %ne3A_688, %ne3A_683 : i1
        %add3A_690 = arith.addi %rem3A_681, %select_n3A_680 : i32
        %select_n3A_691 = arith.select %and3A_689, %add3A_690, %rem3A_681 : i32
        %mul3A_692 = arith.constant 128 : i32
        %mul3A_693 = arith.muli %select_n3A_691, %mul3A_692 : i32
        %add3A_694 = arith.addi %mul3A_693, %select_n3A_675 : i32
        %add3A_695 = vector.broadcast %add3A_694 : i32 to vector<16xi32>
        %add3A_696 = arith.addi %mul3A_113, %add3A_695 : vector<16xi32>
        %gather3A_697 = tpu.vector_load_idx %arg5[%add3A_696] : memref<51200xi32, #tpu.memory_space<vmem>>[vector<16xi32>], vector<16xi32>,
        %add3A_698 = arith.addi %gather3A_697, %mul3A_133 : vector<16xi32>
        %swap3A_699 = arith.constant 0 : i32
        %swap3A_700 = arith.index_cast %swap3A_699 : i32 to index
        %swap3A_701 = arith.constant 64 : index
        %swap3A_702 = tpu.vector_load %arg6[%swap3A_700, %swap3A_701] {strides = array<i32>} : memref<2x256xi32, #tpu.memory_space<vmem>>, vector<16xi32>,
        tpu.vector_store %arg6[%swap3A_700, %swap3A_701], %add3A_698 {strides = array<i32>} : memref<2x256xi32, #tpu.memory_space<vmem>>, vector<16xi32>,
        %mul3A_703 = arith.constant 256 : i32
        %mul3A_704 = arith.muli %add3A_430, %mul3A_703 : i32
        %add3A_705 = arith.constant 80 : i32
        %add3A_706 = arith.addi %mul3A_704, %add3A_705 : i32
        %jit3A_707 = arith.constant 400 : i32
        %div3A_708 = arith.divsi %add3A_706, %jit3A_707 : i32
        %sign3A_709 = arith.constant 0 : i32
        %sign3A_710 = arith.cmpi sgt, %add3A_706, %sign3A_709 : i32
        %sign3A_711 = arith.extui %sign3A_710 : i1 to i32
        %sign3A_712 = arith.constant 0 : i32
        %sign3A_713 = arith.cmpi slt, %add3A_706, %sign3A_712 : i32
        %sign3A_714 = arith.extui %sign3A_713 : i1 to i32
        %sign3A_715 = arith.subi %sign3A_711, %sign3A_714 : i32
        %sign3A_716 = arith.constant 0 : i32
        %sign3A_717 = arith.cmpi sgt, %jit3A_707, %sign3A_716 : i32
        %sign3A_718 = arith.extui %sign3A_717 : i1 to i32
        %sign3A_719 = arith.constant 0 : i32
        %sign3A_720 = arith.cmpi slt, %jit3A_707, %sign3A_719 : i32
        %sign3A_721 = arith.extui %sign3A_720 : i1 to i32
        %sign3A_722 = arith.subi %sign3A_718, %sign3A_721 : i32
        %ne3A_723 = arith.cmpi ne, %sign3A_715, %sign3A_722 : i32
        %rem3A_724 = arith.remsi %add3A_706, %jit3A_707 : i32
        %ne3A_725 = arith.constant 0 : i32
        %ne3A_726 = arith.cmpi ne, %rem3A_724, %ne3A_725 : i32
        %and3A_727 = arith.andi %ne3A_723, %ne3A_726 : i1
        %sub3A_728 = arith.constant 1 : i32
        %sub3A_729 = arith.subi %div3A_708, %sub3A_728 : i32
        %select_n3A_730 = arith.select %and3A_727, %sub3A_729, %div3A_708 : i32
        %jit3A_731 = arith.constant 400 : i32
        %eq3A_732 = arith.constant 0 : i32
        %eq3A_733 = arith.cmpi eq, %jit3A_731, %eq3A_732 : i32
        %jit3A_734 = arith.constant 1 : i32
        %select_n3A_735 = arith.select %eq3A_733, %jit3A_734, %jit3A_731 : i32
        %rem3A_736 = arith.remsi %add3A_706, %select_n3A_735 : i32
        %ne3A_737 = arith.constant 0 : i32
        %ne3A_738 = arith.cmpi ne, %rem3A_736, %ne3A_737 : i32
        %lt3A_739 = arith.constant 0 : i32
        %lt3A_740 = arith.cmpi slt, %rem3A_736, %lt3A_739 : i32
        %lt3A_741 = arith.constant 0 : i32
        %lt3A_742 = arith.cmpi slt, %select_n3A_735, %lt3A_741 : i32
        %ne3A_743 = arith.xori %lt3A_740, %lt3A_742 : i1
        %and3A_744 = arith.andi %ne3A_743, %ne3A_738 : i1
        %add3A_745 = arith.addi %rem3A_736, %select_n3A_735 : i32
        %select_n3A_746 = arith.select %and3A_744, %add3A_745, %rem3A_736 : i32
        %mul3A_747 = arith.constant 128 : i32
        %mul3A_748 = arith.muli %select_n3A_746, %mul3A_747 : i32
        %add3A_749 = arith.addi %mul3A_748, %select_n3A_730 : i32
        %add3A_750 = vector.broadcast %add3A_749 : i32 to vector<16xi32>
        %add3A_751 = arith.addi %mul3A_113, %add3A_750 : vector<16xi32>
        %gather3A_752 = tpu.vector_load_idx %arg5[%add3A_751] : memref<51200xi32, #tpu.memory_space<vmem>>[vector<16xi32>], vector<16xi32>,
        %add3A_753 = arith.addi %gather3A_752, %mul3A_133 : vector<16xi32>
        %swap3A_754 = arith.constant 0 : i32
        %swap3A_755 = arith.index_cast %swap3A_754 : i32 to index
        %swap3A_756 = arith.constant 80 : index
        %swap3A_757 = tpu.vector_load %arg6[%swap3A_755, %swap3A_756] {strides = array<i32>} : memref<2x256xi32, #tpu.memory_space<vmem>>, vector<16xi32>,
        tpu.vector_store %arg6[%swap3A_755, %swap3A_756], %add3A_753 {strides = array<i32>} : memref<2x256xi32, #tpu.memory_space<vmem>>, vector<16xi32>,
        %mul3A_758 = arith.constant 256 : i32
        %mul3A_759 = arith.muli %add3A_430, %mul3A_758 : i32
        %add3A_760 = arith.constant 96 : i32
        %add3A_761 = arith.addi %mul3A_759, %add3A_760 : i32
        %jit3A_762 = arith.constant 400 : i32
        %div3A_763 = arith.divsi %add3A_761, %jit3A_762 : i32
        %sign3A_764 = arith.constant 0 : i32
        %sign3A_765 = arith.cmpi sgt, %add3A_761, %sign3A_764 : i32
        %sign3A_766 = arith.extui %sign3A_765 : i1 to i32
        %sign3A_767 = arith.constant 0 : i32
        %sign3A_768 = arith.cmpi slt, %add3A_761, %sign3A_767 : i32
        %sign3A_769 = arith.extui %sign3A_768 : i1 to i32
        %sign3A_770 = arith.subi %sign3A_766, %sign3A_769 : i32
        %sign3A_771 = arith.constant 0 : i32
        %sign3A_772 = arith.cmpi sgt, %jit3A_762, %sign3A_771 : i32
        %sign3A_773 = arith.extui %sign3A_772 : i1 to i32
        %sign3A_774 = arith.constant 0 : i32
        %sign3A_775 = arith.cmpi slt, %jit3A_762, %sign3A_774 : i32
        %sign3A_776 = arith.extui %sign3A_775 : i1 to i32
        %sign3A_777 = arith.subi %sign3A_773, %sign3A_776 : i32
        %ne3A_778 = arith.cmpi ne, %sign3A_770, %sign3A_777 : i32
        %rem3A_779 = arith.remsi %add3A_761, %jit3A_762 : i32
        %ne3A_780 = arith.constant 0 : i32
        %ne3A_781 = arith.cmpi ne, %rem3A_779, %ne3A_780 : i32
        %and3A_782 = arith.andi %ne3A_778, %ne3A_781 : i1
        %sub3A_783 = arith.constant 1 : i32
        %sub3A_784 = arith.subi %div3A_763, %sub3A_783 : i32
        %select_n3A_785 = arith.select %and3A_782, %sub3A_784, %div3A_763 : i32
        %jit3A_786 = arith.constant 400 : i32
        %eq3A_787 = arith.constant 0 : i32
        %eq3A_788 = arith.cmpi eq, %jit3A_786, %eq3A_787 : i32
        %jit3A_789 = arith.constant 1 : i32
        %select_n3A_790 = arith.select %eq3A_788, %jit3A_789, %jit3A_786 : i32
        %rem3A_791 = arith.remsi %add3A_761, %select_n3A_790 : i32
        %ne3A_792 = arith.constant 0 : i32
        %ne3A_793 = arith.cmpi ne, %rem3A_791, %ne3A_792 : i32
        %lt3A_794 = arith.constant 0 : i32
        %lt3A_795 = arith.cmpi slt, %rem3A_791, %lt3A_794 : i32
        %lt3A_796 = arith.constant 0 : i32
        %lt3A_797 = arith.cmpi slt, %select_n3A_790, %lt3A_796 : i32
        %ne3A_798 = arith.xori %lt3A_795, %lt3A_797 : i1
        %and3A_799 = arith.andi %ne3A_798, %ne3A_793 : i1
        %add3A_800 = arith.addi %rem3A_791, %select_n3A_790 : i32
        %select_n3A_801 = arith.select %and3A_799, %add3A_800, %rem3A_791 : i32
        %mul3A_802 = arith.constant 128 : i32
        %mul3A_803 = arith.muli %select_n3A_801, %mul3A_802 : i32
        %add3A_804 = arith.addi %mul3A_803, %select_n3A_785 : i32
        %add3A_805 = vector.broadcast %add3A_804 : i32 to vector<16xi32>
        %add3A_806 = arith.addi %mul3A_113, %add3A_805 : vector<16xi32>
        %gather3A_807 = tpu.vector_load_idx %arg5[%add3A_806] : memref<51200xi32, #tpu.memory_space<vmem>>[vector<16xi32>], vector<16xi32>,
        %add3A_808 = arith.addi %gather3A_807, %mul3A_133 : vector<16xi32>
        %swap3A_809 = arith.constant 0 : i32
        %swap3A_810 = arith.index_cast %swap3A_809 : i32 to index
        %swap3A_811 = arith.constant 96 : index
        %swap3A_812 = tpu.vector_load %arg6[%swap3A_810, %swap3A_811] {strides = array<i32>} : memref<2x256xi32, #tpu.memory_space<vmem>>, vector<16xi32>,
        tpu.vector_store %arg6[%swap3A_810, %swap3A_811], %add3A_808 {strides = array<i32>} : memref<2x256xi32, #tpu.memory_space<vmem>>, vector<16xi32>,
        %mul3A_813 = arith.constant 256 : i32
        %mul3A_814 = arith.muli %add3A_430, %mul3A_813 : i32
        %add3A_815 = arith.constant 112 : i32
        %add3A_816 = arith.addi %mul3A_814, %add3A_815 : i32
        %jit3A_817 = arith.constant 400 : i32
        %div3A_818 = arith.divsi %add3A_816, %jit3A_817 : i32
        %sign3A_819 = arith.constant 0 : i32
        %sign3A_820 = arith.cmpi sgt, %add3A_816, %sign3A_819 : i32
        %sign3A_821 = arith.extui %sign3A_820 : i1 to i32
        %sign3A_822 = arith.constant 0 : i32
        %sign3A_823 = arith.cmpi slt, %add3A_816, %sign3A_822 : i32
        %sign3A_824 = arith.extui %sign3A_823 : i1 to i32
        %sign3A_825 = arith.subi %sign3A_821, %sign3A_824 : i32
        %sign3A_826 = arith.constant 0 : i32
        %sign3A_827 = arith.cmpi sgt, %jit3A_817, %sign3A_826 : i32
        %sign3A_828 = arith.extui %sign3A_827 : i1 to i32
        %sign3A_829 = arith.constant 0 : i32
        %sign3A_830 = arith.cmpi slt, %jit3A_817, %sign3A_829 : i32
        %sign3A_831 = arith.extui %sign3A_830 : i1 to i32
        %sign3A_832 = arith.subi %sign3A_828, %sign3A_831 : i32
        %ne3A_833 = arith.cmpi ne, %sign3A_825, %sign3A_832 : i32
        %rem3A_834 = arith.remsi %add3A_816, %jit3A_817 : i32
        %ne3A_835 = arith.constant 0 : i32
        %ne3A_836 = arith.cmpi ne, %rem3A_834, %ne3A_835 : i32
        %and3A_837 = arith.andi %ne3A_833, %ne3A_836 : i1
        %sub3A_838 = arith.constant 1 : i32
        %sub3A_839 = arith.subi %div3A_818, %sub3A_838 : i32
        %select_n3A_840 = arith.select %and3A_837, %sub3A_839, %div3A_818 : i32
        %jit3A_841 = arith.constant 400 : i32
        %eq3A_842 = arith.constant 0 : i32
        %eq3A_843 = arith.cmpi eq, %jit3A_841, %eq3A_842 : i32
        %jit3A_844 = arith.constant 1 : i32
        %select_n3A_845 = arith.select %eq3A_843, %jit3A_844, %jit3A_841 : i32
        %rem3A_846 = arith.remsi %add3A_816, %select_n3A_845 : i32
        %ne3A_847 = arith.constant 0 : i32
        %ne3A_848 = arith.cmpi ne, %rem3A_846, %ne3A_847 : i32
        %lt3A_849 = arith.constant 0 : i32
        %lt3A_850 = arith.cmpi slt, %rem3A_846, %lt3A_849 : i32
        %lt3A_851 = arith.constant 0 : i32
        %lt3A_852 = arith.cmpi slt, %select_n3A_845, %lt3A_851 : i32
        %ne3A_853 = arith.xori %lt3A_850, %lt3A_852 : i1
        %and3A_854 = arith.andi %ne3A_853, %ne3A_848 : i1
        %add3A_855 = arith.addi %rem3A_846, %select_n3A_845 : i32
        %select_n3A_856 = arith.select %and3A_854, %add3A_855, %rem3A_846 : i32
        %mul3A_857 = arith.constant 128 : i32
        %mul3A_858 = arith.muli %select_n3A_856, %mul3A_857 : i32
        %add3A_859 = arith.addi %mul3A_858, %select_n3A_840 : i32
        %add3A_860 = vector.broadcast %add3A_859 : i32 to vector<16xi32>
        %add3A_861 = arith.addi %mul3A_113, %add3A_860 : vector<16xi32>
        %gather3A_862 = tpu.vector_load_idx %arg5[%add3A_861] : memref<51200xi32, #tpu.memory_space<vmem>>[vector<16xi32>], vector<16xi32>,
        %add3A_863 = arith.addi %gather3A_862, %mul3A_133 : vector<16xi32>
        %swap3A_864 = arith.constant 0 : i32
        %swap3A_865 = arith.index_cast %swap3A_864 : i32 to index
        %swap3A_866 = arith.constant 112 : index
        %swap3A_867 = tpu.vector_load %arg6[%swap3A_865, %swap3A_866] {strides = array<i32>} : memref<2x256xi32, #tpu.memory_space<vmem>>, vector<16xi32>,
        tpu.vector_store %arg6[%swap3A_865, %swap3A_866], %add3A_863 {strides = array<i32>} : memref<2x256xi32, #tpu.memory_space<vmem>>, vector<16xi32>,
        %mul3A_868 = arith.constant 256 : i32
        %mul3A_869 = arith.muli %add3A_430, %mul3A_868 : i32
        %add3A_870 = arith.constant 128 : i32
        %add3A_871 = arith.addi %mul3A_869, %add3A_870 : i32
        %jit3A_872 = arith.constant 400 : i32
        %div3A_873 = arith.divsi %add3A_871, %jit3A_872 : i32
        %sign3A_874 = arith.constant 0 : i32
        %sign3A_875 = arith.cmpi sgt, %add3A_871, %sign3A_874 : i32
        %sign3A_876 = arith.extui %sign3A_875 : i1 to i32
        %sign3A_877 = arith.constant 0 : i32
        %sign3A_878 = arith.cmpi slt, %add3A_871, %sign3A_877 : i32
        %sign3A_879 = arith.extui %sign3A_878 : i1 to i32
        %sign3A_880 = arith.subi %sign3A_876, %sign3A_879 : i32
        %sign3A_881 = arith.constant 0 : i32
        %sign3A_882 = arith.cmpi sgt, %jit3A_872, %sign3A_881 : i32
        %sign3A_883 = arith.extui %sign3A_882 : i1 to i32
        %sign3A_884 = arith.constant 0 : i32
        %sign3A_885 = arith.cmpi slt, %jit3A_872, %sign3A_884 : i32
        %sign3A_886 = arith.extui %sign3A_885 : i1 to i32
        %sign3A_887 = arith.subi %sign3A_883, %sign3A_886 : i32
        %ne3A_888 = arith.cmpi ne, %sign3A_880, %sign3A_887 : i32
        %rem3A_889 = arith.remsi %add3A_871, %jit3A_872 : i32
        %ne3A_890 = arith.constant 0 : i32
        %ne3A_891 = arith.cmpi ne, %rem3A_889, %ne3A_890 : i32
        %and3A_892 = arith.andi %ne3A_888, %ne3A_891 : i1
        %sub3A_893 = arith.constant 1 : i32
        %sub3A_894 = arith.subi %div3A_873, %sub3A_893 : i32
        %select_n3A_895 = arith.select %and3A_892, %sub3A_894, %div3A_873 : i32
        %jit3A_896 = arith.constant 400 : i32
        %eq3A_897 = arith.constant 0 : i32
        %eq3A_898 = arith.cmpi eq, %jit3A_896, %eq3A_897 : i32
        %jit3A_899 = arith.constant 1 : i32
        %select_n3A_900 = arith.select %eq3A_898, %jit3A_899, %jit3A_896 : i32
        %rem3A_901 = arith.remsi %add3A_871, %select_n3A_900 : i32
        %ne3A_902 = arith.constant 0 : i32
        %ne3A_903 = arith.cmpi ne, %rem3A_901, %ne3A_902 : i32
        %lt3A_904 = arith.constant 0 : i32
        %lt3A_905 = arith.cmpi slt, %rem3A_901, %lt3A_904 : i32
        %lt3A_906 = arith.constant 0 : i32
        %lt3A_907 = arith.cmpi slt, %select_n3A_900, %lt3A_906 : i32
        %ne3A_908 = arith.xori %lt3A_905, %lt3A_907 : i1
        %and3A_909 = arith.andi %ne3A_908, %ne3A_903 : i1
        %add3A_910 = arith.addi %rem3A_901, %select_n3A_900 : i32
        %select_n3A_911 = arith.select %and3A_909, %add3A_910, %rem3A_901 : i32
        %mul3A_912 = arith.constant 128 : i32
        %mul3A_913 = arith.muli %select_n3A_911, %mul3A_912 : i32
        %add3A_914 = arith.addi %mul3A_913, %select_n3A_895 : i32
        %add3A_915 = vector.broadcast %add3A_914 : i32 to vector<16xi32>
        %add3A_916 = arith.addi %mul3A_113, %add3A_915 : vector<16xi32>
        %gather3A_917 = tpu.vector_load_idx %arg5[%add3A_916] : memref<51200xi32, #tpu.memory_space<vmem>>[vector<16xi32>], vector<16xi32>,
        %add3A_918 = arith.addi %gather3A_917, %mul3A_133 : vector<16xi32>
        %swap3A_919 = arith.constant 0 : i32
        %swap3A_920 = arith.index_cast %swap3A_919 : i32 to index
        %swap3A_921 = arith.constant 128 : index
        %swap3A_922 = tpu.vector_load %arg6[%swap3A_920, %swap3A_921] {strides = array<i32>} : memref<2x256xi32, #tpu.memory_space<vmem>>, vector<16xi32>,
        tpu.vector_store %arg6[%swap3A_920, %swap3A_921], %add3A_918 {strides = array<i32>} : memref<2x256xi32, #tpu.memory_space<vmem>>, vector<16xi32>,
        %mul3A_923 = arith.constant 256 : i32
        %mul3A_924 = arith.muli %add3A_430, %mul3A_923 : i32
        %add3A_925 = arith.constant 144 : i32
        %add3A_926 = arith.addi %mul3A_924, %add3A_925 : i32
        %jit3A_927 = arith.constant 400 : i32
        %div3A_928 = arith.divsi %add3A_926, %jit3A_927 : i32
        %sign3A_929 = arith.constant 0 : i32
        %sign3A_930 = arith.cmpi sgt, %add3A_926, %sign3A_929 : i32
        %sign3A_931 = arith.extui %sign3A_930 : i1 to i32
        %sign3A_932 = arith.constant 0 : i32
        %sign3A_933 = arith.cmpi slt, %add3A_926, %sign3A_932 : i32
        %sign3A_934 = arith.extui %sign3A_933 : i1 to i32
        %sign3A_935 = arith.subi %sign3A_931, %sign3A_934 : i32
        %sign3A_936 = arith.constant 0 : i32
        %sign3A_937 = arith.cmpi sgt, %jit3A_927, %sign3A_936 : i32
        %sign3A_938 = arith.extui %sign3A_937 : i1 to i32
        %sign3A_939 = arith.constant 0 : i32
        %sign3A_940 = arith.cmpi slt, %jit3A_927, %sign3A_939 : i32
        %sign3A_941 = arith.extui %sign3A_940 : i1 to i32
        %sign3A_942 = arith.subi %sign3A_938, %sign3A_941 : i32
        %ne3A_943 = arith.cmpi ne, %sign3A_935, %sign3A_942 : i32
        %rem3A_944 = arith.remsi %add3A_926, %jit3A_927 : i32
        %ne3A_945 = arith.constant 0 : i32
        %ne3A_946 = arith.cmpi ne, %rem3A_944, %ne3A_945 : i32
        %and3A_947 = arith.andi %ne3A_943, %ne3A_946 : i1
        %sub3A_948 = arith.constant 1 : i32
        %sub3A_949 = arith.subi %div3A_928, %sub3A_948 : i32
        %select_n3A_950 = arith.select %and3A_947, %sub3A_949, %div3A_928 : i32
        %jit3A_951 = arith.constant 400 : i32
        %eq3A_952 = arith.constant 0 : i32
        %eq3A_953 = arith.cmpi eq, %jit3A_951, %eq3A_952 : i32
        %jit3A_954 = arith.constant 1 : i32
        %select_n3A_955 = arith.select %eq3A_953, %jit3A_954, %jit3A_951 : i32
        %rem3A_956 = arith.remsi %add3A_926, %select_n3A_955 : i32
        %ne3A_957 = arith.constant 0 : i32
        %ne3A_958 = arith.cmpi ne, %rem3A_956, %ne3A_957 : i32
        %lt3A_959 = arith.constant 0 : i32
        %lt3A_960 = arith.cmpi slt, %rem3A_956, %lt3A_959 : i32
        %lt3A_961 = arith.constant 0 : i32
        %lt3A_962 = arith.cmpi slt, %select_n3A_955, %lt3A_961 : i32
        %ne3A_963 = arith.xori %lt3A_960, %lt3A_962 : i1
        %and3A_964 = arith.andi %ne3A_963, %ne3A_958 : i1
        %add3A_965 = arith.addi %rem3A_956, %select_n3A_955 : i32
        %select_n3A_966 = arith.select %and3A_964, %add3A_965, %rem3A_956 : i32
        %mul3A_967 = arith.constant 128 : i32
        %mul3A_968 = arith.muli %select_n3A_966, %mul3A_967 : i32
        %add3A_969 = arith.addi %mul3A_968, %select_n3A_950 : i32
        %add3A_970 = vector.broadcast %add3A_969 : i32 to vector<16xi32>
        %add3A_971 = arith.addi %mul3A_113, %add3A_970 : vector<16xi32>
        %gather3A_972 = tpu.vector_load_idx %arg5[%add3A_971] : memref<51200xi32, #tpu.memory_space<vmem>>[vector<16xi32>], vector<16xi32>,
        %add3A_973 = arith.addi %gather3A_972, %mul3A_133 : vector<16xi32>
        %swap3A_974 = arith.constant 0 : i32
        %swap3A_975 = arith.index_cast %swap3A_974 : i32 to index
        %swap3A_976 = arith.constant 144 : index
        %swap3A_977 = tpu.vector_load %arg6[%swap3A_975, %swap3A_976] {strides = array<i32>} : memref<2x256xi32, #tpu.memory_space<vmem>>, vector<16xi32>,
        tpu.vector_store %arg6[%swap3A_975, %swap3A_976], %add3A_973 {strides = array<i32>} : memref<2x256xi32, #tpu.memory_space<vmem>>, vector<16xi32>,
        %mul3A_978 = arith.constant 256 : i32
        %mul3A_979 = arith.muli %add3A_430, %mul3A_978 : i32
        %add3A_980 = arith.constant 160 : i32
        %add3A_981 = arith.addi %mul3A_979, %add3A_980 : i32
        %jit3A_982 = arith.constant 400 : i32
        %div3A_983 = arith.divsi %add3A_981, %jit3A_982 : i32
        %sign3A_984 = arith.constant 0 : i32
        %sign3A_985 = arith.cmpi sgt, %add3A_981, %sign3A_984 : i32
        %sign3A_986 = arith.extui %sign3A_985 : i1 to i32
        %sign3A_987 = arith.constant 0 : i32
        %sign3A_988 = arith.cmpi slt, %add3A_981, %sign3A_987 : i32
        %sign3A_989 = arith.extui %sign3A_988 : i1 to i32
        %sign3A_990 = arith.subi %sign3A_986, %sign3A_989 : i32
        %sign3A_991 = arith.constant 0 : i32
        %sign3A_992 = arith.cmpi sgt, %jit3A_982, %sign3A_991 : i32
        %sign3A_993 = arith.extui %sign3A_992 : i1 to i32
        %sign3A_994 = arith.constant 0 : i32
        %sign3A_995 = arith.cmpi slt, %jit3A_982, %sign3A_994 : i32
        %sign3A_996 = arith.extui %sign3A_995 : i1 to i32
        %sign3A_997 = arith.subi %sign3A_993, %sign3A_996 : i32
        %ne3A_998 = arith.cmpi ne, %sign3A_990, %sign3A_997 : i32
        %rem3A_999 = arith.remsi %add3A_981, %jit3A_982 : i32
        %ne3A_1000 = arith.constant 0 : i32
        %ne3A_1001 = arith.cmpi ne, %rem3A_999, %ne3A_1000 : i32
        %and3A_1002 = arith.andi %ne3A_998, %ne3A_1001 : i1
        %sub3A_1003 = arith.constant 1 : i32
        %sub3A_1004 = arith.subi %div3A_983, %sub3A_1003 : i32
        %select_n3A_1005 = arith.select %and3A_1002, %sub3A_1004, %div3A_983 : i32
        %jit3A_1006 = arith.constant 400 : i32
        %eq3A_1007 = arith.constant 0 : i32
        %eq3A_1008 = arith.cmpi eq, %jit3A_1006, %eq3A_1007 : i32
        %jit3A_1009 = arith.constant 1 : i32
        %select_n3A_1010 = arith.select %eq3A_1008, %jit3A_1009, %jit3A_1006 : i32
        %rem3A_1011 = arith.remsi %add3A_981, %select_n3A_1010 : i32
        %ne3A_1012 = arith.constant 0 : i32
        %ne3A_1013 = arith.cmpi ne, %rem3A_1011, %ne3A_1012 : i32
        %lt3A_1014 = arith.constant 0 : i32
        %lt3A_1015 = arith.cmpi slt, %rem3A_1011, %lt3A_1014 : i32
        %lt3A_1016 = arith.constant 0 : i32
        %lt3A_1017 = arith.cmpi slt, %select_n3A_1010, %lt3A_1016 : i32
        %ne3A_1018 = arith.xori %lt3A_1015, %lt3A_1017 : i1
        %and3A_1019 = arith.andi %ne3A_1018, %ne3A_1013 : i1
        %add3A_1020 = arith.addi %rem3A_1011, %select_n3A_1010 : i32
        %select_n3A_1021 = arith.select %and3A_1019, %add3A_1020, %rem3A_1011 : i32
        %mul3A_1022 = arith.constant 128 : i32
        %mul3A_1023 = arith.muli %select_n3A_1021, %mul3A_1022 : i32
        %add3A_1024 = arith.addi %mul3A_1023, %select_n3A_1005 : i32
        %add3A_1025 = vector.broadcast %add3A_1024 : i32 to vector<16xi32>
        %add3A_1026 = arith.addi %mul3A_113, %add3A_1025 : vector<16xi32>
        %gather3A_1027 = tpu.vector_load_idx %arg5[%add3A_1026] : memref<51200xi32, #tpu.memory_space<vmem>>[vector<16xi32>], vector<16xi32>,
        %add3A_1028 = arith.addi %gather3A_1027, %mul3A_133 : vector<16xi32>
        %swap3A_1029 = arith.constant 0 : i32
        %swap3A_1030 = arith.index_cast %swap3A_1029 : i32 to index
        %swap3A_1031 = arith.constant 160 : index
        %swap3A_1032 = tpu.vector_load %arg6[%swap3A_1030, %swap3A_1031] {strides = array<i32>} : memref<2x256xi32, #tpu.memory_space<vmem>>, vector<16xi32>,
        tpu.vector_store %arg6[%swap3A_1030, %swap3A_1031], %add3A_1028 {strides = array<i32>} : memref<2x256xi32, #tpu.memory_space<vmem>>, vector<16xi32>,
        %mul3A_1033 = arith.constant 256 : i32
        %mul3A_1034 = arith.muli %add3A_430, %mul3A_1033 : i32
        %add3A_1035 = arith.constant 176 : i32
        %add3A_1036 = arith.addi %mul3A_1034, %add3A_1035 : i32
        %jit3A_1037 = arith.constant 400 : i32
        %div3A_1038 = arith.divsi %add3A_1036, %jit3A_1037 : i32
        %sign3A_1039 = arith.constant 0 : i32
        %sign3A_1040 = arith.cmpi sgt, %add3A_1036, %sign3A_1039 : i32
        %sign3A_1041 = arith.extui %sign3A_1040 : i1 to i32
        %sign3A_1042 = arith.constant 0 : i32
        %sign3A_1043 = arith.cmpi slt, %add3A_1036, %sign3A_1042 : i32
        %sign3A_1044 = arith.extui %sign3A_1043 : i1 to i32
        %sign3A_1045 = arith.subi %sign3A_1041, %sign3A_1044 : i32
        %sign3A_1046 = arith.constant 0 : i32
        %sign3A_1047 = arith.cmpi sgt, %jit3A_1037, %sign3A_1046 : i32
        %sign3A_1048 = arith.extui %sign3A_1047 : i1 to i32
        %sign3A_1049 = arith.constant 0 : i32
        %sign3A_1050 = arith.cmpi slt, %jit3A_1037, %sign3A_1049 : i32
        %sign3A_1051 = arith.extui %sign3A_1050 : i1 to i32
        %sign3A_1052 = arith.subi %sign3A_1048, %sign3A_1051 : i32
        %ne3A_1053 = arith.cmpi ne, %sign3A_1045, %sign3A_1052 : i32
        %rem3A_1054 = arith.remsi %add3A_1036, %jit3A_1037 : i32
        %ne3A_1055 = arith.constant 0 : i32
        %ne3A_1056 = arith.cmpi ne, %rem3A_1054, %ne3A_1055 : i32
        %and3A_1057 = arith.andi %ne3A_1053, %ne3A_1056 : i1
        %sub3A_1058 = arith.constant 1 : i32
        %sub3A_1059 = arith.subi %div3A_1038, %sub3A_1058 : i32
        %select_n3A_1060 = arith.select %and3A_1057, %sub3A_1059, %div3A_1038 : i32
        %jit3A_1061 = arith.constant 400 : i32
        %eq3A_1062 = arith.constant 0 : i32
        %eq3A_1063 = arith.cmpi eq, %jit3A_1061, %eq3A_1062 : i32
        %jit3A_1064 = arith.constant 1 : i32
        %select_n3A_1065 = arith.select %eq3A_1063, %jit3A_1064, %jit3A_1061 : i32
        %rem3A_1066 = arith.remsi %add3A_1036, %select_n3A_1065 : i32
        %ne3A_1067 = arith.constant 0 : i32
        %ne3A_1068 = arith.cmpi ne, %rem3A_1066, %ne3A_1067 : i32
        %lt3A_1069 = arith.constant 0 : i32
        %lt3A_1070 = arith.cmpi slt, %rem3A_1066, %lt3A_1069 : i32
        %lt3A_1071 = arith.constant 0 : i32
        %lt3A_1072 = arith.cmpi slt, %select_n3A_1065, %lt3A_1071 : i32
        %ne3A_1073 = arith.xori %lt3A_1070, %lt3A_1072 : i1
        %and3A_1074 = arith.andi %ne3A_1073, %ne3A_1068 : i1
        %add3A_1075 = arith.addi %rem3A_1066, %select_n3A_1065 : i32
        %select_n3A_1076 = arith.select %and3A_1074, %add3A_1075, %rem3A_1066 : i32
        %mul3A_1077 = arith.constant 128 : i32
        %mul3A_1078 = arith.muli %select_n3A_1076, %mul3A_1077 : i32
        %add3A_1079 = arith.addi %mul3A_1078, %select_n3A_1060 : i32
        %add3A_1080 = vector.broadcast %add3A_1079 : i32 to vector<16xi32>
        %add3A_1081 = arith.addi %mul3A_113, %add3A_1080 : vector<16xi32>
        %gather3A_1082 = tpu.vector_load_idx %arg5[%add3A_1081] : memref<51200xi32, #tpu.memory_space<vmem>>[vector<16xi32>], vector<16xi32>,
        %add3A_1083 = arith.addi %gather3A_1082, %mul3A_133 : vector<16xi32>
        %swap3A_1084 = arith.constant 0 : i32
        %swap3A_1085 = arith.index_cast %swap3A_1084 : i32 to index
        %swap3A_1086 = arith.constant 176 : index
        %swap3A_1087 = tpu.vector_load %arg6[%swap3A_1085, %swap3A_1086] {strides = array<i32>} : memref<2x256xi32, #tpu.memory_space<vmem>>, vector<16xi32>,
        tpu.vector_store %arg6[%swap3A_1085, %swap3A_1086], %add3A_1083 {strides = array<i32>} : memref<2x256xi32, #tpu.memory_space<vmem>>, vector<16xi32>,
        %mul3A_1088 = arith.constant 256 : i32
        %mul3A_1089 = arith.muli %add3A_430, %mul3A_1088 : i32
        %add3A_1090 = arith.constant 192 : i32
        %add3A_1091 = arith.addi %mul3A_1089, %add3A_1090 : i32
        %jit3A_1092 = arith.constant 400 : i32
        %div3A_1093 = arith.divsi %add3A_1091, %jit3A_1092 : i32
        %sign3A_1094 = arith.constant 0 : i32
        %sign3A_1095 = arith.cmpi sgt, %add3A_1091, %sign3A_1094 : i32
        %sign3A_1096 = arith.extui %sign3A_1095 : i1 to i32
        %sign3A_1097 = arith.constant 0 : i32
        %sign3A_1098 = arith.cmpi slt, %add3A_1091, %sign3A_1097 : i32
        %sign3A_1099 = arith.extui %sign3A_1098 : i1 to i32
        %sign3A_1100 = arith.subi %sign3A_1096, %sign3A_1099 : i32
        %sign3A_1101 = arith.constant 0 : i32
        %sign3A_1102 = arith.cmpi sgt, %jit3A_1092, %sign3A_1101 : i32
        %sign3A_1103 = arith.extui %sign3A_1102 : i1 to i32
        %sign3A_1104 = arith.constant 0 : i32
        %sign3A_1105 = arith.cmpi slt, %jit3A_1092, %sign3A_1104 : i32
        %sign3A_1106 = arith.extui %sign3A_1105 : i1 to i32
        %sign3A_1107 = arith.subi %sign3A_1103, %sign3A_1106 : i32
        %ne3A_1108 = arith.cmpi ne, %sign3A_1100, %sign3A_1107 : i32
        %rem3A_1109 = arith.remsi %add3A_1091, %jit3A_1092 : i32
        %ne3A_1110 = arith.constant 0 : i32
        %ne3A_1111 = arith.cmpi ne, %rem3A_1109, %ne3A_1110 : i32
        %and3A_1112 = arith.andi %ne3A_1108, %ne3A_1111 : i1
        %sub3A_1113 = arith.constant 1 : i32
        %sub3A_1114 = arith.subi %div3A_1093, %sub3A_1113 : i32
        %select_n3A_1115 = arith.select %and3A_1112, %sub3A_1114, %div3A_1093 : i32
        %jit3A_1116 = arith.constant 400 : i32
        %eq3A_1117 = arith.constant 0 : i32
        %eq3A_1118 = arith.cmpi eq, %jit3A_1116, %eq3A_1117 : i32
        %jit3A_1119 = arith.constant 1 : i32
        %select_n3A_1120 = arith.select %eq3A_1118, %jit3A_1119, %jit3A_1116 : i32
        %rem3A_1121 = arith.remsi %add3A_1091, %select_n3A_1120 : i32
        %ne3A_1122 = arith.constant 0 : i32
        %ne3A_1123 = arith.cmpi ne, %rem3A_1121, %ne3A_1122 : i32
        %lt3A_1124 = arith.constant 0 : i32
        %lt3A_1125 = arith.cmpi slt, %rem3A_1121, %lt3A_1124 : i32
        %lt3A_1126 = arith.constant 0 : i32
        %lt3A_1127 = arith.cmpi slt, %select_n3A_1120, %lt3A_1126 : i32
        %ne3A_1128 = arith.xori %lt3A_1125, %lt3A_1127 : i1
        %and3A_1129 = arith.andi %ne3A_1128, %ne3A_1123 : i1
        %add3A_1130 = arith.addi %rem3A_1121, %select_n3A_1120 : i32
        %select_n3A_1131 = arith.select %and3A_1129, %add3A_1130, %rem3A_1121 : i32
        %mul3A_1132 = arith.constant 128 : i32
        %mul3A_1133 = arith.muli %select_n3A_1131, %mul3A_1132 : i32
        %add3A_1134 = arith.addi %mul3A_1133, %select_n3A_1115 : i32
        %add3A_1135 = vector.broadcast %add3A_1134 : i32 to vector<16xi32>
        %add3A_1136 = arith.addi %mul3A_113, %add3A_1135 : vector<16xi32>
        %gather3A_1137 = tpu.vector_load_idx %arg5[%add3A_1136] : memref<51200xi32, #tpu.memory_space<vmem>>[vector<16xi32>], vector<16xi32>,
        %add3A_1138 = arith.addi %gather3A_1137, %mul3A_133 : vector<16xi32>
        %swap3A_1139 = arith.constant 0 : i32
        %swap3A_1140 = arith.index_cast %swap3A_1139 : i32 to index
        %swap3A_1141 = arith.constant 192 : index
        %swap3A_1142 = tpu.vector_load %arg6[%swap3A_1140, %swap3A_1141] {strides = array<i32>} : memref<2x256xi32, #tpu.memory_space<vmem>>, vector<16xi32>,
        tpu.vector_store %arg6[%swap3A_1140, %swap3A_1141], %add3A_1138 {strides = array<i32>} : memref<2x256xi32, #tpu.memory_space<vmem>>, vector<16xi32>,
        %mul3A_1143 = arith.constant 256 : i32
        %mul3A_1144 = arith.muli %add3A_430, %mul3A_1143 : i32
        %add3A_1145 = arith.constant 208 : i32
        %add3A_1146 = arith.addi %mul3A_1144, %add3A_1145 : i32
        %jit3A_1147 = arith.constant 400 : i32
        %div3A_1148 = arith.divsi %add3A_1146, %jit3A_1147 : i32
        %sign3A_1149 = arith.constant 0 : i32
        %sign3A_1150 = arith.cmpi sgt, %add3A_1146, %sign3A_1149 : i32
        %sign3A_1151 = arith.extui %sign3A_1150 : i1 to i32
        %sign3A_1152 = arith.constant 0 : i32
        %sign3A_1153 = arith.cmpi slt, %add3A_1146, %sign3A_1152 : i32
        %sign3A_1154 = arith.extui %sign3A_1153 : i1 to i32
        %sign3A_1155 = arith.subi %sign3A_1151, %sign3A_1154 : i32
        %sign3A_1156 = arith.constant 0 : i32
        %sign3A_1157 = arith.cmpi sgt, %jit3A_1147, %sign3A_1156 : i32
        %sign3A_1158 = arith.extui %sign3A_1157 : i1 to i32
        %sign3A_1159 = arith.constant 0 : i32
        %sign3A_1160 = arith.cmpi slt, %jit3A_1147, %sign3A_1159 : i32
        %sign3A_1161 = arith.extui %sign3A_1160 : i1 to i32
        %sign3A_1162 = arith.subi %sign3A_1158, %sign3A_1161 : i32
        %ne3A_1163 = arith.cmpi ne, %sign3A_1155, %sign3A_1162 : i32
        %rem3A_1164 = arith.remsi %add3A_1146, %jit3A_1147 : i32
        %ne3A_1165 = arith.constant 0 : i32
        %ne3A_1166 = arith.cmpi ne, %rem3A_1164, %ne3A_1165 : i32
        %and3A_1167 = arith.andi %ne3A_1163, %ne3A_1166 : i1
        %sub3A_1168 = arith.constant 1 : i32
        %sub3A_1169 = arith.subi %div3A_1148, %sub3A_1168 : i32
        %select_n3A_1170 = arith.select %and3A_1167, %sub3A_1169, %div3A_1148 : i32
        %jit3A_1171 = arith.constant 400 : i32
        %eq3A_1172 = arith.constant 0 : i32
        %eq3A_1173 = arith.cmpi eq, %jit3A_1171, %eq3A_1172 : i32
        %jit3A_1174 = arith.constant 1 : i32
        %select_n3A_1175 = arith.select %eq3A_1173, %jit3A_1174, %jit3A_1171 : i32
        %rem3A_1176 = arith.remsi %add3A_1146, %select_n3A_1175 : i32
        %ne3A_1177 = arith.constant 0 : i32
        %ne3A_1178 = arith.cmpi ne, %rem3A_1176, %ne3A_1177 : i32
        %lt3A_1179 = arith.constant 0 : i32
        %lt3A_1180 = arith.cmpi slt, %rem3A_1176, %lt3A_1179 : i32
        %lt3A_1181 = arith.constant 0 : i32
        %lt3A_1182 = arith.cmpi slt, %select_n3A_1175, %lt3A_1181 : i32
        %ne3A_1183 = arith.xori %lt3A_1180, %lt3A_1182 : i1
        %and3A_1184 = arith.andi %ne3A_1183, %ne3A_1178 : i1
        %add3A_1185 = arith.addi %rem3A_1176, %select_n3A_1175 : i32
        %select_n3A_1186 = arith.select %and3A_1184, %add3A_1185, %rem3A_1176 : i32
        %mul3A_1187 = arith.constant 128 : i32
        %mul3A_1188 = arith.muli %select_n3A_1186, %mul3A_1187 : i32
        %add3A_1189 = arith.addi %mul3A_1188, %select_n3A_1170 : i32
        %add3A_1190 = vector.broadcast %add3A_1189 : i32 to vector<16xi32>
        %add3A_1191 = arith.addi %mul3A_113, %add3A_1190 : vector<16xi32>
        %gather3A_1192 = tpu.vector_load_idx %arg5[%add3A_1191] : memref<51200xi32, #tpu.memory_space<vmem>>[vector<16xi32>], vector<16xi32>,
        %add3A_1193 = arith.addi %gather3A_1192, %mul3A_133 : vector<16xi32>
        %swap3A_1194 = arith.constant 0 : i32
        %swap3A_1195 = arith.index_cast %swap3A_1194 : i32 to index
        %swap3A_1196 = arith.constant 208 : index
        %swap3A_1197 = tpu.vector_load %arg6[%swap3A_1195, %swap3A_1196] {strides = array<i32>} : memref<2x256xi32, #tpu.memory_space<vmem>>, vector<16xi32>,
        tpu.vector_store %arg6[%swap3A_1195, %swap3A_1196], %add3A_1193 {strides = array<i32>} : memref<2x256xi32, #tpu.memory_space<vmem>>, vector<16xi32>,
        %mul3A_1198 = arith.constant 256 : i32
        %mul3A_1199 = arith.muli %add3A_430, %mul3A_1198 : i32
        %add3A_1200 = arith.constant 224 : i32
        %add3A_1201 = arith.addi %mul3A_1199, %add3A_1200 : i32
        %jit3A_1202 = arith.constant 400 : i32
        %div3A_1203 = arith.divsi %add3A_1201, %jit3A_1202 : i32
        %sign3A_1204 = arith.constant 0 : i32
        %sign3A_1205 = arith.cmpi sgt, %add3A_1201, %sign3A_1204 : i32
        %sign3A_1206 = arith.extui %sign3A_1205 : i1 to i32
        %sign3A_1207 = arith.constant 0 : i32
        %sign3A_1208 = arith.cmpi slt, %add3A_1201, %sign3A_1207 : i32
        %sign3A_1209 = arith.extui %sign3A_1208 : i1 to i32
        %sign3A_1210 = arith.subi %sign3A_1206, %sign3A_1209 : i32
        %sign3A_1211 = arith.constant 0 : i32
        %sign3A_1212 = arith.cmpi sgt, %jit3A_1202, %sign3A_1211 : i32
        %sign3A_1213 = arith.extui %sign3A_1212 : i1 to i32
        %sign3A_1214 = arith.constant 0 : i32
        %sign3A_1215 = arith.cmpi slt, %jit3A_1202, %sign3A_1214 : i32
        %sign3A_1216 = arith.extui %sign3A_1215 : i1 to i32
        %sign3A_1217 = arith.subi %sign3A_1213, %sign3A_1216 : i32
        %ne3A_1218 = arith.cmpi ne, %sign3A_1210, %sign3A_1217 : i32
        %rem3A_1219 = arith.remsi %add3A_1201, %jit3A_1202 : i32
        %ne3A_1220 = arith.constant 0 : i32
        %ne3A_1221 = arith.cmpi ne, %rem3A_1219, %ne3A_1220 : i32
        %and3A_1222 = arith.andi %ne3A_1218, %ne3A_1221 : i1
        %sub3A_1223 = arith.constant 1 : i32
        %sub3A_1224 = arith.subi %div3A_1203, %sub3A_1223 : i32
        %select_n3A_1225 = arith.select %and3A_1222, %sub3A_1224, %div3A_1203 : i32
        %jit3A_1226 = arith.constant 400 : i32
        %eq3A_1227 = arith.constant 0 : i32
        %eq3A_1228 = arith.cmpi eq, %jit3A_1226, %eq3A_1227 : i32
        %jit3A_1229 = arith.constant 1 : i32
        %select_n3A_1230 = arith.select %eq3A_1228, %jit3A_1229, %jit3A_1226 : i32
        %rem3A_1231 = arith.remsi %add3A_1201, %select_n3A_1230 : i32
        %ne3A_1232 = arith.constant 0 : i32
        %ne3A_1233 = arith.cmpi ne, %rem3A_1231, %ne3A_1232 : i32
        %lt3A_1234 = arith.constant 0 : i32
        %lt3A_1235 = arith.cmpi slt, %rem3A_1231, %lt3A_1234 : i32
        %lt3A_1236 = arith.constant 0 : i32
        %lt3A_1237 = arith.cmpi slt, %select_n3A_1230, %lt3A_1236 : i32
        %ne3A_1238 = arith.xori %lt3A_1235, %lt3A_1237 : i1
        %and3A_1239 = arith.andi %ne3A_1238, %ne3A_1233 : i1
        %add3A_1240 = arith.addi %rem3A_1231, %select_n3A_1230 : i32
        %select_n3A_1241 = arith.select %and3A_1239, %add3A_1240, %rem3A_1231 : i32
        %mul3A_1242 = arith.constant 128 : i32
        %mul3A_1243 = arith.muli %select_n3A_1241, %mul3A_1242 : i32
        %add3A_1244 = arith.addi %mul3A_1243, %select_n3A_1225 : i32
        %add3A_1245 = vector.broadcast %add3A_1244 : i32 to vector<16xi32>
        %add3A_1246 = arith.addi %mul3A_113, %add3A_1245 : vector<16xi32>
        %gather3A_1247 = tpu.vector_load_idx %arg5[%add3A_1246] : memref<51200xi32, #tpu.memory_space<vmem>>[vector<16xi32>], vector<16xi32>,
        %add3A_1248 = arith.addi %gather3A_1247, %mul3A_133 : vector<16xi32>
        %swap3A_1249 = arith.constant 0 : i32
        %swap3A_1250 = arith.index_cast %swap3A_1249 : i32 to index
        %swap3A_1251 = arith.constant 224 : index
        %swap3A_1252 = tpu.vector_load %arg6[%swap3A_1250, %swap3A_1251] {strides = array<i32>} : memref<2x256xi32, #tpu.memory_space<vmem>>, vector<16xi32>,
        tpu.vector_store %arg6[%swap3A_1250, %swap3A_1251], %add3A_1248 {strides = array<i32>} : memref<2x256xi32, #tpu.memory_space<vmem>>, vector<16xi32>,
        %mul3A_1253 = arith.constant 256 : i32
        %mul3A_1254 = arith.muli %add3A_430, %mul3A_1253 : i32
        %add3A_1255 = arith.constant 240 : i32
        %add3A_1256 = arith.addi %mul3A_1254, %add3A_1255 : i32
        %jit3A_1257 = arith.constant 400 : i32
        %div3A_1258 = arith.divsi %add3A_1256, %jit3A_1257 : i32
        %sign3A_1259 = arith.constant 0 : i32
        %sign3A_1260 = arith.cmpi sgt, %add3A_1256, %sign3A_1259 : i32
        %sign3A_1261 = arith.extui %sign3A_1260 : i1 to i32
        %sign3A_1262 = arith.constant 0 : i32
        %sign3A_1263 = arith.cmpi slt, %add3A_1256, %sign3A_1262 : i32
        %sign3A_1264 = arith.extui %sign3A_1263 : i1 to i32
        %sign3A_1265 = arith.subi %sign3A_1261, %sign3A_1264 : i32
        %sign3A_1266 = arith.constant 0 : i32
        %sign3A_1267 = arith.cmpi sgt, %jit3A_1257, %sign3A_1266 : i32
        %sign3A_1268 = arith.extui %sign3A_1267 : i1 to i32
        %sign3A_1269 = arith.constant 0 : i32
        %sign3A_1270 = arith.cmpi slt, %jit3A_1257, %sign3A_1269 : i32
        %sign3A_1271 = arith.extui %sign3A_1270 : i1 to i32
        %sign3A_1272 = arith.subi %sign3A_1268, %sign3A_1271 : i32
        %ne3A_1273 = arith.cmpi ne, %sign3A_1265, %sign3A_1272 : i32
        %rem3A_1274 = arith.remsi %add3A_1256, %jit3A_1257 : i32
        %ne3A_1275 = arith.constant 0 : i32
        %ne3A_1276 = arith.cmpi ne, %rem3A_1274, %ne3A_1275 : i32
        %and3A_1277 = arith.andi %ne3A_1273, %ne3A_1276 : i1
        %sub3A_1278 = arith.constant 1 : i32
        %sub3A_1279 = arith.subi %div3A_1258, %sub3A_1278 : i32
        %select_n3A_1280 = arith.select %and3A_1277, %sub3A_1279, %div3A_1258 : i32
        %jit3A_1281 = arith.constant 400 : i32
        %eq3A_1282 = arith.constant 0 : i32
        %eq3A_1283 = arith.cmpi eq, %jit3A_1281, %eq3A_1282 : i32
        %jit3A_1284 = arith.constant 1 : i32
        %select_n3A_1285 = arith.select %eq3A_1283, %jit3A_1284, %jit3A_1281 : i32
        %rem3A_1286 = arith.remsi %add3A_1256, %select_n3A_1285 : i32
        %ne3A_1287 = arith.constant 0 : i32
        %ne3A_1288 = arith.cmpi ne, %rem3A_1286, %ne3A_1287 : i32
        %lt3A_1289 = arith.constant 0 : i32
        %lt3A_1290 = arith.cmpi slt, %rem3A_1286, %lt3A_1289 : i32
        %lt3A_1291 = arith.constant 0 : i32
        %lt3A_1292 = arith.cmpi slt, %select_n3A_1285, %lt3A_1291 : i32
        %ne3A_1293 = arith.xori %lt3A_1290, %lt3A_1292 : i1
        %and3A_1294 = arith.andi %ne3A_1293, %ne3A_1288 : i1
        %add3A_1295 = arith.addi %rem3A_1286, %select_n3A_1285 : i32
        %select_n3A_1296 = arith.select %and3A_1294, %add3A_1295, %rem3A_1286 : i32
        %mul3A_1297 = arith.constant 128 : i32
        %mul3A_1298 = arith.muli %select_n3A_1296, %mul3A_1297 : i32
        %add3A_1299 = arith.addi %mul3A_1298, %select_n3A_1280 : i32
        %add3A_1300 = vector.broadcast %add3A_1299 : i32 to vector<16xi32>
        %add3A_1301 = arith.addi %mul3A_113, %add3A_1300 : vector<16xi32>
        %gather3A_1302 = tpu.vector_load_idx %arg5[%add3A_1301] : memref<51200xi32, #tpu.memory_space<vmem>>[vector<16xi32>], vector<16xi32>,
        %add3A_1303 = arith.addi %gather3A_1302, %mul3A_133 : vector<16xi32>
        %swap3A_1304 = arith.constant 0 : i32
        %swap3A_1305 = arith.index_cast %swap3A_1304 : i32 to index
        %swap3A_1306 = arith.constant 240 : index
        %swap3A_1307 = tpu.vector_load %arg6[%swap3A_1305, %swap3A_1306] {strides = array<i32>} : memref<2x256xi32, #tpu.memory_space<vmem>>, vector<16xi32>,
        tpu.vector_store %arg6[%swap3A_1305, %swap3A_1306], %add3A_1303 {strides = array<i32>} : memref<2x256xi32, #tpu.memory_space<vmem>>, vector<16xi32>,
        %dma_start3A_1308 = arith.constant 0 : i32
        %dma_start3A_1309 = arith.constant 0 : i32
        %dma_start3A_1310 = arith.constant 0 : i32
        %dma_start3A_1311 = arith.constant 0 : i32
        %dma_start3A_1312 = tpu.memref_slice %arg7[%dma_start3A_1309, %dma_start3A_1310, %dma_start3A_1311] : memref<2x256x128xf32, #tpu.memory_space<vmem>> -> memref<1x256x128xf32, #tpu.memory_space<vmem>>
        %dma_start3A_1313 = tpu.memref_squeeze %dma_start3A_1312 : memref<1x256x128xf32, #tpu.memory_space<vmem>> -> memref<256x128xf32, #tpu.memory_space<vmem>>
        %dma_start3A_1314 = arith.constant 0 : i32
        %dma_start3A_1315 = arith.constant 0 : i32
        %dma_start3A_1316 = tpu.memref_slice %dma_start3A_1313[%dma_start3A_1314, %dma_start3A_1315] : memref<256x128xf32, #tpu.memory_space<vmem>> -> memref<128x128xf32, #tpu.memory_space<vmem>>
        %dma_start3A_1317 = arith.constant 0 : i32
        %dma_start3A_1318 = tpu.memref_slice %arg6[%dma_start3A_1308, %dma_start3A_1317] : memref<2x256xi32, #tpu.memory_space<vmem>> -> memref<1x256xi32, #tpu.memory_space<vmem>>
        %dma_start3A_1319 = tpu.memref_squeeze %dma_start3A_1318 : memref<1x256xi32, #tpu.memory_space<vmem>> -> memref<256xi32, #tpu.memory_space<vmem>>
        %dma_start3A_1320 = arith.constant 0 : i32
        %dma_start3A_1321 = tpu.memref_slice %dma_start3A_1319[%dma_start3A_1320] : memref<256xi32, #tpu.memory_space<vmem>> -> memref<128xi32, #tpu.memory_space<vmem>>
        %dma_start3A_1322 = arith.constant 0 : i32
        %dma_start3A_1323 = arith.constant 0 : i32
        %dma_start3A_1324 = tpu.memref_slice %arg8[%dma_start3A_1322, %dma_start3A_1323] : memref<256x128xf32, #tpu.memory_space<vmem_shared>> -> memref<256x128xf32, #tpu.memory_space<vmem_shared>>
        tpu.enqueue_indirect_dma source(%dma_start3A_1324 : memref<256x128xf32, #tpu.memory_space<vmem_shared>>) target(%dma_start3A_1316 : memref<128x128xf32, #tpu.memory_space<vmem>>) offsets(%dma_start3A_1321 : memref<128xi32, #tpu.memory_space<vmem>>) semaphore(%arg9 : memref<!tpu.dma_semaphore, #tpu.memory_space<semaphore_mem>>)
        %dma_start3A_1325 = arith.constant 0 : i32
        %dma_start3A_1326 = arith.constant 0 : i32
        %dma_start3A_1327 = arith.constant 0 : i32
        %dma_start3A_1328 = arith.constant 0 : i32
        %dma_start3A_1329 = tpu.memref_slice %arg7[%dma_start3A_1326, %dma_start3A_1327, %dma_start3A_1328] : memref<2x256x128xf32, #tpu.memory_space<vmem>> -> memref<1x256x128xf32, #tpu.memory_space<vmem>>
        %dma_start3A_1330 = tpu.memref_squeeze %dma_start3A_1329 : memref<1x256x128xf32, #tpu.memory_space<vmem>> -> memref<256x128xf32, #tpu.memory_space<vmem>>
        %dma_start3A_1331 = arith.constant 128 : i32
        %dma_start3A_1332 = arith.constant 0 : i32
        %dma_start3A_1333 = tpu.memref_slice %dma_start3A_1330[%dma_start3A_1331, %dma_start3A_1332] : memref<256x128xf32, #tpu.memory_space<vmem>> -> memref<128x128xf32, #tpu.memory_space<vmem>>
        %dma_start3A_1334 = arith.constant 0 : i32
        %dma_start3A_1335 = tpu.memref_slice %arg6[%dma_start3A_1325, %dma_start3A_1334] : memref<2x256xi32, #tpu.memory_space<vmem>> -> memref<1x256xi32, #tpu.memory_space<vmem>>
        %dma_start3A_1336 = tpu.memref_squeeze %dma_start3A_1335 : memref<1x256xi32, #tpu.memory_space<vmem>> -> memref<256xi32, #tpu.memory_space<vmem>>
        %dma_start3A_1337 = arith.constant 128 : i32
        %dma_start3A_1338 = tpu.memref_slice %dma_start3A_1336[%dma_start3A_1337] : memref<256xi32, #tpu.memory_space<vmem>> -> memref<128xi32, #tpu.memory_space<vmem>>
        %dma_start3A_1339 = arith.constant 0 : i32
        %dma_start3A_1340 = arith.constant 0 : i32
        %dma_start3A_1341 = tpu.memref_slice %arg8[%dma_start3A_1339, %dma_start3A_1340] : memref<256x128xf32, #tpu.memory_space<vmem_shared>> -> memref<256x128xf32, #tpu.memory_space<vmem_shared>>
        tpu.enqueue_indirect_dma source(%dma_start3A_1341 : memref<256x128xf32, #tpu.memory_space<vmem_shared>>) target(%dma_start3A_1333 : memref<128x128xf32, #tpu.memory_space<vmem>>) offsets(%dma_start3A_1338 : memref<128xi32, #tpu.memory_space<vmem>>) semaphore(%arg9 : memref<!tpu.dma_semaphore, #tpu.memory_space<semaphore_mem>>)
      } else {
      }
      %mul3A_396 = arith.constant 256 : i32
      %mul3A_397 = arith.muli %add3A_383, %mul3A_396 : i32
      %add3A_398 = arith.addi %mul3A_2, %mul3A_397 : i32
      %dma_wait3A_399 = arith.constant 1 : i32
      %dma_wait3A_400 = arith.constant 0 : i32
      %dma_wait3A_401 = arith.constant 0 : i32
      %dma_wait3A_402 = tpu.memref_slice %arg7[%dma_wait3A_399, %dma_wait3A_400, %dma_wait3A_401] : memref<2x256x128xf32, #tpu.memory_space<vmem>> -> memref<1x256x128xf32, #tpu.memory_space<vmem>>
      %dma_wait3A_403 = tpu.memref_squeeze %dma_wait3A_402 : memref<1x256x128xf32, #tpu.memory_space<vmem>> -> memref<256x128xf32, #tpu.memory_space<vmem>>
      %dma_wait3A_404 = arith.constant 0 : i32
      %dma_wait3A_405 = tpu.memref_slice %arg4[%add3A_398, %dma_wait3A_404] : memref<1638400x128xf32, #tpu.memory_space<hbm>> -> memref<256x128xf32, #tpu.memory_space<hbm>>
      %dma_wait3A_406 = arith.constant 0 : i32
      %dma_wait3A_407 = arith.constant 0 : i32
      %dma_wait3A_408 = tpu.memref_slice %arg7[%dma_wait3A_399, %dma_wait3A_406, %dma_wait3A_407] : memref<2x256x128xf32, #tpu.memory_space<vmem>> -> memref<1x256x128xf32, #tpu.memory_space<vmem>>
      %dma_wait3A_409 = tpu.memref_squeeze %dma_wait3A_408 : memref<1x256x128xf32, #tpu.memory_space<vmem>> -> memref<256x128xf32, #tpu.memory_space<vmem>>
      %dma_wait3A_410 = arith.constant 0 : i32
      %dma_wait3A_411 = tpu.memref_slice %arg4[%add3A_398, %dma_wait3A_410] : memref<1638400x128xf32, #tpu.memory_space<hbm>> -> memref<256x128xf32, #tpu.memory_space<hbm>>
      tpu.wait_dma2 semaphore(%arg10 : memref<!tpu.dma_semaphore, #tpu.memory_space<semaphore_mem>>) src(%dma_wait3A_411 : memref<256x128xf32, #tpu.memory_space<hbm>>) dst(%dma_wait3A_409 : memref<256x128xf32, #tpu.memory_space<vmem>>)
      %mul3A_412 = arith.constant 256 : i32
      %mul3A_413 = arith.muli %add3A_383, %mul3A_412 : i32
      %add3A_414 = arith.addi %mul3A_2, %mul3A_413 : i32
      %dma_start3A_415 = arith.constant 1 : i32
      %dma_start3A_416 = arith.constant 0 : i32
      %dma_start3A_417 = arith.constant 0 : i32
      %dma_start3A_418 = tpu.memref_slice %arg7[%dma_start3A_415, %dma_start3A_416, %dma_start3A_417] : memref<2x256x128xf32, #tpu.memory_space<vmem>> -> memref<1x256x128xf32, #tpu.memory_space<vmem>>
      %dma_start3A_419 = tpu.memref_squeeze %dma_start3A_418 : memref<1x256x128xf32, #tpu.memory_space<vmem>> -> memref<256x128xf32, #tpu.memory_space<vmem>>
      %dma_start3A_420 = arith.constant 0 : i32
      %dma_start3A_421 = tpu.memref_slice %arg4[%add3A_414, %dma_start3A_420] : memref<1638400x128xf32, #tpu.memory_space<hbm>> -> memref<256x128xf32, #tpu.memory_space<hbm>>
      %dma_start3A_422 = arith.constant 0 : i32
      %dma_start3A_423 = tpu.memref_slice %arg4[%add3A_414, %dma_start3A_422] : memref<1638400x128xf32, #tpu.memory_space<hbm>> -> memref<256x128xf32, #tpu.memory_space<hbm>>
      %dma_start3A_424 = arith.constant 0 : i32
      %dma_start3A_425 = arith.constant 0 : i32
      %dma_start3A_426 = tpu.memref_slice %arg7[%dma_start3A_415, %dma_start3A_424, %dma_start3A_425] : memref<2x256x128xf32, #tpu.memory_space<vmem>> -> memref<1x256x128xf32, #tpu.memory_space<vmem>>
      %dma_start3A_427 = tpu.memref_squeeze %dma_start3A_426 : memref<1x256x128xf32, #tpu.memory_space<vmem>> -> memref<256x128xf32, #tpu.memory_space<vmem>>
      tpu.enqueue_dma source(%dma_start3A_427 : memref<256x128xf32, #tpu.memory_space<vmem>>) target(%dma_start3A_423 : memref<256x128xf32, #tpu.memory_space<hbm>>) target_semaphore(%arg12 : memref<!tpu.dma_semaphore, #tpu.memory_space<semaphore_mem>>)
      %scan3A_428 = arith.constant 0 : i32
      scf.yield %scan3A_428 : i32
    }
    %scan3A_316 = arith.constant 100 : i32
    %add3A_317 = arith.constant 50944 : i32
    %add3A_318 = arith.addi %mul3A_2, %add3A_317 : i32
    %dma_wait3A = arith.constant 1 : i32
    %dma_wait3A_319 = arith.constant 0 : i32
    %dma_wait3A_320 = arith.constant 0 : i32
    %dma_wait3A_321 = tpu.memref_slice %arg7[%dma_wait3A, %dma_wait3A_319, %dma_wait3A_320] : memref<2x256x128xf32, #tpu.memory_space<vmem>> -> memref<1x256x128xf32, #tpu.memory_space<vmem>>
    %dma_wait3A_322 = tpu.memref_squeeze %dma_wait3A_321 : memref<1x256x128xf32, #tpu.memory_space<vmem>> -> memref<256x128xf32, #tpu.memory_space<vmem>>
    %dma_wait3A_323 = arith.constant 0 : i32
    %dma_wait3A_324 = tpu.memref_slice %arg4[%add3A_318, %dma_wait3A_323] : memref<1638400x128xf32, #tpu.memory_space<hbm>> -> memref<256x128xf32, #tpu.memory_space<hbm>>
    %dma_wait3A_325 = arith.constant 0 : i32
    %dma_wait3A_326 = tpu.memref_slice %arg4[%add3A_318, %dma_wait3A_325] : memref<1638400x128xf32, #tpu.memory_space<hbm>> -> memref<256x128xf32, #tpu.memory_space<hbm>>
    %dma_wait3A_327 = arith.constant 0 : i32
    %dma_wait3A_328 = arith.constant 0 : i32
    %dma_wait3A_329 = tpu.memref_slice %arg7[%dma_wait3A, %dma_wait3A_327, %dma_wait3A_328] : memref<2x256x128xf32, #tpu.memory_space<vmem>> -> memref<1x256x128xf32, #tpu.memory_space<vmem>>
    %dma_wait3A_330 = tpu.memref_squeeze %dma_wait3A_329 : memref<1x256x128xf32, #tpu.memory_space<vmem>> -> memref<256x128xf32, #tpu.memory_space<vmem>>
    tpu.wait_dma2 semaphore(%arg12 : memref<!tpu.dma_semaphore, #tpu.memory_space<semaphore_mem>>) src(%dma_wait3A_330 : memref<256x128xf32, #tpu.memory_space<vmem>>) dst(%dma_wait3A_326 : memref<256x128xf32, #tpu.memory_space<hbm>>)
    return
  }
}

module attributes {stable_mosaic.version = 14 : i64} {
  func.func @_prescale_body(%arg0: memref<128x128xf32, #tpu.memory_space<vmem>>, %arg1: memref<128x128xf32, #tpu.memory_space<vmem>>, %arg2: memref<256x128xf32, #tpu.memory_space<vmem>>) attributes {dimension_semantics = [], scalar_prefetch = 0 : i64, scratch_operands = 0 : i64, tpu.core_type = #tpu.core_type<tc>} {
    %get3A = arith.constant 0 : index
    %get3A_0 = arith.constant 0 : index
    %get3A_1 = vector.load %arg0[%get3A, %get3A_0] : memref<128x128xf32, #tpu.memory_space<vmem>>, vector<128x128xf32>
    %abs3A = math.absf %get3A_1 : vector<128x128xf32>
    %reduce_max3A = arith.constant dense<0xFF800000> : vector<128xf32>
    %reduce_max3A_2 = vector.multi_reduction <maximumf>, %abs3A, %reduce_max3A [1] : vector<128x128xf32> to vector<128xf32>
    %broadcast_in_dim3A = vector.shape_cast %reduce_max3A_2 : vector<128xf32> to vector<128x1xf32>
    %gt3A = arith.constant 1.000000e+00 : f32
    %gt3A_3 = vector.broadcast %gt3A : f32 to vector<128x1xf32>
    %gt3A_4 = arith.cmpf ogt, %broadcast_in_dim3A, %gt3A_3 : vector<128x1xf32>
    %max3A = arith.constant 9.99999996E-13 : f32
    %max3A_5 = vector.broadcast %max3A : f32 to vector<128x1xf32>
    %max3A_6 = arith.maximumf %broadcast_in_dim3A, %max3A_5 : vector<128x1xf32>
    %div3A = arith.constant 1.000000e+00 : f32
    %div3A_7 = vector.broadcast %div3A : f32 to vector<128x1xf32>
    %div3A_8 = arith.divf %div3A_7, %max3A_6 : vector<128x1xf32>
    %jit3A = arith.constant 1.000000e+00 : f32
    %broadcast_in_dim3A_9 = vector.broadcast %jit3A : f32 to vector<128x1xf32>
    %select_n3A = arith.select %gt3A_4, %div3A_8, %broadcast_in_dim3A_9 : vector<128x1xi1>, vector<128x1xf32>
    %mul3A = vector.broadcast %select_n3A : vector<128x1xf32> to vector<128x128xf32>
    %mul3A_10 = arith.mulf %get3A_1, %mul3A : vector<128x128xf32>
    %swap3A = arith.constant 0 : index
    %swap3A_11 = arith.constant 0 : index
    %swap3A_12 = vector.load %arg2[%swap3A, %swap3A_11] : memref<256x128xf32, #tpu.memory_space<vmem>>, vector<128x128xf32>
    tpu.vector_store %arg2[%swap3A, %swap3A_11], %mul3A_10 {strides = array<i32>} : memref<256x128xf32, #tpu.memory_space<vmem>>, vector<128x128xf32>,
    %get3A_13 = arith.constant 0 : index
    %get3A_14 = arith.constant 0 : index
    %get3A_15 = vector.load %arg1[%get3A_13, %get3A_14] : memref<128x128xf32, #tpu.memory_space<vmem>>, vector<128x128xf32>
    %abs3A_16 = math.absf %get3A_15 : vector<128x128xf32>
    %reduce_max3A_17 = arith.constant dense<0xFF800000> : vector<128xf32>
    %reduce_max3A_18 = vector.multi_reduction <maximumf>, %abs3A_16, %reduce_max3A_17 [1] : vector<128x128xf32> to vector<128xf32>
    %broadcast_in_dim3A_19 = vector.shape_cast %reduce_max3A_18 : vector<128xf32> to vector<128x1xf32>
    %gt3A_20 = arith.constant 1.270000e+02 : f32
    %gt3A_21 = vector.broadcast %gt3A_20 : f32 to vector<128x1xf32>
    %gt3A_22 = arith.cmpf ogt, %broadcast_in_dim3A_19, %gt3A_21 : vector<128x1xf32>
    %max3A_23 = arith.constant 9.99999996E-13 : f32
    %max3A_24 = vector.broadcast %max3A_23 : f32 to vector<128x1xf32>
    %max3A_25 = arith.maximumf %broadcast_in_dim3A_19, %max3A_24 : vector<128x1xf32>
    %div3A_26 = arith.constant 1.270000e+02 : f32
    %div3A_27 = vector.broadcast %div3A_26 : f32 to vector<128x1xf32>
    %div3A_28 = arith.divf %div3A_27, %max3A_25 : vector<128x1xf32>
    %jit3A_29 = arith.constant 1.000000e+00 : f32
    %broadcast_in_dim3A_30 = vector.broadcast %jit3A_29 : f32 to vector<128x1xf32>
    %select_n3A_31 = arith.select %gt3A_22, %div3A_28, %broadcast_in_dim3A_30 : vector<128x1xi1>, vector<128x1xf32>
    %mul3A_32 = vector.broadcast %select_n3A_31 : vector<128x1xf32> to vector<128x128xf32>
    %mul3A_33 = arith.mulf %get3A_15, %mul3A_32 : vector<128x128xf32>
    %swap3A_34 = arith.constant 128 : index
    %swap3A_35 = arith.constant 0 : index
    %swap3A_36 = vector.load %arg2[%swap3A_34, %swap3A_35] : memref<256x128xf32, #tpu.memory_space<vmem>>, vector<128x128xf32>
    tpu.vector_store %arg2[%swap3A_34, %swap3A_35], %mul3A_33 {strides = array<i32>} : memref<256x128xf32, #tpu.memory_space<vmem>>, vector<128x128xf32>,
    return
  }
}

</mosaic_0001>

<sc_bundles>
// kernel: kernel.4.cloned.1.call-start
scs
__scs_entry_jumppad:
0x0: {  	(pc) =	sbr.rel $0x88, $3  }
0x1: {  	(tag) =	ssettag $0x0;
	lr =	simm.s32 $0x1  }
0x2: {  	[smem:$0x3F9E] =	sst lr;
	_ =	strace $0xD0000000  }
0x3: {  	_ = 	snop  }
0x4: {  	_ = 	snop  }
0x5: {  	_ = 	snop  }
0x6: {  	_ = 	snop  }
0x7: {  	_ = 	snop  }
__scs_overlays_trampoline_lowered:
0x8: {  	[smem:$0x3FAD] =	sst s0  }
0x9: {  	[smem:$0x3FAE] =	sst s1  }
0xa: {  	[smem:$0x3FAF] =	sst s2  }
0xb: {  	[smem:$0x3FB0] =	sst s3  }
0xc: {  	[smem:$0x3FB1] =	sst s4  }
0xd: {  	[smem:$0x3FB2] =	sst s5  }
0xe: {  	[smem:$0x3FB3] =	sst s6  }
0xf: {  	[smem:$0x3FB4] =	sst s7  }
0x10: {  	[smem:$0x3FB5] =	sst s8  }
0x11: {  	[smem:$0x3FB6] =	sst s9;
	s0 =	simm.s32 @!p0 $0x0  }
0x12: {  	s1 =	sld [smem:$0x3F9C];
	s0 =	simm.s32 @p0 $0x1  }
0x13: {  	[smem:$0x3FB7] =	sst s0;
	s0 =	simm.s32 @!p1 $0x0  }
0x14: {  	s2 =	sld [smem:$0x3F9B];
	s0 =	simm.s32 @p1 $0x1  }
0x15: {  	[smem:$0x3FB8] =	sst s0;
	s0 =	simm.s32 @!p2 $0x0  }
0x16: {  	s3 =	sld [smem:$0x3FDB];
	s0 =	simm.s32 @p2 $0x1  }
0x17: {  	s4 =	simm.s32 $0x1BF5;
	[smem:$0x3FBA] =	sst s0  }
0x18: {  	s0 =	sld [smem:$0x3F9D];
	_ =	swait.ge [sflag:s4], $0x0  }
0x19: {  	s7 =	sld [smem:$0x3F9E]  }
0x1a: {  	s8 =	sadd.s32 $0xFFFFE003, lr  }
0x1b: {  	s9 =	sadd.s32 $0xFFFFFEF7, lr;
	s5 =	simm.s32 $0xFFFFFFFF;
	p2 =	slt.u32 s8, $0xFFFFF086  }
0x1c: {  	p1 =	slt.u32 s9, $0xF7A;
	s5 =	simm.s32 @!p2 $0x0  }
0x1d: {  	s5 =	simm.s32 @p1 $0x1;
	p0 =	seq.s32 s7, s2  }
0x1e: {  	s7 =	smul.u32 @!p0 $0xF7A, s2;
	p2 =	seq.s32 @!p0 s5, $0x0  }
0x1f: {  	s9 =	smul.u32 $0xF7A, s1;
	s8 =	simm.s32 @!p0 $0x1BF5;
	p2 =	por !p2, p0  }
0x20: {  	[sflag:s8] =	ssyncset.s32 @!p0 $0xFFFFF086;
	s6 =	sadd.s32 @!p0 s3, s7;
	s7 =	simm.s32 @!p0 $0x108  }
0x21: {  	s3 =	sadd.s32 s3, s9;
	s6 =	sadd.s32 @!p0 $0x88, s6;
	s7 =	simm.s32 @p2 $0x1082  }
0x22: {  	[simem:s7], [sflag:s8] =	dma.local @!p0 [hbm:s6], $0xF7A  }
0x23: {  	s9 =	sor.u32 $0xD0000000, s2;
	s6 =	simm.s32 $0x108;
	_ =	swait.ge @!p0 [sflag:s8], $0x0  }
0x24: {  	s3 =	sadd.s32 $0x88, s3;
	s6 =	simm.s32 @!p1 $0x1082;
	[sflag:s4] =	ssyncset.s32 $0xFFFFF086  }
0x25: {  	[simem:s6], [sflag:s4] =	dma.local [hbm:s3], $0xF7A  }
0x26: {  	[smem:$0x3F9E] =	sst s1;
	(tag) =	ssettag s2;
	_ =	strace s9  }
0x27: {  	s1 =	sld [smem:$0x3FAE]  }
0x28: {  	s2 =	sld [smem:$0x3FAF]  }
0x29: {  	s4 =	sld [smem:$0x3FB1]  }
0x2a: {  	p0 =	seq.s32 s5, $0x0;
	s5 =	sld [smem:$0x3FB2]  }
0x2b: {  	s6 =	sld [smem:$0x3FB3]  }
0x2c: {  	s7 =	sld [smem:$0x3FB4]  }
0x2d: {  	s3 =	simm.s32 $0x108;
	s8 =	sld [smem:$0x3FB5]  }
0x2e: {  	s3 =	simm.s32 @!p0 $0x1082;
	s9 =	sld [smem:$0x3FB6]  }
0x2f: {  	lr =	sadd.s32 s0, s3;
	s0 =	sld [smem:$0x3FAD]  }
0x30: {  	s3 =	sld [smem:$0x3FB0]  }
0x31: {  	[smem:$0x3FB9] =	sst s10  }
0x32: {  	s10 =	sld [smem:$0x3FB7];
	_ =	sdelay $0x3  }
0x33: {  	p0 =	seq.s32 s10, $0x1;
	s10 =	sld [smem:$0x3FB9];
	_ =	sdelay $0x3  }
0x34: {  	[smem:$0x3FB9] =	sst s10  }
0x35: {  	s10 =	sld [smem:$0x3FB8];
	_ =	sdelay $0x3  }
0x36: {  	p1 =	seq.s32 s10, $0x1;
	s10 =	sld [smem:$0x3FB9];
	_ =	sdelay $0x3  }
0x37: {  	[smem:$0x3FB9] =	sst s10  }
0x38: {  	s10 =	sld [smem:$0x3FBA]  }
0x39: {  	_ = 	snop;
	(pc) =	sbr.ind lr, $3  }
0x3a: {  	_ = 	snop  }
0x3b: {  	_ = 	snop  }
0x3c: {  	p2 =	seq.s32 s10, $0x1;
	s10 =	sld [smem:$0x3FB9]  }
0x3d: {  	_ =	shalt  }
0x3e: {  	_ =	shalt  }
0x3f: {  	_ =	shalt  }
0x40: {  	_ =	shalt  }
0x41: {  	_ =	shalt  }
0x42: {  	_ =	shalt  }
0x43: {  	_ =	shalt  }
0x44: {  	_ =	shalt  }
0x45: {  	_ =	shalt  }
0x46: {  	_ =	shalt  }
0x47: {  	_ =	shalt  }
0x48: {  	_ =	shalt  }
0x49: {  	_ =	shalt  }
0x4a: {  	_ =	shalt  }
0x4b: {  	_ =	shalt  }
0x4c: {  	_ =	shalt  }
0x4d: {  	_ =	shalt  }
0x4e: {  	_ =	shalt  }
0x4f: {  	_ =	shalt  }
0x50: {  	_ =	shalt  }
0x51: {  	_ =	shalt  }
0x52: {  	_ =	shalt  }
0x53: {  	_ =	shalt  }
0x54: {  	_ =	shalt  }
0x55: {  	_ =	shalt  }
0x56: {  	_ =	shalt  }
0x57: {  	_ =	shalt  }
0x58: {  	_ =	shalt  }
0x59: {  	_ =	shalt  }
0x5a: {  	_ =	shalt  }
0x5b: {  	_ =	shalt  }
0x5c: {  	_ =	shalt  }
0x5d: {  	_ =	shalt  }
0x5e: {  	_ =	shalt  }
0x5f: {  	_ =	shalt  }
0x60: {  	_ =	shalt  }
0x61: {  	_ =	shalt  }
0x62: {  	_ =	shalt  }
0x63: {  	_ =	shalt  }
0x64: {  	_ =	shalt  }
0x65: {  	_ =	shalt  }
0x66: {  	_ =	shalt  }
0x67: {  	_ =	shalt  }
0x68: {  	_ =	shalt  }
0x69: {  	_ =	shalt  }
0x6a: {  	_ =	shalt  }
0x6b: {  	_ =	shalt  }
0x6c: {  	_ =	shalt  }
0x6d: {  	_ =	shalt  }
0x6e: {  	_ =	shalt  }
0x6f: {  	_ =	shalt  }
0x70: {  	_ =	shalt  }
0x71: {  	_ =	shalt  }
0x72: {  	_ =	shalt  }
0x73: {  	_ =	shalt  }
0x74: {  	_ =	shalt  }
0x75: {  	_ =	shalt  }
0x76: {  	_ =	shalt  }
0x77: {  	_ =	shalt  }
0x78: {  	_ =	shalt  }
0x79: {  	_ =	shalt  }
0x7a: {  	_ =	shalt  }
0x7b: {  	_ =	shalt  }
0x7c: {  	_ =	shalt  }
0x7d: {  	_ =	shalt  }
0x7e: {  	_ =	shalt  }
0x7f: {  	_ =	shalt  }
0x80: {  	_ =	shalt  }
0x81: {  	_ =	shalt  }
0x82: {  	_ =	shalt  }
0x83: {  	_ =	shalt  }
0x84: {  	_ =	shalt  }
0x85: {  	_ =	shalt  }
0x86: {  	_ =	shalt  }
0x87: {  	_ =	shalt  }
.Lfunc_end0:
.L_simem_size_0:
called_computation_lowered:
.L_overlay_start_0:
0x88: {  	s2 =	sld [smem:$0x3FD9]  }
0x89: {  	s3 =	sld [smem:$0x3FFE];
	_ =	sdelay $0x1  }
0x8a: {  	s1 =	srdreg.scid  }
0x8b: {  	s0 =	sand.u32 $0x1, s1  }
0x8c: {  	s17 =	sshll.u32 s0, $0xA;
	s2 =	sadd.s32 s3, s2  }
0x8d: {  	s2 =	sadd.s32 s2, s17  }
0x8e: {  	[smem:$0x3FC5] =	sst s2  }
0x8f: {  	_ = 	snop  }
0x90: {  	s2 =	sld [smem:$0x3FC9]  }
0x91: {  	s18 =	sld [smem:$0x3FD0];
	(tm) =	ssettm $0x1  }
0x92: {  	s4 =	sld [smem:$0x3FFB];
	_ =	sdelay $0x3  }
0x93: {  	_ =	strace s4  }
0x94: {  	s4 =	sld [smem:$0x3FFC];
	_ =	sdelay $0x3  }
0x95: {  	_ =	strace s4  }
0x96: {  	s4 =	sld [smem:$0x3FFD];
	_ =	sdelay $0x3  }
0x97: {  	_ =	strace s4  }
0x98: {  	_ =	strace $0x8FFFFFFF  }
0x99: {  	s19 =	sld [smem:$0x3FDB];
	_ =	sdelay $0x1  }
0x9a: {  	s5 =	simm.s32 $_scs_section_size  }
0x9b: {  	s6 =	simm.s32 $_size__tile_overlayer_lowered;
	s7 =	simm.s32 $_tile_overlayer_lowered  }
0x9c: {  	s22 =	simm.s32 $0x1BFF;
	s21 =	sshll.u32 s7, $0x1;
	s4 =	sadd.s32 s5, s19  }
0x9d: {  	s8 =	simm.s32 $0x0;
	s20 =	sshll.u32 s6, $0x1;
	s6 =	sadd.s32 s21, s4  }
0x9e: {  	[timem:s8], [sflag:s22] =	dma.local [hbm:s6], s20  }
0x9f: {  	_ =	swait.ge [sflag:s22], s20  }
0xa0: {  	s5 =	ssub.s32 $0x0, s20;
	[sflag:s22] =	ssyncset.done $0x0  }
0xa1: {  	[sflag:s22] =	ssyncadd.s32 s5;
	_ =	sdelay $0x1  }
0xa2: {  	s23 =	simm.s32 $0x1B8B  }
0xa3: {  	_ =	swait.ge [sflag:s23], $0x1  }
0xa4: {  	[sflag:s23] =	ssyncset.done $0x0  }
0xa5: {  	s25 =	simm.s32 $0x1B8E;
	s24 =	sld [smem:$0x3FFE];
	[sflag:s23] =	ssyncadd.s32 $0xFFFFFFFF  }
0xa6: {  	s26 =	simm.s32 $execute0_lowered;
	[smem:$0x3FD2] =	sst s25  }
0xa7: {  	s6 =	sshll.u32 s26, $0x1;
	_ =	strace $0x80000046;
	[dreg:$0x1] =	wrdreg $0xFFFFFFFF  }
0xa8: {  	s28 =	simm.s32 $_size_execute0_lowered;
	s4 =	sadd.s32 s4, s6;
	[dreg:$0x0] =	wrdreg $0x0  }
0xa9: {  	s6 =	sshll.u32 s28, $0x1;
	[dreg:$0x2] =	wrdreg s4  }
0xaa: {  	[dreg:$0x3] =	wrdreg s6  }
0xab: {  	[dreg:$0x4] =	wrdreg $0xC0  }
0xac: {  	_ =	task [dreg:s8], $0x5FFFF  }
0xad: {  	[dreg:$0x1] =	wrdreg $0xFFFFFFFF  }
0xae: {  	[dreg:$0x0] =	wrdreg $0x60  }
0xaf: {  	[dreg:$0x2] =	wrdreg s24  }
0xb0: {  	[dreg:$0x3] =	wrdreg s2  }
0xb1: {  	[dreg:$0x4] =	wrdreg s18  }
0xb2: {  	[dreg:$0x5] =	wrdreg $0x1CA000  }
0xb3: {  	[dreg:$0x6] =	wrdreg $0x9  }
0xb4: {  	_ =	task.clear_ibuf [dreg:s8], $0x7FFFF;
	_ =	strace $0x90000046  }
0xb5: {  	s29 =	simm.s32 $0x9;
	_ =	strace $0x80000048  }
0xb6: {  	_ =	swait.ge [sflag:s29], $0x1  }
0xb7: {  	[sflag:s29] =	ssyncadd.s32 $0xFFFFFFFF  }
0xb8: {  	_ =	strace $0x90000048  }
0xb9: {  	_ =	sfence  }
0xba: {  	s30 =	sld [smem:$0x0];
	_ =	sdelay $0x2  }
0xbb: {  	s31 =	sshll.u32 s1, $0xD;
	s1 =	sshrl.u32 s1, $0x2  }
0xbc: {  	s3 =	sand.u32 $0x4000, s31;
	s1 =	sadd.s32 s1, s30  }
0xbd: {  	s0 =	sor.u32 s3, s0;
	s1 =	sshll.u32 s1, $0x11  }
0xbe: {  	s0 =	sor.u32 s1, s0  }
0xbf: {  	s0 =	sadd.s32 $0x8F2B, s0  }
0xc0: {  	[sflag:s0] =	ssyncadd.remote.s32 $0x1  }
0xc1: {  	_ =	sfence.sel $0xFFFF  }
0xc2: {  	[dreg:$0x0] =	wrdreg $0xFFFFFFFF;
	(pc) =	sbr.abs _section_cstart, $3  }
0xc3: {  	[dreg:$0x1] =	wrdreg $0xFFFFFFFF  }
0xc4: {  	_ =	task.clear_ibuf [dreg:s8], $0x2FFFF;
	_ =	strace $0x9FFFFFFF  }
0xc5: {  	(tm) =	ssettm $0x7FFFFFFF  }
tec
execute0_lowered:
.L_overlay_start_1:
0x0: {  	(tag) =	ssettag $0x1  }
0x1: {  	s0 =	rddreg [dreg:$0x0]  }
0x2: {  	s3 =	rddreg [dreg:$0x1]  }
0x3: {  	s5 =	rddreg [dreg:$0x2]  }
0x4: {  	s1 =	rddreg [dreg:$0x3];
	s2 =	simm.s32 $0x0;
	s4 =	srdreg.scid  }
0x5: {  	s6 =	stileid.u32;
	s28 =	simm.s32 $0xCA00;
	s29 =	simm.s32 $0xC900  }
0x6: {  	s30 =	simm.s32 $0x10A00;
	s31 =	simm.s32 $0xC880;
	[smem:$0x7FF] =	sst s2  }
0x7: {  	s7 =	sand.u32 $0x1, s4;
	s13 =	sshll.u32 s6, $0x6;
	s0 =	sadd.s32 $0xA00, s0  }
0x8: {  	s15 =	smul.u32 $0xC80000, s6;
	s4 =	ssub.s32 $0x2, s7;
	s14 =	sshll.u32 s7, $0x5  }
0x9: {  	p0 =	sne.s32 s6, $0x0;
	s8 =	sshrl.u32 s4, $0x1;
	s9 =	sor.u32 s14, s13  }
0xa: {  	_ =	strace $0x80000047;
	s12 =	ssub.s32 s4, s8;
	s4 =	sadd.s32 s3, s9  }
0xb: {  	[dreg:$0x5] =	wrdreg s0;
	s7 =	smul.u32 $0x640000, s7;
	s16 =	sadd.s32 $0x400, s4  }
0xc: {  	s23 =	sadd.s32 s13, s3;
	s17 =	sadd.s32 $0x800, s4;
	[dreg:$0x6] =	wrdreg s16  }
0xd: {  	s13 =	sadd.s32 s14, s23;
	s18 =	sadd.s32 $0xC00, s4;
	[dreg:$0x7] =	wrdreg s17  }
0xe: {  	s23 =	simm.s32 $0x0;
	s19 =	sadd.s32 $0x1000, s4;
	[dreg:$0x8] =	wrdreg s18  }
0xf: {  	s24 =	sadd.s32 s7, s15;
	s20 =	sadd.s32 $0x1400, s4;
	[dreg:$0x9] =	wrdreg s19  }
0x10: {  	v1 =	vlaneseq.u32;
	s21 =	sadd.s32 $0x1800, s4;
	s22 =	sadd.s32 $0x1C00, s4;
	[dreg:$0xa] =	wrdreg s20  }
0x11: {  	v0 =	vmul.u32 $0x80, v1;
	v1 =	vand.u32 $0x1, v1;
	s0 =	smax.u32 s12, $0x1;
	s25 =	sshrl.u32 s24, $0x3;
	[dreg:$0xb] =	wrdreg s21  }
0x12: {  	v1 =	vmul.u32 $0x80, v1;
	s3 =	sor.u32 $0x8000, s24;
	s24 =	simm.s32 $0x5;
	[dreg:$0xc] =	wrdreg s22  }
.Ltmp0:
0x13: {  	v2 =	vor.u32 $0x800, v0;
	v3 =	vor.u32 $0x1000, v0;
	v4 =	vor.u32 $0x1800, v0;
	[dreg:$0xd] =	wrdreg s0;
	s14 =	sadd.s32 s25, s5;
	(pc) =	sbr.rel .LBB2_1-.Ltmp0, $4  }
0x14: {  	v5 =	vor.u32 $0x2000, v0;
	v6 =	vor.u32 $0x2800, v0;
	v7 =	vor.u32 $0x3000, v0;
	s26 =	sshrl.u32 s3, $0x3;
	s16 =	sshrl.u32 @!p0 s1, $0x3;
	s25 =	simm.s32 $0x80  }
0x15: {  	v8 =	vor.u32 $0x3800, v0;
	v9 =	vor.u32 $0x4000, v0;
	v10 =	vor.u32 $0x4800, v0;
	s0 =	simm.s32 $0x14A00;
	s17 =	simm.s32 $0xC980;
	s18 =	simm.s32 $0x18A00  }
0x16: {  	v11 =	vor.u32 $0x5000, v0;
	v12 =	vor.u32 $0x5800, v0;
	v13 =	vor.u32 $0x6000, v0;
	s19 =	simm.s32 $0x1;
	s20 =	simm.s32 $0x3;
	s21 =	simm.s32 $0x2  }
0x17: {  	v14 =	vor.u32 $0x6800, v0;
	v15 =	vor.u32 $0x7000, v0;
	v16 =	vor.u32 $0x7800, v0;
	s22 =	simm.s32 $0x4;
	s15 =	sadd.s32 s26, s5;
	s26 =	simm.s32 $0xC800  }
.LBB2_7:
0x18: {  	_ =	swait.ge [sflag:s22], $0x8000  }
0x19: {  	s23 =	sadd.s32 $0x1, s23;
	s3 =	rddreg [dreg:$0xd]  }
0x1a: {  	p1 =	sne.s32 s23, s3  }
.Ltmp1:
0x1b: {  	_ = 	snop;
	(pc) =	sbr.rel @!p1 .LBB2_8-.Ltmp1, $3  }
0x1c: {  	_ =	sdelay $0x1  }
0x1d: {  	[sflag:s22] =	ssyncset.done $0x0  }
0x1e: {  	[sflag:s22] =	ssyncadd.s32 $0xFFFF8000  }
.LBB2_1:
0x1f: {  	s3 =	simm.s32 @!p0 $0x1C06;
	s5 =	rddreg [dreg:$0x5]  }
0x20: {  	[spmem:s16], [sflag:s3] =	dma.local @!p0 [hbm:s5], $0x1000  }
0x21: {  	[tilespmem:s2], [sflag:$0x5] =	stream.linear.gather [hbm4b:s4+s2], $0x100, $0x38;
	[tilespmem:$0x1D200] =	vst v63  }
0x22: {  	s8 =	simm.s32 $0x100;
	s3 =	rddreg [dreg:$0x6]  }
0x23: {  	[tilespmem:s8], [sflag:$0x5] =	stream.linear.gather [hbm4b:s3+s2], $0x100, $0x38;
	[tilespmem:$0x1D200] =	vst v63  }
0x24: {  	s10 =	simm.s32 $0x200;
	s9 =	rddreg [dreg:$0x7]  }
0x25: {  	[tilespmem:s10], [sflag:$0x5] =	stream.linear.gather [hbm4b:s9+s2], $0x100, $0x38;
	[tilespmem:$0x1D200] =	vst v63  }
0x26: {  	s12 =	simm.s32 $0x300;
	s11 =	rddreg [dreg:$0x8]  }
0x27: {  	[tilespmem:s12], [sflag:$0x5] =	stream.linear.gather [hbm4b:s11+s2], $0x100, $0x38;
	[tilespmem:$0x1D200] =	vst v63  }
0x28: {  	s6 =	simm.s32 $0x400;
	s5 =	rddreg [dreg:$0x9]  }
0x29: {  	[tilespmem:s6], [sflag:$0x5] =	stream.linear.gather [hbm4b:s5+s2], $0x100, $0x38;
	[tilespmem:$0x1D200] =	vst v63  }
0x2a: {  	s7 =	rddreg [dreg:$0xa];
	s8 =	simm.s32 $0x500  }
0x2b: {  	[tilespmem:s8], [sflag:$0x5] =	stream.linear.gather [hbm4b:s7+s2], $0x100, $0x38;
	[tilespmem:$0x1D200] =	vst v63  }
0x2c: {  	p1 =	por $0x0, $0x0;
	s9 =	rddreg [dreg:$0xb];
	s10 =	simm.s32 $0x600  }
0x2d: {  	[tilespmem:s10], [sflag:$0x5] =	stream.linear.gather [hbm4b:s9+s2], $0x100, $0x38;
	[tilespmem:$0x1D200] =	vst v63  }
0x2e: {  	s3 =	sadd.s32 @!p1 $0x0, s13;
	s11 =	rddreg [dreg:$0xc];
	s12 =	simm.s32 $0x700  }
0x2f: {  	[tilespmem:s12], [sflag:$0x5] =	stream.linear.gather [hbm4b:s11+s2], $0x100, $0x38;
	[tilespmem:$0x1D200] =	vst v63  }
0x30: {  	s5 =	simm.s32 @!p1 $0x800;
	s6 =	sadd.s32 @!p1 $0x2000, s3;
	s7 =	simm.s32 @!p1 $0x0  }
0x31: {  	[tilespmem:s5], [sflag:$0x5] =	stream.linear.gather @!p1 [hbm4b:s6+s7], $0x100, $0x38;
	[tilespmem:$0x1D200] =	vst v63  }
0x32: {  	s5 =	simm.s32 @!p1 $0x900;
	s6 =	sadd.s32 @!p1 $0x2400, s3  }
0x33: {  	[tilespmem:s5], [sflag:$0x5] =	stream.linear.gather @!p1 [hbm4b:s6+s7], $0x100, $0x38;
	[tilespmem:$0x1D200] =	vst v63  }
0x34: {  	s5 =	simm.s32 @!p1 $0xA00;
	s6 =	sadd.s32 @!p1 $0x2800, s3  }
0x35: {  	[tilespmem:s5], [sflag:$0x5] =	stream.linear.gather @!p1 [hbm4b:s6+s7], $0x100, $0x38;
	[tilespmem:$0x1D200] =	vst v63  }
0x36: {  	s5 =	simm.s32 @!p1 $0xB00;
	s6 =	sadd.s32 @!p1 $0x2C00, s3  }
0x37: {  	[tilespmem:s5], [sflag:$0x5] =	stream.linear.gather @!p1 [hbm4b:s6+s7], $0x100, $0x38;
	[tilespmem:$0x1D200] =	vst v63  }
0x38: {  	s5 =	simm.s32 @!p1 $0xC00;
	s6 =	sadd.s32 @!p1 $0x3000, s3  }
0x39: {  	[tilespmem:s5], [sflag:$0x5] =	stream.linear.gather @!p1 [hbm4b:s6+s7], $0x100, $0x38;
	[tilespmem:$0x1D200] =	vst v63  }
0x3a: {  	s5 =	simm.s32 @!p1 $0xD00;
	s6 =	sadd.s32 @!p1 $0x3400, s3  }
0x3b: {  	[tilespmem:s5], [sflag:$0x5] =	stream.linear.gather @!p1 [hbm4b:s6+s7], $0x100, $0x38;
	[tilespmem:$0x1D200] =	vst v63  }
0x3c: {  	s5 =	simm.s32 @!p1 $0xE00;
	s6 =	sadd.s32 @!p1 $0x3800, s3  }
0x3d: {  	[tilespmem:s5], [sflag:$0x5] =	stream.linear.gather @!p1 [hbm4b:s6+s7], $0x100, $0x38;
	[tilespmem:$0x1D200] =	vst v63  }
0x3e: {  	s3 =	sadd.s32 @!p1 $0x3C00, s3;
	s5 =	simm.s32 @!p1 $0xF00  }
0x3f: {  	[tilespmem:s5], [sflag:$0x5] =	stream.linear.gather @!p1 [hbm4b:s3+s7], $0x100, $0x38;
	[tilespmem:$0x1D200] =	vst v63  }
0x40: {  	_ =	swait.ge [sflag:s24], $0x100  }
0x41: {  	[sflag:s24] =	ssyncset.done $0x0  }
0x42: {  	[sflag:s24] =	ssyncadd.s32 $0xFFFFFF00  }
0x43: {  	_ =	swait.ge [sflag:s24], $0x100  }
0x44: {  	[sflag:s24] =	ssyncset.done $0x0  }
0x45: {  	[sflag:s24] =	ssyncadd.s32 $0xFFFFFF00  }
0x46: {  	_ =	swait.ge [sflag:s24], $0x100  }
0x47: {  	[sflag:s24] =	ssyncset.done $0x0  }
0x48: {  	[sflag:s24] =	ssyncadd.s32 $0xFFFFFF00  }
0x49: {  	_ =	swait.ge [sflag:s24], $0x100  }
0x4a: {  	[sflag:s24] =	ssyncset.done $0x0  }
0x4b: {  	[sflag:s24] =	ssyncadd.s32 $0xFFFFFF00  }
0x4c: {  	_ =	swait.ge [sflag:s24], $0x100  }
0x4d: {  	[sflag:s24] =	ssyncset.done $0x0  }
0x4e: {  	[sflag:s24] =	ssyncadd.s32 $0xFFFFFF00  }
0x4f: {  	_ =	swait.ge [sflag:s24], $0x100  }
0x50: {  	[sflag:s24] =	ssyncset.done $0x0  }
0x51: {  	[sflag:s24] =	ssyncadd.s32 $0xFFFFFF00  }
0x52: {  	_ =	swait.ge [sflag:s24], $0x100  }
0x53: {  	[sflag:s24] =	ssyncset.done $0x0  }
0x54: {  	s3 =	simm.s32 $0x4000;
	p1 =	por $0x0, $0x0;
	[sflag:s24] =	ssyncadd.s32 $0xFFFFFF00  }
0x55: {  	s6 =	simm.s32 @!p1 $0x800;
	s7 =	sadd.s32 @!p1 $0x2000, s13;
	_ =	swait.ge [sflag:s24], $0x100  }
.LBB2_2:
0x56: {  	s8 =	sadd.s32 @!p1 $0x800, s6  }
0x57: {  	s9 =	sadd.s32 @!p1 $0x2000, s7;
	[sflag:s24] =	ssyncset.done $0x0;
	s5 =	smov.u32 s3  }
0x58: {  	s10 =	simm.s32 @!p1 $0x0;
	s11 =	sadd.s32 @!p1 $0x900, s6;
	[sflag:s24] =	ssyncadd.s32 $0xFFFFFF00  }
0x59: {  	[tilespmem:s8], [sflag:$0x5] =	stream.linear.gather @!p1 [hbm4b:s9+s10], $0x100, $0x38;
	[tilespmem:$0x1D200] =	vst v63  }
0x5a: {  	s12 =	sadd.s32 @!p1 $0x2800, s7;
	s8 =	sadd.s32 @!p1 $0x2400, s7;
	s9 =	sadd.s32 @!p1 $0xA00, s6  }
0x5b: {  	[tilespmem:s11], [sflag:$0x5] =	stream.linear.gather @!p1 [hbm4b:s8+s10], $0x100, $0x38;
	[tilespmem:$0x1D200] =	vst v63  }
0x5c: {  	s3 =	sadd.s32 $0x2000, s3;
	s8 =	sadd.s32 @!p1 $0xB00, s6;
	s11 =	sadd.s32 @!p1 $0x2C00, s7  }
0x5d: {  	[tilespmem:s9], [sflag:$0x5] =	stream.linear.gather @!p1 [hbm4b:s12+s10], $0x100, $0x38;
	[tilespmem:$0x1D200] =	vst v63  }
0x5e: {  	p2 =	sne.s32 s3, $0x32000;
	s9 =	sadd.s32 @!p1 $0xC00, s6;
	s12 =	sadd.s32 @!p1 $0x3000, s7  }
0x5f: {  	[tilespmem:s8], [sflag:$0x5] =	stream.linear.gather @!p1 [hbm4b:s11+s10], $0x100, $0x38;
	[tilespmem:$0x1D200] =	vst v63  }
0x60: {  	s8 =	sadd.s32 @!p1 $0xD00, s6;
	s11 =	sadd.s32 @!p1 $0x3400, s7  }
0x61: {  	[tilespmem:s9], [sflag:$0x5] =	stream.linear.gather @!p1 [hbm4b:s12+s10], $0x100, $0x38;
	[tilespmem:$0x1D200] =	vst v63  }
0x62: {  	s9 =	sadd.s32 @!p1 $0xE00, s6;
	s12 =	sadd.s32 @!p1 $0x3800, s7  }
0x63: {  	[tilespmem:s8], [sflag:$0x5] =	stream.linear.gather @!p1 [hbm4b:s11+s10], $0x100, $0x38;
	[tilespmem:$0x1D200] =	vst v63  }
0x64: {  	s6 =	sadd.s32 @!p1 $0xF00, s6;
	s7 =	sadd.s32 @!p1 $0x3C00, s7  }
0x65: {  	[tilespmem:s9], [sflag:$0x5] =	stream.linear.gather @!p1 [hbm4b:s12+s10], $0x100, $0x38;
	[tilespmem:$0x1D200] =	vst v63  }
0x66: {  	_ = 	snop  }
0x67: {  	[tilespmem:s6], [sflag:$0x5] =	stream.linear.gather @!p1 [hbm4b:s7+s10], $0x100, $0x38;
	[tilespmem:$0x1D200] =	vst v63  }
0x68: {  	_ =	swait.ge [sflag:s24], $0x100  }
0x69: {  	[sflag:s24] =	ssyncset.done $0x0  }
0x6a: {  	[sflag:s24] =	ssyncadd.s32 $0xFFFFFF00  }
0x6b: {  	_ =	swait.ge [sflag:s24], $0x100  }
0x6c: {  	[sflag:s24] =	ssyncset.done $0x0  }
0x6d: {  	[sflag:s24] =	ssyncadd.s32 $0xFFFFFF00  }
0x6e: {  	_ =	swait.ge [sflag:s24], $0x100  }
0x6f: {  	[sflag:s24] =	ssyncset.done $0x0  }
0x70: {  	[sflag:s24] =	ssyncadd.s32 $0xFFFFFF00  }
0x71: {  	_ =	swait.ge [sflag:s24], $0x100  }
0x72: {  	[sflag:s24] =	ssyncset.done $0x0  }
0x73: {  	[sflag:s24] =	ssyncadd.s32 $0xFFFFFF00  }
0x74: {  	_ =	swait.ge [sflag:s24], $0x100  }
0x75: {  	[sflag:s24] =	ssyncset.done $0x0  }
0x76: {  	[sflag:s24] =	ssyncadd.s32 $0xFFFFFF00  }
0x77: {  	_ =	swait.ge [sflag:s24], $0x100  }
0x78: {  	[sflag:s24] =	ssyncset.done $0x0  }
.Ltmp2:
0x79: {  	[sflag:s24] =	ssyncadd.s32 $0xFFFFFF00;
	(pc) =	sbr.rel @p2 .LBB2_2-.Ltmp2, $4  }
0x7a: {  	_ =	swait.ge [sflag:s24], $0x100  }
0x7b: {  	[sflag:s24] =	ssyncset.done $0x0  }
0x7c: {  	p1 =	seq.s32 s5, $0x30000;
	[sflag:s24] =	ssyncadd.s32 $0xFFFFFF00  }
0x7d: {  	s6 =	sshra.s32 @!p1 s5, $0x2;
	s7 =	sadd.s32 @!p1 s5, s13;
	_ =	swait.ge [sflag:s24], $0x100  }
0x7e: {  	s3 =	sadd.s32 @!p1 $0x800, s6;
	[sflag:s24] =	ssyncset.done $0x0  }
0x7f: {  	s5 =	sadd.s32 @!p1 $0x2000, s7;
	s8 =	simm.s32 @!p1 $0x0;
	[sflag:s24] =	ssyncadd.s32 $0xFFFFFF00  }
0x80: {  	[tilespmem:s3], [sflag:$0x5] =	stream.linear.gather @!p1 [hbm4b:s5+s8], $0x100, $0x38;
	[tilespmem:$0x1D200] =	vst v63  }
0x81: {  	s3 =	sadd.s32 @!p1 $0x900, s6;
	s5 =	sadd.s32 @!p1 $0x2400, s7  }
0x82: {  	[tilespmem:s3], [sflag:$0x5] =	stream.linear.gather @!p1 [hbm4b:s5+s8], $0x100, $0x38;
	[tilespmem:$0x1D200] =	vst v63  }
0x83: {  	s3 =	sadd.s32 @!p1 $0xA00, s6;
	s5 =	sadd.s32 @!p1 $0x2800, s7  }
0x84: {  	[tilespmem:s3], [sflag:$0x5] =	stream.linear.gather @!p1 [hbm4b:s5+s8], $0x100, $0x38;
	[tilespmem:$0x1D200] =	vst v63  }
0x85: {  	s3 =	sadd.s32 @!p1 $0xB00, s6;
	s5 =	sadd.s32 @!p1 $0x2C00, s7  }
0x86: {  	[tilespmem:s3], [sflag:$0x5] =	stream.linear.gather @!p1 [hbm4b:s5+s8], $0x100, $0x38;
	[tilespmem:$0x1D200] =	vst v63  }
0x87: {  	s3 =	sadd.s32 @!p1 $0xC00, s6;
	s5 =	sadd.s32 @!p1 $0x3000, s7  }
0x88: {  	[tilespmem:s3], [sflag:$0x5] =	stream.linear.gather @!p1 [hbm4b:s5+s8], $0x100, $0x38;
	[tilespmem:$0x1D200] =	vst v63  }
0x89: {  	s3 =	sadd.s32 @!p1 $0xD00, s6;
	s5 =	sadd.s32 @!p1 $0x3400, s7  }
0x8a: {  	[tilespmem:s3], [sflag:$0x5] =	stream.linear.gather @!p1 [hbm4b:s5+s8], $0x100, $0x38;
	[tilespmem:$0x1D200] =	vst v63  }
0x8b: {  	s3 =	sadd.s32 @!p1 $0xE00, s6;
	s5 =	sadd.s32 @!p1 $0x3800, s7  }
0x8c: {  	[tilespmem:s3], [sflag:$0x5] =	stream.linear.gather @!p1 [hbm4b:s5+s8], $0x100, $0x38;
	[tilespmem:$0x1D200] =	vst v63  }
0x8d: {  	s3 =	sadd.s32 @!p1 $0xF00, s6;
	s5 =	sadd.s32 @!p1 $0x3C00, s7  }
0x8e: {  	[tilespmem:s3], [sflag:$0x5] =	stream.linear.gather @!p1 [hbm4b:s5+s8], $0x100, $0x38;
	[tilespmem:$0x1D200] =	vst v63  }
0x8f: {  	_ =	swait.ge [sflag:s24], $0x100  }
0x90: {  	[sflag:s24] =	ssyncset.done $0x0  }
0x91: {  	[sflag:s24] =	ssyncadd.s32 $0xFFFFFF00  }
0x92: {  	_ =	swait.ge [sflag:s24], $0x100  }
0x93: {  	[sflag:s24] =	ssyncset.done $0x0  }
0x94: {  	[sflag:s24] =	ssyncadd.s32 $0xFFFFFF00  }
0x95: {  	_ =	swait.ge [sflag:s24], $0x100  }
0x96: {  	[sflag:s24] =	ssyncset.done $0x0  }
0x97: {  	[sflag:s24] =	ssyncadd.s32 $0xFFFFFF00  }
0x98: {  	_ =	swait.ge [sflag:s24], $0x100  }
0x99: {  	[sflag:s24] =	ssyncset.done $0x0  }
0x9a: {  	[sflag:s24] =	ssyncadd.s32 $0xFFFFFF00  }
0x9b: {  	_ =	swait.ge [sflag:s24], $0x100  }
0x9c: {  	[sflag:s24] =	ssyncset.done $0x0  }
0x9d: {  	[sflag:s24] =	ssyncadd.s32 $0xFFFFFF00  }
0x9e: {  	_ =	swait.ge [sflag:s24], $0x100  }
0x9f: {  	[sflag:s24] =	ssyncset.done $0x0  }
0xa0: {  	[sflag:s24] =	ssyncadd.s32 $0xFFFFFF00  }
0xa1: {  	_ =	swait.ge [sflag:s24], $0x100  }
0xa2: {  	[sflag:s24] =	ssyncset.done $0x0  }
0xa3: {  	[sflag:s24] =	ssyncadd.s32 $0xFFFFFF00  }
0xa4: {  	_ =	swait.ge [sflag:s24], $0x100  }
0xa5: {  	[sflag:s24] =	ssyncset.done $0x0  }
0xa6: {  	s3 =	simm.s32 @!p0 $0x6;
	[sflag:s24] =	ssyncadd.s32 $0xFFFFFF00  }
0xa7: {  	_ =	swait.ge @!p0 [sflag:s3], $0x1000  }
0xa8: {  	[sflag:s3] =	ssyncset.done @!p0 $0x0  }
0xa9: {  	[sflag:s3] =	ssyncadd.s32 @!p0 $0xFFFFF000  }
0xaa: {  	s3 =	simm.s32 $0x0;
	[bflag:$0x0] =	sbarrier.arrive $0xFFFF  }
0xab: {  	v17 =	vld.idx.msk [tilespmem:v0+s3+$0x0], $0xffff;
	_ =	sdelay $0x4  }
0xac: {  	v17 =	vadd.s32 v1, v17  }
0xad: {  	[tilespmem:$0xC800] =	vst v17  }
0xae: {  	v17 =	vld.idx.msk [tilespmem:v2+s3+$0x0], $0xffff;
	_ =	sdelay $0x4  }
0xaf: {  	v17 =	vadd.s32 v1, v17  }
0xb0: {  	[tilespmem:$0xC810] =	vst v17  }
0xb1: {  	v17 =	vld.idx.msk [tilespmem:v3+s3+$0x0], $0xffff;
	_ =	sdelay $0x4  }
0xb2: {  	v17 =	vadd.s32 v1, v17  }
0xb3: {  	[tilespmem:$0xC820] =	vst v17  }
0xb4: {  	v17 =	vld.idx.msk [tilespmem:v4+s3+$0x0], $0xffff;
	_ =	sdelay $0x4  }
0xb5: {  	v17 =	vadd.s32 v1, v17  }
0xb6: {  	[tilespmem:$0xC830] =	vst v17  }
0xb7: {  	v17 =	vld.idx.msk [tilespmem:v5+s3+$0x0], $0xffff;
	_ =	sdelay $0x4  }
0xb8: {  	v17 =	vadd.s32 v1, v17  }
0xb9: {  	[tilespmem:$0xC840] =	vst v17  }
0xba: {  	v17 =	vld.idx.msk [tilespmem:v6+s3+$0x0], $0xffff;
	_ =	sdelay $0x4  }
0xbb: {  	v17 =	vadd.s32 v1, v17  }
0xbc: {  	[tilespmem:$0xC850] =	vst v17  }
0xbd: {  	v17 =	vld.idx.msk [tilespmem:v7+s3+$0x0], $0xffff;
	_ =	sdelay $0x4  }
0xbe: {  	v17 =	vadd.s32 v1, v17  }
0xbf: {  	[tilespmem:$0xC860] =	vst v17  }
0xc0: {  	v17 =	vld.idx.msk [tilespmem:v8+s3+$0x0], $0xffff;
	_ =	sdelay $0x4  }
0xc1: {  	v17 =	vadd.s32 v1, v17  }
0xc2: {  	[tilespmem:$0xC870] =	vst v17  }
0xc3: {  	v17 =	vld.idx.msk [tilespmem:v9+s3+$0x0], $0xffff;
	_ =	sdelay $0x4  }
0xc4: {  	v17 =	vadd.s32 v1, v17  }
0xc5: {  	[tilespmem:$0xC900] =	vst v17  }
0xc6: {  	v17 =	vld.idx.msk [tilespmem:v10+s3+$0x0], $0xffff;
	_ =	sdelay $0x4  }
0xc7: {  	v17 =	vadd.s32 v1, v17  }
0xc8: {  	[tilespmem:$0xC910] =	vst v17  }
0xc9: {  	v17 =	vld.idx.msk [tilespmem:v11+s3+$0x0], $0xffff;
	_ =	sdelay $0x4  }
0xca: {  	v17 =	vadd.s32 v1, v17  }
0xcb: {  	[tilespmem:$0xC920] =	vst v17  }
0xcc: {  	v17 =	vld.idx.msk [tilespmem:v12+s3+$0x0], $0xffff;
	_ =	sdelay $0x4  }
0xcd: {  	v17 =	vadd.s32 v1, v17  }
0xce: {  	[tilespmem:$0xC930] =	vst v17  }
0xcf: {  	v17 =	vld.idx.msk [tilespmem:v13+s3+$0x0], $0xffff;
	_ =	sdelay $0x4  }
0xd0: {  	v17 =	vadd.s32 v1, v17  }
0xd1: {  	[tilespmem:$0xC940] =	vst v17  }
0xd2: {  	v17 =	vld.idx.msk [tilespmem:v14+s3+$0x0], $0xffff;
	_ =	sdelay $0x4  }
0xd3: {  	v17 =	vadd.s32 v1, v17  }
0xd4: {  	[tilespmem:$0xC950] =	vst v17  }
0xd5: {  	v17 =	vld.idx.msk [tilespmem:v15+s3+$0x0], $0xffff;
	_ =	sdelay $0x4  }
0xd6: {  	v17 =	vadd.s32 v1, v17  }
0xd7: {  	[tilespmem:$0xC960] =	vst v17  }
0xd8: {  	v17 =	vld.idx.msk [tilespmem:v16+s3+$0x0], $0xffff;
	_ =	sdelay $0x4  }
.Ltmp3:
0xd9: {  	v17 =	vadd.s32 v1, v17;
	(pc) =	sbr.rel .LBB2_4-.Ltmp3, $4  }
0xda: {  	[tilespmem:$0xC970] =	vst v17  }
0xdb: {  	[tilespmem:s28], [sflag:$0x1] =	stream.indirect.gather [spmem:s1], $0x80, s26, s25, $0xb8;
	[tilespmem:$0x1D200] =	vst v63  }
0xdc: {  	s6 =	simm.s32 $0x0;
	s5 =	simm.s32 $0x1  }
0xdd: {  	[tilespmem:s30], [sflag:$0x1] =	stream.indirect.gather [spmem:s1], $0x80, s29, s25, $0xb8;
	[tilespmem:$0x1D200] =	vst v63  }
.LBB2_6:
0xde: {  	s7 =	sadd.s32 s3, s15;
	s3 =	sadd.s32 $0x2000, s3  }
0xdf: {  	p1 =	sne.s32 s3, $0xC8000  }
.Ltmp4:
0xe0: {  	_ = 	snop;
	(pc) =	sbr.rel @!p1 .LBB2_7-.Ltmp4, $4  }
0xe1: {  	_ =	swait.ge [sflag:s21], $0x8000  }
0xe2: {  	[sflag:s21] =	ssyncset.done $0x0  }
0xe3: {  	s6 =	sadd.s32 $0x1, s6;
	s5 =	sadd.s32 $0x2, s5;
	[sflag:s21] =	ssyncadd.s32 $0xFFFF8000  }
0xe4: {  	[hbm4b:s7+s2] =	stream.linear.scatter [tilespmem:s0], [sflag:$0x4], $0x8000, $0x38;
	[tilespmem:$0x1D200] =	vst v63  }
.LBB2_4:
0xe5: {  	s7 =	sshll.u32 s5, $0x4  }
0xe6: {  	s7 =	sand.u32 $0xFF0, s7  }
0xe7: {  	s7 =	smul.u32 $0xA3E, s7;
	_ =	sdelay $0x1  }
0xe8: {  	s8 =	sshrl.u32 s7, $0x10  }
0xe9: {  	s7 =	sshll.u32 s5, $0x8;
	s9 =	smul.u32 $0x190, s8  }
0xea: {  	s10 =	sor.u32 $0x10, s7  }
0xeb: {  	s11 =	sand.u32 $0xFF10, s10;
	s9 =	ssub.s32 s7, s9  }
0xec: {  	s11 =	sshrl.u32 s11, $0x4;
	s9 =	sshll.u32 s9, $0x7  }
0xed: {  	s12 =	smul.u32 $0xA3E, s11;
	s8 =	sor.u32 s8, s9  }
0xee: {  	s8 =	sand.u32 $0xF8FF, s8  }
0xef: {  	p1 =	seq.s32 s3, $0x0;
	v17 =	vadd.s32 s8, v0;
	s8 =	sshrl.u32 s12, $0x10  }
0xf0: {  	s9 =	simm.s32 @!p1 $0x4;
	s11 =	smul.u32 $0x190, s8  }
0xf1: {  	_ =	swait.ge @!p1 [sflag:s9], $0x8000;
	s12 =	sor.u32 $0x20, s7  }
0xf2: {  	[sflag:s9] =	ssyncset.done @!p1 $0x0;
	s10 =	ssub.s32 s10, s11;
	s11 =	sand.u32 $0xFF20, s12  }
0xf3: {  	[sflag:s9] =	ssyncadd.s32 @!p1 $0xFFFF8000;
	s10 =	sshll.u32 s10, $0x7;
	s11 =	sshrl.u32 s11, $0x4  }
0xf4: {  	v17 =	vld.idx.msk [tilespmem:v17+s2+$0x0], $0xffff;
	s8 =	sor.u32 s8, s10;
	s11 =	smul.u32 $0xA3E, s11  }
0xf5: {  	s8 =	sand.u32 $0xF8FF, s8  }
0xf6: {  	v18 =	vadd.s32 s8, v0;
	s8 =	sshrl.u32 s11, $0x10  }
0xf7: {  	s9 =	smul.u32 $0x190, s8  }
0xf8: {  	s10 =	sor.u32 $0x30, s7  }
0xf9: {  	v17 =	vadd.s32 v1, v17;
	s9 =	ssub.s32 s12, s9;
	s12 =	sand.u32 $0xFF30, s10  }
0xfa: {  	[tilespmem:$0xC880] =	vst v17;
	s9 =	sshll.u32 s9, $0x7;
	s11 =	sshrl.u32 s12, $0x4  }
0xfb: {  	v17 =	vld.idx.msk [tilespmem:v18+s2+$0x0], $0xffff;
	s8 =	sor.u32 s8, s9;
	s11 =	smul.u32 $0xA3E, s11  }
0xfc: {  	s8 =	sand.u32 $0xF8FF, s8  }
0xfd: {  	v18 =	vadd.s32 s8, v0;
	s8 =	sshrl.u32 s11, $0x10  }
0xfe: {  	s9 =	smul.u32 $0x190, s8  }
0xff: {  	s11 =	sor.u32 $0x40, s7  }
0x100: {  	s12 =	sand.u32 $0xFF40, s11;
	v17 =	vadd.s32 v1, v17;
	s9 =	ssub.s32 s10, s9  }
0x101: {  	s10 =	sshrl.u32 s12, $0x4;
	[tilespmem:$0xC890] =	vst v17;
	s9 =	sshll.u32 s9, $0x7  }
0x102: {  	s10 =	smul.u32 $0xA3E, s10;
	v17 =	vld.idx.msk [tilespmem:v18+s2+$0x0], $0xffff;
	s8 =	sor.u32 s8, s9  }
0x103: {  	s8 =	sand.u32 $0xF8FF, s8  }
0x104: {  	v18 =	vadd.s32 s8, v0;
	s8 =	sshrl.u32 s10, $0x10  }
0x105: {  	s9 =	smul.u32 $0x190, s8  }
0x106: {  	s10 =	sor.u32 $0x50, s7  }
0x107: {  	s12 =	sand.u32 $0xFF50, s10;
	v17 =	vadd.s32 v1, v17;
	s9 =	ssub.s32 s11, s9  }
0x108: {  	s11 =	sshrl.u32 s12, $0x4;
	[tilespmem:$0xC8A0] =	vst v17;
	s9 =	sshll.u32 s9, $0x7  }
0x109: {  	s11 =	smul.u32 $0xA3E, s11;
	v17 =	vld.idx.msk [tilespmem:v18+s2+$0x0], $0xffff;
	s8 =	sor.u32 s8, s9  }
0x10a: {  	s8 =	sand.u32 $0xF8FF, s8  }
0x10b: {  	v18 =	vadd.s32 s8, v0;
	s8 =	sshrl.u32 s11, $0x10  }
0x10c: {  	s9 =	smul.u32 $0x190, s8  }
0x10d: {  	s11 =	sor.u32 $0x60, s7  }
0x10e: {  	s12 =	sand.u32 $0xFF60, s11;
	v17 =	vadd.s32 v1, v17;
	s9 =	ssub.s32 s10, s9  }
0x10f: {  	s10 =	sshrl.u32 s12, $0x4;
	[tilespmem:$0xC8B0] =	vst v17;
	s9 =	sshll.u32 s9, $0x7  }
0x110: {  	s10 =	smul.u32 $0xA3E, s10;
	v17 =	vld.idx.msk [tilespmem:v18+s2+$0x0], $0xffff;
	s8 =	sor.u32 s8, s9  }
0x111: {  	s8 =	sand.u32 $0xF8FF, s8  }
0x112: {  	v18 =	vadd.s32 s8, v0;
	s8 =	sshrl.u32 s10, $0x10  }
0x113: {  	s9 =	smul.u32 $0x190, s8  }
0x114: {  	s10 =	sor.u32 $0x70, s7  }
0x115: {  	s12 =	sand.u32 $0xFF70, s10;
	v17 =	vadd.s32 v1, v17;
	s9 =	ssub.s32 s11, s9  }
0x116: {  	s11 =	sshrl.u32 s12, $0x4;
	[tilespmem:$0xC8C0] =	vst v17;
	s9 =	sshll.u32 s9, $0x7  }
0x117: {  	s11 =	smul.u32 $0xA3E, s11;
	v17 =	vld.idx.msk [tilespmem:v18+s2+$0x0], $0xffff;
	s8 =	sor.u32 s8, s9  }
0x118: {  	s8 =	sand.u32 $0xF8FF, s8  }
0x119: {  	v18 =	vadd.s32 s8, v0;
	s8 =	sshrl.u32 s11, $0x10  }
0x11a: {  	s9 =	smul.u32 $0x190, s8  }
0x11b: {  	s11 =	sor.u32 $0x80, s7  }
0x11c: {  	s12 =	sand.u32 $0xFF80, s11;
	v17 =	vadd.s32 v1, v17;
	s9 =	ssub.s32 s10, s9  }
0x11d: {  	s10 =	sshrl.u32 s12, $0x4;
	[tilespmem:$0xC8D0] =	vst v17;
	s9 =	sshll.u32 s9, $0x7  }
0x11e: {  	s10 =	smul.u32 $0xA3E, s10;
	v17 =	vld.idx.msk [tilespmem:v18+s2+$0x0], $0xffff;
	s8 =	sor.u32 s8, s9  }
0x11f: {  	s8 =	sand.u32 $0xF8FF, s8  }
0x120: {  	v18 =	vadd.s32 s8, v0;
	s8 =	sshrl.u32 s10, $0x10  }
0x121: {  	s9 =	smul.u32 $0x190, s8  }
0x122: {  	s10 =	sor.u32 $0x90, s7  }
0x123: {  	s12 =	sand.u32 $0xFF90, s10;
	v17 =	vadd.s32 v1, v17;
	s9 =	ssub.s32 s11, s9  }
0x124: {  	s11 =	sshrl.u32 s12, $0x4;
	[tilespmem:$0xC8E0] =	vst v17;
	s9 =	sshll.u32 s9, $0x7  }
0x125: {  	s11 =	smul.u32 $0xA3E, s11;
	v17 =	vld.idx.msk [tilespmem:v18+s2+$0x0], $0xffff;
	s8 =	sor.u32 s8, s9  }
0x126: {  	s8 =	sand.u32 $0xF8FF, s8  }
0x127: {  	v18 =	vadd.s32 s8, v0;
	s8 =	sshrl.u32 s11, $0x10  }
0x128: {  	s9 =	smul.u32 $0x190, s8  }
0x129: {  	s11 =	sor.u32 $0xA0, s7  }
0x12a: {  	s12 =	sand.u32 $0xFFA0, s11;
	v17 =	vadd.s32 v1, v17;
	s9 =	ssub.s32 s10, s9  }
0x12b: {  	s10 =	sshrl.u32 s12, $0x4;
	[tilespmem:$0xC8F0] =	vst v17;
	s9 =	sshll.u32 s9, $0x7  }
0x12c: {  	s10 =	smul.u32 $0xA3E, s10;
	v17 =	vld.idx.msk [tilespmem:v18+s2+$0x0], $0xffff;
	s8 =	sor.u32 s8, s9  }
0x12d: {  	s8 =	sand.u32 $0xF8FF, s8  }
0x12e: {  	v18 =	vadd.s32 s8, v0;
	s8 =	sshrl.u32 s10, $0x10  }
0x12f: {  	s9 =	smul.u32 $0x190, s8  }
0x130: {  	s10 =	sor.u32 $0xB0, s7  }
0x131: {  	s12 =	sand.u32 $0xFFB0, s10;
	v17 =	vadd.s32 v1, v17;
	s9 =	ssub.s32 s11, s9  }
0x132: {  	s11 =	sshrl.u32 s12, $0x4;
	[tilespmem:$0xC980] =	vst v17;
	s9 =	sshll.u32 s9, $0x7  }
0x133: {  	s11 =	smul.u32 $0xA3E, s11;
	v17 =	vld.idx.msk [tilespmem:v18+s2+$0x0], $0xffff;
	s8 =	sor.u32 s8, s9  }
0x134: {  	s8 =	sand.u32 $0xF8FF, s8  }
0x135: {  	v18 =	vadd.s32 s8, v0;
	s8 =	sshrl.u32 s11, $0x10  }
0x136: {  	s9 =	smul.u32 $0x190, s8  }
0x137: {  	s11 =	sor.u32 $0xC0, s7  }
0x138: {  	s12 =	sand.u32 $0xFFC0, s11;
	v17 =	vadd.s32 v1, v17;
	s9 =	ssub.s32 s10, s9  }
0x139: {  	s10 =	sshrl.u32 s12, $0x4;
	[tilespmem:$0xC990] =	vst v17;
	s9 =	sshll.u32 s9, $0x7  }
0x13a: {  	s10 =	smul.u32 $0xA3E, s10;
	v17 =	vld.idx.msk [tilespmem:v18+s2+$0x0], $0xffff;
	s8 =	sor.u32 s8, s9  }
0x13b: {  	s8 =	sand.u32 $0xF8FF, s8  }
0x13c: {  	v18 =	vadd.s32 s8, v0;
	s8 =	sshrl.u32 s10, $0x10  }
0x13d: {  	s9 =	smul.u32 $0x190, s8  }
0x13e: {  	s10 =	sor.u32 $0xD0, s7  }
0x13f: {  	s12 =	sand.u32 $0xFFD0, s10;
	v17 =	vadd.s32 v1, v17;
	s9 =	ssub.s32 s11, s9  }
0x140: {  	s11 =	sshrl.u32 s12, $0x4;
	[tilespmem:$0xC9A0] =	vst v17;
	s9 =	sshll.u32 s9, $0x7  }
0x141: {  	s11 =	smul.u32 $0xA3E, s11;
	v17 =	vld.idx.msk [tilespmem:v18+s2+$0x0], $0xffff;
	s8 =	sor.u32 s8, s9  }
0x142: {  	s8 =	sand.u32 $0xF8FF, s8  }
0x143: {  	v18 =	vadd.s32 s8, v0;
	s8 =	sshrl.u32 s11, $0x10  }
0x144: {  	s9 =	smul.u32 $0x190, s8  }
0x145: {  	s11 =	sor.u32 $0xE0, s7  }
0x146: {  	s12 =	sand.u32 $0xFFE0, s11;
	v17 =	vadd.s32 v1, v17;
	s9 =	ssub.s32 s10, s9  }
0x147: {  	s10 =	sshrl.u32 s12, $0x4;
	[tilespmem:$0xC9B0] =	vst v17;
	s9 =	sshll.u32 s9, $0x7  }
0x148: {  	s10 =	smul.u32 $0xA3E, s10;
	s8 =	sor.u32 s8, s9;
	v17 =	vld.idx.msk [tilespmem:v18+s2+$0x0], $0xffff  }
0x149: {  	s8 =	sand.u32 $0xF8FF, s8  }
0x14a: {  	v18 =	vadd.s32 s8, v0;
	s8 =	sshrl.u32 s10, $0x10  }
0x14b: {  	s9 =	smul.u32 $0x190, s8  }
0x14c: {  	s7 =	sor.u32 $0xF0, s7  }
0x14d: {  	s12 =	sand.u32 $0xFFF0, s7;
	v17 =	vadd.s32 v1, v17;
	s9 =	ssub.s32 s11, s9  }
0x14e: {  	s10 =	sshrl.u32 s12, $0x4;
	[tilespmem:$0xC9C0] =	vst v17;
	s9 =	sshll.u32 s9, $0x7  }
0x14f: {  	s10 =	smul.u32 $0xA3E, s10;
	v17 =	vld.idx.msk [tilespmem:v18+s2+$0x0], $0xffff;
	s8 =	sor.u32 s8, s9  }
0x150: {  	s8 =	sand.u32 $0xF8FF, s8  }
0x151: {  	s11 =	sshrl.u32 s10, $0x10;
	v18 =	vadd.s32 s8, v0  }
0x152: {  	s9 =	smul.u32 $0x190, s11;
	_ =	sdelay $0x1  }
0x153: {  	s7 =	ssub.s32 s7, s9;
	v17 =	vadd.s32 v1, v17  }
0x154: {  	s7 =	sshll.u32 s7, $0x7;
	[tilespmem:$0xC9D0] =	vst v17  }
0x155: {  	s7 =	sor.u32 s11, s7;
	v17 =	vld.idx.msk [tilespmem:v18+s2+$0x0], $0xffff  }
0x156: {  	s7 =	sand.u32 $0xF8FF, s7  }
0x157: {  	v18 =	vadd.s32 s7, v0;
	_ =	sdelay $0x2  }
0x158: {  	v17 =	vadd.s32 v1, v17  }
0x159: {  	[tilespmem:$0xC9E0] =	vst v17  }
0x15a: {  	v17 =	vld.idx.msk [tilespmem:v18+s2+$0x0], $0xffff;
	_ =	sdelay $0x4  }
0x15b: {  	v17 =	vadd.s32 v1, v17  }
0x15c: {  	[tilespmem:$0xC9F0] =	vst v17  }
0x15d: {  	[tilespmem:s0], [sflag:$0x2] =	stream.indirect.gather [spmem:s1], $0x80, s31, s25, $0xb8;
	[tilespmem:$0x1D200] =	vst v63  }
0x15e: {  	_ = 	snop  }
0x15f: {  	[tilespmem:s18], [sflag:$0x2] =	stream.indirect.gather [spmem:s1], $0x80, s17, s25, $0xb8;
	[tilespmem:$0x1D200] =	vst v63  }
0x160: {  	_ =	swait.ge [sflag:s19], $0x8000  }
0x161: {  	p1 =	seq.s32 s3, $0xC6000;
	[sflag:s19] =	ssyncset.done $0x0  }
.Ltmp5:
0x162: {  	s12 =	sadd.s32 s3, s14;
	[sflag:s19] =	ssyncadd.s32 $0xFFFF8000;
	(pc) =	sbr.rel @p1 .LBB2_6-.Ltmp5, $4  }
0x163: {  	[hbm4b:s12+s2] =	stream.linear.scatter [tilespmem:s28], [sflag:$0x3], $0x8000, $0x38;
	[tilespmem:$0x1D200] =	vst v63  }
0x164: {  	_ =	swait.ge [sflag:s20], $0x8000  }
0x165: {  	[sflag:s20] =	ssyncset.done $0x0  }
0x166: {  	[sflag:s20] =	ssyncadd.s32 $0xFFFF8000  }
0x167: {  	s7 =	sshll.u32 s6, $0x9  }
0x168: {  	s8 =	sadd.s32 $0x200, s7  }
0x169: {  	s9 =	sand.u32 $0xFE00, s8  }
0x16a: {  	s9 =	sshrl.u32 s9, $0x4  }
0x16b: {  	s9 =	smul.u32 $0xA3E, s9;
	_ =	sdelay $0x1  }
0x16c: {  	s9 =	sshrl.u32 s9, $0x10  }
0x16d: {  	s10 =	smul.u32 $0x190, s9  }
0x16e: {  	s11 =	sadd.s32 $0x210, s7  }
0x16f: {  	s12 =	sand.u32 $0xFE10, s11;
	s8 =	ssub.s32 s8, s10  }
0x170: {  	s10 =	sshrl.u32 s12, $0x4;
	s8 =	sshll.u32 s8, $0x7  }
0x171: {  	s10 =	smul.u32 $0xA3E, s10;
	s8 =	sor.u32 s9, s8  }
0x172: {  	s8 =	sand.u32 $0xF8FF, s8  }
0x173: {  	s11 =	sshrl.u32 s10, $0x10;
	v17 =	vadd.s32 s8, v0  }
0x174: {  	s9 =	smul.u32 $0x190, s11  }
0x175: {  	s12 =	sadd.s32 $0x220, s7  }
0x176: {  	s10 =	sand.u32 $0xFE20, s12;
	s9 =	ssub.s32 $0x10, s9  }
0x177: {  	s10 =	sshrl.u32 s10, $0x4;
	s9 =	sshll.u32 s9, $0x7  }
0x178: {  	s10 =	smul.u32 $0xA3E, s10;
	s8 =	sor.u32 s11, s9;
	v17 =	vld.idx.msk [tilespmem:v17+s2+$0x0], $0xffff  }
0x179: {  	s8 =	sand.u32 $0xF8FF, s8  }
0x17a: {  	s11 =	sshrl.u32 s10, $0x10;
	v18 =	vadd.s32 s8, v0  }
0x17b: {  	s9 =	smul.u32 $0x190, s11  }
0x17c: {  	s12 =	sadd.s32 $0x230, s7  }
0x17d: {  	s10 =	sand.u32 $0xFE30, s12;
	s9 =	ssub.s32 $0x20, s9;
	v17 =	vadd.s32 v1, v17  }
0x17e: {  	s10 =	sshrl.u32 s10, $0x4;
	s9 =	sshll.u32 s9, $0x7;
	[tilespmem:$0xC800] =	vst v17  }
0x17f: {  	s10 =	smul.u32 $0xA3E, s10;
	s8 =	sor.u32 s11, s9;
	v17 =	vld.idx.msk [tilespmem:v18+s2+$0x0], $0xffff  }
0x180: {  	s8 =	sand.u32 $0xF8FF, s8  }
0x181: {  	s11 =	sshrl.u32 s10, $0x10;
	v18 =	vadd.s32 s8, v0  }
0x182: {  	s9 =	smul.u32 $0x190, s11  }
0x183: {  	s12 =	sadd.s32 $0x240, s7  }
0x184: {  	s10 =	sand.u32 $0xFE40, s12;
	s9 =	ssub.s32 $0x30, s9;
	v17 =	vadd.s32 v1, v17  }
0x185: {  	s10 =	sshrl.u32 s10, $0x4;
	s9 =	sshll.u32 s9, $0x7;
	[tilespmem:$0xC810] =	vst v17  }
0x186: {  	s10 =	smul.u32 $0xA3E, s10;
	s8 =	sor.u32 s11, s9;
	v17 =	vld.idx.msk [tilespmem:v18+s2+$0x0], $0xffff  }
0x187: {  	s8 =	sand.u32 $0xF8FF, s8  }
0x188: {  	s11 =	sshrl.u32 s10, $0x10;
	v18 =	vadd.s32 s8, v0  }
0x189: {  	s9 =	smul.u32 $0x190, s11  }
0x18a: {  	s12 =	sadd.s32 $0x250, s7  }
0x18b: {  	s10 =	sand.u32 $0xFE50, s12;
	s9 =	ssub.s32 $0x40, s9;
	v17 =	vadd.s32 v1, v17  }
0x18c: {  	s10 =	sshrl.u32 s10, $0x4;
	s9 =	sshll.u32 s9, $0x7;
	[tilespmem:$0xC820] =	vst v17  }
0x18d: {  	s10 =	smul.u32 $0xA3E, s10;
	s8 =	sor.u32 s11, s9;
	v17 =	vld.idx.msk [tilespmem:v18+s2+$0x0], $0xffff  }
0x18e: {  	s8 =	sand.u32 $0xF8FF, s8  }
0x18f: {  	s11 =	sshrl.u32 s10, $0x10;
	v18 =	vadd.s32 s8, v0  }
0x190: {  	s9 =	smul.u32 $0x190, s11  }
0x191: {  	s12 =	sadd.s32 $0x260, s7  }
0x192: {  	s10 =	sand.u32 $0xFE60, s12;
	s9 =	ssub.s32 $0x50, s9;
	v17 =	vadd.s32 v1, v17  }
0x193: {  	s10 =	sshrl.u32 s10, $0x4;
	s9 =	sshll.u32 s9, $0x7;
	[tilespmem:$0xC830] =	vst v17  }
0x194: {  	s10 =	smul.u32 $0xA3E, s10;
	s8 =	sor.u32 s11, s9;
	v17 =	vld.idx.msk [tilespmem:v18+s2+$0x0], $0xffff  }
0x195: {  	s8 =	sand.u32 $0xF8FF, s8  }
0x196: {  	s11 =	sshrl.u32 s10, $0x10;
	v18 =	vadd.s32 s8, v0  }
0x197: {  	s9 =	smul.u32 $0x190, s11  }
0x198: {  	s12 =	sadd.s32 $0x270, s7  }
0x199: {  	s10 =	sand.u32 $0xFE70, s12;
	s9 =	ssub.s32 $0x60, s9;
	v17 =	vadd.s32 v1, v17  }
0x19a: {  	s10 =	sshrl.u32 s10, $0x4;
	s9 =	sshll.u32 s9, $0x7;
	[tilespmem:$0xC840] =	vst v17  }
0x19b: {  	s10 =	smul.u32 $0xA3E, s10;
	s8 =	sor.u32 s11, s9;
	v17 =	vld.idx.msk [tilespmem:v18+s2+$0x0], $0xffff  }
0x19c: {  	s8 =	sand.u32 $0xF8FF, s8  }
0x19d: {  	s11 =	sshrl.u32 s10, $0x10;
	v18 =	vadd.s32 s8, v0  }
0x19e: {  	s9 =	smul.u32 $0x190, s11  }
0x19f: {  	s12 =	sadd.s32 $0x280, s7  }
0x1a0: {  	s10 =	sand.u32 $0xFE80, s12;
	s9 =	ssub.s32 $0x70, s9;
	v17 =	vadd.s32 v1, v17  }
0x1a1: {  	s10 =	sshrl.u32 s10, $0x4;
	s9 =	sshll.u32 s9, $0x7;
	[tilespmem:$0xC850] =	vst v17  }
0x1a2: {  	s10 =	smul.u32 $0xA3E, s10;
	s8 =	sor.u32 s11, s9;
	v17 =	vld.idx.msk [tilespmem:v18+s2+$0x0], $0xffff  }
0x1a3: {  	s8 =	sand.u32 $0xF8FF, s8  }
0x1a4: {  	s11 =	sshrl.u32 s10, $0x10;
	v18 =	vadd.s32 s8, v0  }
0x1a5: {  	s9 =	smul.u32 $0x190, s11  }
0x1a6: {  	s12 =	sadd.s32 $0x290, s7  }
0x1a7: {  	s10 =	sand.u32 $0xFE90, s12;
	s9 =	ssub.s32 $0x80, s9;
	v17 =	vadd.s32 v1, v17  }
0x1a8: {  	s10 =	sshrl.u32 s10, $0x4;
	s9 =	sshll.u32 s9, $0x7;
	[tilespmem:$0xC860] =	vst v17  }
0x1a9: {  	s10 =	smul.u32 $0xA3E, s10;
	s8 =	sor.u32 s11, s9;
	v17 =	vld.idx.msk [tilespmem:v18+s2+$0x0], $0xffff  }
0x1aa: {  	s8 =	sand.u32 $0xF8FF, s8  }
0x1ab: {  	s11 =	sshrl.u32 s10, $0x10;
	v18 =	vadd.s32 s8, v0  }
0x1ac: {  	s9 =	smul.u32 $0x190, s11  }
0x1ad: {  	s12 =	sadd.s32 $0x2A0, s7  }
0x1ae: {  	s10 =	sand.u32 $0xFEA0, s12;
	s9 =	ssub.s32 $0x90, s9;
	v17 =	vadd.s32 v1, v17  }
0x1af: {  	s10 =	sshrl.u32 s10, $0x4;
	s9 =	sshll.u32 s9, $0x7;
	[tilespmem:$0xC870] =	vst v17  }
0x1b0: {  	s10 =	smul.u32 $0xA3E, s10;
	s8 =	sor.u32 s11, s9;
	v17 =	vld.idx.msk [tilespmem:v18+s2+$0x0], $0xffff  }
0x1b1: {  	s8 =	sand.u32 $0xF8FF, s8  }
0x1b2: {  	s11 =	sshrl.u32 s10, $0x10;
	v18 =	vadd.s32 s8, v0  }
0x1b3: {  	s9 =	smul.u32 $0x190, s11  }
0x1b4: {  	s12 =	sadd.s32 $0x2B0, s7  }
0x1b5: {  	s10 =	sand.u32 $0xFEB0, s12;
	s9 =	ssub.s32 $0xA0, s9;
	v17 =	vadd.s32 v1, v17  }
0x1b6: {  	s10 =	sshrl.u32 s10, $0x4;
	s9 =	sshll.u32 s9, $0x7;
	[tilespmem:$0xC900] =	vst v17  }
0x1b7: {  	s10 =	smul.u32 $0xA3E, s10;
	s8 =	sor.u32 s11, s9;
	v17 =	vld.idx.msk [tilespmem:v18+s2+$0x0], $0xffff  }
0x1b8: {  	s8 =	sand.u32 $0xF8FF, s8  }
0x1b9: {  	s11 =	sshrl.u32 s10, $0x10;
	v18 =	vadd.s32 s8, v0  }
0x1ba: {  	s9 =	smul.u32 $0x190, s11  }
0x1bb: {  	s12 =	sadd.s32 $0x2C0, s7  }
0x1bc: {  	s10 =	sand.u32 $0xFEC0, s12;
	s9 =	ssub.s32 $0xB0, s9;
	v17 =	vadd.s32 v1, v17  }
0x1bd: {  	s10 =	sshrl.u32 s10, $0x4;
	s9 =	sshll.u32 s9, $0x7;
	[tilespmem:$0xC910] =	vst v17  }
0x1be: {  	s10 =	smul.u32 $0xA3E, s10;
	s8 =	sor.u32 s11, s9;
	v17 =	vld.idx.msk [tilespmem:v18+s2+$0x0], $0xffff  }
0x1bf: {  	s8 =	sand.u32 $0xF8FF, s8  }
0x1c0: {  	s11 =	sshrl.u32 s10, $0x10;
	v18 =	vadd.s32 s8, v0  }
0x1c1: {  	s9 =	smul.u32 $0x190, s11  }
0x1c2: {  	s12 =	sadd.s32 $0x2D0, s7  }
0x1c3: {  	s10 =	sand.u32 $0xFED0, s12;
	s9 =	ssub.s32 $0xC0, s9;
	v17 =	vadd.s32 v1, v17  }
0x1c4: {  	s10 =	sshrl.u32 s10, $0x4;
	s9 =	sshll.u32 s9, $0x7;
	[tilespmem:$0xC920] =	vst v17  }
0x1c5: {  	s10 =	smul.u32 $0xA3E, s10;
	s8 =	sor.u32 s11, s9;
	v17 =	vld.idx.msk [tilespmem:v18+s2+$0x0], $0xffff  }
0x1c6: {  	s8 =	sand.u32 $0xF8FF, s8  }
0x1c7: {  	s11 =	sshrl.u32 s10, $0x10;
	v18 =	vadd.s32 s8, v0  }
0x1c8: {  	s9 =	smul.u32 $0x190, s11  }
0x1c9: {  	s12 =	sadd.s32 $0x2E0, s7  }
0x1ca: {  	s10 =	sand.u32 $0xFEE0, s12;
	s9 =	ssub.s32 $0xD0, s9;
	v17 =	vadd.s32 v1, v17  }
0x1cb: {  	s10 =	sshrl.u32 s10, $0x4;
	s9 =	sshll.u32 s9, $0x7;
	[tilespmem:$0xC930] =	vst v17  }
0x1cc: {  	s10 =	smul.u32 $0xA3E, s10;
	s8 =	sor.u32 s11, s9;
	v17 =	vld.idx.msk [tilespmem:v18+s2+$0x0], $0xffff  }
0x1cd: {  	s8 =	sand.u32 $0xF8FF, s8  }
0x1ce: {  	s11 =	sshrl.u32 s10, $0x10;
	v18 =	vadd.s32 s8, v0  }
0x1cf: {  	s9 =	smul.u32 $0x190, s11  }
0x1d0: {  	s7 =	sadd.s32 $0x2F0, s7  }
0x1d1: {  	s7 =	sand.u32 $0xFEF0, s7;
	s9 =	ssub.s32 $0xE0, s9;
	v17 =	vadd.s32 v1, v17  }
0x1d2: {  	s7 =	sshrl.u32 s7, $0x4;
	s9 =	sshll.u32 s9, $0x7;
	[tilespmem:$0xC940] =	vst v17  }
0x1d3: {  	s7 =	smul.u32 $0xA3E, s7;
	s8 =	sor.u32 s11, s9;
	v17 =	vld.idx.msk [tilespmem:v18+s2+$0x0], $0xffff  }
0x1d4: {  	s8 =	sand.u32 $0xF8FF, s8  }
0x1d5: {  	s7 =	sshrl.u32 s7, $0x10;
	v18 =	vadd.s32 s8, v0  }
0x1d6: {  	s12 =	smul.u32 $0x190, s7;
	_ =	sdelay $0x1  }
0x1d7: {  	s8 =	ssub.s32 $0xF0, s12;
	v17 =	vadd.s32 v1, v17  }
0x1d8: {  	s8 =	sshll.u32 s8, $0x7;
	[tilespmem:$0xC950] =	vst v17  }
0x1d9: {  	s7 =	sor.u32 s7, s8;
	v17 =	vld.idx.msk [tilespmem:v18+s2+$0x0], $0xffff  }
0x1da: {  	s7 =	sand.u32 $0xF8FF, s7  }
0x1db: {  	v18 =	vadd.s32 s7, v0;
	_ =	sdelay $0x2  }
0x1dc: {  	v17 =	vadd.s32 v1, v17  }
0x1dd: {  	[tilespmem:$0xC960] =	vst v17  }
0x1de: {  	v17 =	vld.idx.msk [tilespmem:v18+s2+$0x0], $0xffff;
	_ =	sdelay $0x4  }
.Ltmp6:
0x1df: {  	v17 =	vadd.s32 v1, v17;
	(pc) =	sbr.rel .LBB2_6-.Ltmp6, $4  }
0x1e0: {  	[tilespmem:$0xC970] =	vst v17  }
0x1e1: {  	[tilespmem:s28], [sflag:$0x1] =	stream.indirect.gather [spmem:s1], $0x80, s26, s25, $0xb8;
	[tilespmem:$0x1D200] =	vst v63  }
0x1e2: {  	_ = 	snop  }
0x1e3: {  	[tilespmem:s30], [sflag:$0x1] =	stream.indirect.gather [spmem:s1], $0x80, s29, s25, $0xb8;
	[tilespmem:$0x1D200] =	vst v63  }
.LBB2_8:
0x1e4: {  	_ =	sfence.sel $0x180000  }
0x1e5: {  	[bflag:$0x0] =	sbarrier.arrive $0xFFFF  }
0x1e6: {  	_ =	strace $0x90000047  }
0x1e7: {  	[bflag:$0x2] =	sbarrier.arrive $0xFFFF  }
0x1e8: {  	s0 =	rddreg [dreg:$0x4]  }
0x1e9: {  	s0 =	sadd.s32 @!p0 $0x100000, s0  }
0x1ea: {  	[sflag:s0] =	ssyncadd.tile.s32 @!p0 $0x1;
	_ =	shalt  }
.Lfunc_end2:
_tile_overlayer_lowered:
.L_overlay_start_2:
0x1eb: {  	(tag) =	ssettag $0x2  }
0x1ec: {  	s0 =	rddreg [dreg:$0x0];
	s2 =	stileid.u32  }
0x1ed: {  	s1 =	rddreg [dreg:$0x1];
	p0 =	sne.s32 s2, $0x0  }
0x1ee: {  	s3 =	rddreg [dreg:$0x2];
	[bflag:$0x3] =	sbarrier.arrive $0xFFFF;
	s2 =	simm.s32 @!p0 $0x1C07  }
0x1ef: {  	[timem:s3], [sflag:s2] =	dma.local @!p0 [hbm:s0], s1  }
0x1f0: {  	s0 =	simm.s32 @!p0 $0x7  }
0x1f1: {  	_ =	swait.ge @!p0 [sflag:s0], s1  }
0x1f2: {  	s1 =	ssub.s32 @!p0 $0x0, s1;
	[sflag:s0] =	ssyncset.done @!p0 $0x0  }
0x1f3: {  	[sflag:s0] =	ssyncadd.s32 @!p0 s1  }
0x1f4: {  	[bflag:$0x3] =	sbarrier.arrive $0xFFFF  }
0x1f5: {  	_ =	shalt  }

</sc_bundles>
